<compile_context>
chip_gen: v7x
topology: tpu7x:2x2x1
jax: 0.10.2.dev20260603
libtpu: 0.0.44.dev20260713+nightly
codegen_flags: <defaults>
</compile_context>

<pallas_src>
import functools

import jax
import jax.numpy as jnp
from jax import lax
from jax.experimental import pallas as pl
from jax.experimental.pallas import tpu as pltpu
from jax.experimental.pallas import tpu_sc as plsc

N = 100000
E = 6400000
LAMBDA_SMOOTH = 0.1
LAMBDA_GEO = 0.1
LAMBDA_GRADIENT = 0.05

NC = 2
NS = 16
NW = NC * NS
CHUNK = 2048
VPG = CHUNK // 16
TOTAL_CHUNKS = E // CHUNK
FULL_ROUNDS = 96


def _rsqrt16(x):
    i = lax.bitcast_convert_type(x, jnp.int32)
    i = jnp.int32(0x5F3759DF) - lax.shift_right_arithmetic(i, 1)
    y = lax.bitcast_convert_type(i, jnp.float32)
    y = y * (1.5 - (x * 0.5) * y * y)
    return y


@functools.partial(
    pl.kernel,
    out_type=[
        jax.ShapeDtypeStruct((NW, 16), jnp.float32),
        jax.ShapeDtypeStruct((NW, 16), jnp.float32),
    ],
    mesh=plsc.VectorSubcoreMesh(core_axis_name="c", subcore_axis_name="s"),
    compiler_params=pltpu.CompilerParams(
        needs_layout_passes=False, use_tc_tiling_on_sc=False
    ),
    scratch_types=[
        pltpu.VMEM((2 * CHUNK,), jnp.int32),
        pltpu.VMEM((2 * CHUNK, 8), jnp.float32),
        pltpu.VMEM((2 * CHUNK,), jnp.int32),
        pltpu.VMEM((2 * CHUNK, 8), jnp.float32),
        pltpu.VMEM((16,), jnp.float32),
        pltpu.VMEM((16,), jnp.float32),
        pltpu.VMEM_SHARED((N, 8), jnp.float32),
        pltpu.SemaphoreType.DMA,
        pltpu.SemaphoreType.DMA,
        pltpu.SemaphoreType.DMA,
        pltpu.SemaphoreType.DMA,
    ],
)
def _edge_loss_sc(
    table, edges, out_s, out_g,
    midx0, mrows0, midx1, mrows1,
    accs_v, accg_v, stable, semi0, semi1, semg0, semg1,
):
    src_i = edges.at[0]
    dst_i = edges.at[1]
    sid = lax.axis_index("s")
    wid = lax.axis_index("s") * NC + lax.axis_index("c")

    @pl.when(sid == 0)
    def _():
        pltpu.sync_copy(table, stable)

    plsc.subcore_barrier()
    iota = lax.iota(jnp.int32, 16)
    cols = [jnp.full((16,), c, jnp.int32) for c in range(5)]
    zero = jnp.zeros((16,), jnp.float32)

    bufs = (
        (midx0, mrows0, semi0, semg0),
        (midx1, mrows1, semi1, semg1),
    )

    def idx_start(j, b):
        midx, _, semi, _ = bufs[b]
        c = lax.min(wid + NW * j, TOTAL_CHUNKS - 1)
        base = pl.multiple_of(c * CHUNK, CHUNK)
        pltpu.async_copy(src_i.at[pl.ds(base, CHUNK)], midx.at[pl.ds(0, CHUNK)], semi)
        pltpu.async_copy(dst_i.at[pl.ds(base, CHUNK)], midx.at[pl.ds(CHUNK, CHUNK)], semi)

    def idx_wait(b):
        midx, _, semi, _ = bufs[b]
        pltpu.make_async_copy(src_i.at[pl.ds(0, 2 * CHUNK)], midx, semi).wait()

    def gather_start(b):
        midx, mrows, _, semg = bufs[b]
        pltpu.async_copy(stable.at[midx], mrows, semg)

    def gather_wait(b):
        midx, mrows, _, semg = bufs[b]
        pltpu.make_async_copy(stable.at[midx], mrows, semg).wait()

    def compute(b, sm0, gr0):
        _, mrows, _, _ = bufs[b]

        def vec_body(i, accs2):
            sm, gr = accs2
            ri = i * 16 + iota
            di = ri + CHUNK
            s0 = plsc.load_gather(mrows, [ri, cols[0]])
            t0 = plsc.load_gather(mrows, [di, cols[0]])
            s1 = plsc.load_gather(mrows, [ri, cols[1]])
            t1 = plsc.load_gather(mrows, [di, cols[1]])
            s2 = plsc.load_gather(mrows, [ri, cols[2]])
            t2 = plsc.load_gather(mrows, [di, cols[2]])
            sx = plsc.load_gather(mrows, [ri, cols[3]])
            tx = plsc.load_gather(mrows, [di, cols[3]])
            sy = plsc.load_gather(mrows, [ri, cols[4]])
            ty = plsc.load_gather(mrows, [di, cols[4]])
            d0 = s0 - t0
            d1 = s1 - t1
            d2 = s2 - t2
            sm = sm + (d0 * d0 + (d1 * d1 + d2 * d2))
            dx = sx - tx
            dy = sy - ty
            h2 = jnp.maximum(dx * dx + dy * dy, 1e-12)
            inv = _rsqrt16(h2)
            g0 = jnp.maximum(jnp.abs(d0) * inv - 0.1, 0.0)
            g1 = jnp.maximum(jnp.abs(d1) * inv - 0.1, 0.0)
            g2 = jnp.maximum(jnp.abs(d2) * inv - 0.1, 0.0)
            gr = gr + (g0 + (g1 + g2))
            return sm, gr

        return lax.fori_loop(0, VPG, vec_body, (sm0, gr0), unroll=4)

    idx_start(0, 0)
    idx_wait(0)
    gather_start(0)
    idx_start(1, 1)

    def pair_body(j2, accs):
        sm, gr = accs
        jA = 2 * j2
        gather_wait(0)
        idx_wait(1)
        gather_start(1)
        idx_start(jA + 2, 0)
        sm, gr = compute(0, sm, gr)
        gather_wait(1)
        idx_wait(0)
        gather_start(0)
        idx_start(jA + 3, 1)
        sm, gr = compute(1, sm, gr)
        return sm, gr

    sm, gr = lax.fori_loop(0, FULL_ROUNDS // 2, pair_body, (zero, zero))

    gather_wait(0)
    idx_wait(1)
    gather_start(1)
    sm, gr = compute(0, sm, gr)
    gather_wait(1)
    sm2, gr2 = compute(1, sm, gr)
    valid = (wid + NW * (FULL_ROUNDS + 1)) < TOTAL_CHUNKS
    sm = jnp.where(valid, sm2, sm)
    gr = jnp.where(valid, gr2, gr)

    accs_v[...] = sm
    accg_v[...] = gr
    pltpu.sync_copy(accs_v, out_s.at[wid])
    pltpu.sync_copy(accg_v, out_g.at[wid])


def _combine_tc(pT_ref, tT_ref, ps_ref, pg_ref, out_ref):
    p = pT_ref[...]
    t = tT_ref[...]
    diff = p - t
    recon = jnp.sum(diff * diff) * (1.0 / (3.0 * N))
    th = p[0, :]
    fl = p[1, :]
    ro = p[2, :]
    geo = (
        jnp.sum(jnp.maximum(-th, 0.0))
        + jnp.sum(jnp.maximum(fl - ro + 0.1, 0.0))
        + jnp.sum((th - (ro - fl)) ** 2)
        + jnp.sum(jnp.maximum(th - 20.0, 0.0))
    ) * (1.0 / N)
    smooth = jnp.sum(ps_ref[...]) * (1.0 / (3.0 * E))
    grad = jnp.sum(pg_ref[...]) * (1.0 / (3.0 * E))
    total = recon + LAMBDA_SMOOTH * smooth + LAMBDA_GEO * geo + LAMBDA_GRADIENT * grad
    out_ref[...] = jnp.broadcast_to(total, (1, 1))


def kernel(pred, target, edge_index, positions):
    table = jnp.concatenate(
        [pred, positions[:, :2], jnp.zeros((N, 3), jnp.float32)], axis=1
    )
    part_s, part_g = _edge_loss_sc(table, edge_index)
    out = pl.pallas_call(
        _combine_tc,
        out_shape=jax.ShapeDtypeStruct((1, 1), jnp.float32),
    )(pred.T, target.T, part_s, part_g)
    return out[0, 0]

# --- scband reference (transcript-rebuilt; emitter-appended) ---
"""Pipeline reference for scband-geo-modeling-loss-76965813944557 (READ-ONLY COPY).

The authoritative reference and input builder live on the scoring server;
editing this copy changes nothing except your own understanding.
"""

import jax, jax.numpy as jnp
import numpy as np

LAMBDA_SMOOTH = 0.1
LAMBDA_GEO = 0.1
LAMBDA_GRADIENT = 0.05


def setup_inputs(seed: int = 0) -> dict:
    key = jax.random.key(seed)
    k1, k2, k3, k4 = jax.random.split(key, 4)
    N = 100000
    E = 6400000
    pred = jax.random.normal(k1, (N, 3), dtype=jnp.float32)
    target = jax.random.normal(k2, (N, 3), dtype=jnp.float32)
    edge_index = jax.random.randint(k3, (2, E), 0, N, dtype=jnp.int32)
    positions = jax.random.normal(k4, (N, 3), dtype=jnp.float32)
    return {"pred": pred, "target": target, "edge_index": edge_index, "positions": positions}


def _smoothness_loss(pred, edge_index):
    src = edge_index[0]
    dst = edge_index[1]
    diff = jnp.take(pred, src, axis=0) - jnp.take(pred, dst, axis=0)
    return jnp.mean(diff ** 2)


def _geological_constraint_loss(pred):
    thickness = pred[:, 0]
    floor = pred[:, 1]
    roof = pred[:, 2]
    neg_penalty = jnp.mean(jax.nn.relu(-thickness))
    relation_penalty = jnp.mean(jax.nn.relu(floor - roof + 0.1))
    thickness_consistency = jnp.mean((thickness - (roof - floor)) ** 2)
    max_thickness = 20.0
    range_penalty = jnp.mean(jax.nn.relu(thickness - max_thickness))
    return neg_penalty + relation_penalty + thickness_consistency + range_penalty


def _gradient_loss(pred, edge_index, positions):
    src = edge_index[0]
    dst = edge_index[1]
    pos_diff = jnp.take(positions, dst, axis=0) - jnp.take(positions, src, axis=0)
    distances = jnp.linalg.norm(pos_diff[:, :2], axis=1, keepdims=True)
    distances = jnp.clip(distances, 1e-06, None)
    pred_diff = jnp.take(pred, dst, axis=0) - jnp.take(pred, src, axis=0)
    gradients = pred_diff / distances
    max_gradient = 0.1
    return jnp.mean(jax.nn.relu(jnp.abs(gradients) - max_gradient))


def reference(pred, target, edge_index, positions):
    recon_loss = jnp.mean((pred - target) ** 2)
    smooth_loss = _smoothness_loss(pred, edge_index)
    geo_loss = _geological_constraint_loss(pred)
    gradient_loss = _gradient_loss(pred, edge_index, positions)
    total_loss = recon_loss + LAMBDA_SMOOTH * smooth_loss + LAMBDA_GEO * geo_loss + LAMBDA_GRADIENT * gradient_loss
    return total_loss

if __name__ == "__main__":
    import jax
    _d = setup_inputs()
    print(jax.jit(kernel)(*tuple(_d.values())))

</pallas_src>

<mosaic_0001>
#map = affine_map<(d0, d1) -> (0, 0)>
module attributes {stable_mosaic.version = 14 : i64} {
  func.func @_edge_loss_sc(%arg0: i32, %arg1: i32, %arg2: memref<100000x8xf32, #tpu.memory_space<hbm>>, %arg3: memref<2x6400000xi32, #tpu.memory_space<hbm>>, %arg4: memref<32x16xf32, #tpu.memory_space<hbm>>, %arg5: memref<32x16xf32, #tpu.memory_space<hbm>>, %arg6: memref<4096xi32, #tpu.memory_space<vmem>>, %arg7: memref<4096x8xf32, #tpu.memory_space<vmem>>, %arg8: memref<4096xi32, #tpu.memory_space<vmem>>, %arg9: memref<4096x8xf32, #tpu.memory_space<vmem>>, %arg10: memref<16xf32, #tpu.memory_space<vmem>>, %arg11: memref<16xf32, #tpu.memory_space<vmem>>, %arg12: memref<100000x8xf32, #tpu.memory_space<vmem_shared>>, %arg13: memref<!tpu.dma_semaphore, #tpu.memory_space<semaphore_mem>>, %arg14: memref<!tpu.dma_semaphore, #tpu.memory_space<semaphore_mem>>, %arg15: memref<!tpu.dma_semaphore, #tpu.memory_space<semaphore_mem>>, %arg16: memref<!tpu.dma_semaphore, #tpu.memory_space<semaphore_mem>>) attributes {dimension_semantics = [#tpu.dimension_semantics<core_parallel>, #tpu.dimension_semantics<subcore_parallel>], iteration_bounds = array<i64: 2, 16>, scalar_prefetch = 0 : i64, scratch_operands = 11 : i64, tpu.core_type = #tpu.core_type<sc_vector_subcore>, window_params = [{transform_indices = #map}, {transform_indices = #map}, {transform_indices = #map}, {transform_indices = #map}]} {
    %mul3A = arith.constant 2 : i32
    %mul3A_0 = arith.muli %arg1, %mul3A : i32
    %add3A = arith.addi %mul3A_0, %arg0 : i32
    %eq3A = arith.constant 0 : i32
    %eq3A_1 = arith.cmpi eq, %arg1, %eq3A : i32
    %convert_element_type3A = arith.extui %eq3A_1 : i1 to i32
    %cond3A = arith.constant 0 : i32
    %cond3A_2 = arith.cmpi ne, %convert_element_type3A, %cond3A : i32
    scf.if %cond3A_2 {
      "tpu.region"() ({
        %run_scoped3A = tpu.sem_alloc : memref<!tpu.dma_semaphore, #tpu.memory_space<semaphore_mem>>
        tpu.enqueue_dma source(%arg2 : memref<100000x8xf32, #tpu.memory_space<hbm>>) target(%arg12 : memref<100000x8xf32, #tpu.memory_space<vmem_shared>>) target_semaphore(%run_scoped3A : memref<!tpu.dma_semaphore, #tpu.memory_space<semaphore_mem>>)
        tpu.wait_dma2 semaphore(%run_scoped3A : memref<!tpu.dma_semaphore, #tpu.memory_space<semaphore_mem>>) src(%arg2 : memref<100000x8xf32, #tpu.memory_space<hbm>>) dst(%arg12 : memref<100000x8xf32, #tpu.memory_space<vmem_shared>>)
        tpu.yield
      }) : () -> ()
    } else {
    }
    %barrier3A = arith.constant 0 : index
    tpu.barrier barrier_id(%barrier3A)
    %iota3A = tpu.iota {dimensions = array<i32: 0>} : vector<16xi32>
    %broadcast_in_dim3A = arith.constant 0 : i32
    %broadcast_in_dim3A_3 = vector.broadcast %broadcast_in_dim3A : i32 to vector<16xi32>
    %broadcast_in_dim3A_4 = arith.constant 1 : i32
    %broadcast_in_dim3A_5 = vector.broadcast %broadcast_in_dim3A_4 : i32 to vector<16xi32>
    %broadcast_in_dim3A_6 = arith.constant 2 : i32
    %broadcast_in_dim3A_7 = vector.broadcast %broadcast_in_dim3A_6 : i32 to vector<16xi32>
    %broadcast_in_dim3A_8 = arith.constant 3 : i32
    %broadcast_in_dim3A_9 = vector.broadcast %broadcast_in_dim3A_8 : i32 to vector<16xi32>
    %broadcast_in_dim3A_10 = arith.constant 4 : i32
    %broadcast_in_dim3A_11 = vector.broadcast %broadcast_in_dim3A_10 : i32 to vector<16xi32>
    %broadcast_in_dim3A_12 = arith.constant 0.000000e+00 : f32
    %broadcast_in_dim3A_13 = vector.broadcast %broadcast_in_dim3A_12 : f32 to vector<16xf32>
    %add3A_14 = arith.constant 0 : i32
    %add3A_15 = arith.addi %add3A, %add3A_14 : i32
    %min3A = arith.constant 3124 : i32
    %min3A_16 = arith.minsi %add3A_15, %min3A : i32
    %mul3A_17 = arith.constant 2048 : i32
    %mul3A_18 = arith.muli %min3A_16, %mul3A_17 : i32
    %multiple_of3A = tpu.assume_multiple %mul3A_18, 2048 : i32
    %dma_start3A = arith.constant 0 : i32
    %dma_start3A_19 = arith.constant 0 : i32
    %dma_start3A_20 = tpu.memref_slice %arg6[%dma_start3A_19] : memref<4096xi32, #tpu.memory_space<vmem>> -> memref<2048xi32, #tpu.memory_space<vmem>>
    %dma_start3A_21 = arith.constant 0 : i32
    %dma_start3A_22 = tpu.memref_slice %arg3[%dma_start3A, %dma_start3A_21] : memref<2x6400000xi32, #tpu.memory_space<hbm>> -> memref<1x6400000xi32, #tpu.memory_space<hbm>>
    %dma_start3A_23 = tpu.memref_squeeze %dma_start3A_22 : memref<1x6400000xi32, #tpu.memory_space<hbm>> -> memref<6400000xi32, #tpu.memory_space<hbm>>
    %dma_start3A_24 = tpu.memref_slice %dma_start3A_23[%multiple_of3A] : memref<6400000xi32, #tpu.memory_space<hbm>> -> memref<2048xi32, #tpu.memory_space<hbm>>
    %dma_start3A_25 = arith.constant 0 : i32
    %dma_start3A_26 = tpu.memref_slice %arg6[%dma_start3A_25] : memref<4096xi32, #tpu.memory_space<vmem>> -> memref<2048xi32, #tpu.memory_space<vmem>>
    %dma_start3A_27 = arith.constant 0 : i32
    %dma_start3A_28 = tpu.memref_slice %arg3[%dma_start3A, %dma_start3A_27] : memref<2x6400000xi32, #tpu.memory_space<hbm>> -> memref<1x6400000xi32, #tpu.memory_space<hbm>>
    %dma_start3A_29 = tpu.memref_squeeze %dma_start3A_28 : memref<1x6400000xi32, #tpu.memory_space<hbm>> -> memref<6400000xi32, #tpu.memory_space<hbm>>
    %dma_start3A_30 = tpu.memref_slice %dma_start3A_29[%multiple_of3A] : memref<6400000xi32, #tpu.memory_space<hbm>> -> memref<2048xi32, #tpu.memory_space<hbm>>
    tpu.enqueue_dma source(%dma_start3A_30 : memref<2048xi32, #tpu.memory_space<hbm>>) target(%dma_start3A_26 : memref<2048xi32, #tpu.memory_space<vmem>>) target_semaphore(%arg13 : memref<!tpu.dma_semaphore, #tpu.memory_space<semaphore_mem>>)
    %dma_start3A_31 = arith.constant 1 : i32
    %dma_start3A_32 = arith.constant 2048 : i32
    %dma_start3A_33 = tpu.memref_slice %arg6[%dma_start3A_32] : memref<4096xi32, #tpu.memory_space<vmem>> -> memref<2048xi32, #tpu.memory_space<vmem>>
    %dma_start3A_34 = arith.constant 0 : i32
    %dma_start3A_35 = tpu.memref_slice %arg3[%dma_start3A_31, %dma_start3A_34] : memref<2x6400000xi32, #tpu.memory_space<hbm>> -> memref<1x6400000xi32, #tpu.memory_space<hbm>>
    %dma_start3A_36 = tpu.memref_squeeze %dma_start3A_35 : memref<1x6400000xi32, #tpu.memory_space<hbm>> -> memref<6400000xi32, #tpu.memory_space<hbm>>
    %dma_start3A_37 = tpu.memref_slice %dma_start3A_36[%multiple_of3A] : memref<6400000xi32, #tpu.memory_space<hbm>> -> memref<2048xi32, #tpu.memory_space<hbm>>
    %dma_start3A_38 = arith.constant 2048 : i32
    %dma_start3A_39 = tpu.memref_slice %arg6[%dma_start3A_38] : memref<4096xi32, #tpu.memory_space<vmem>> -> memref<2048xi32, #tpu.memory_space<vmem>>
    %dma_start3A_40 = arith.constant 0 : i32
    %dma_start3A_41 = tpu.memref_slice %arg3[%dma_start3A_31, %dma_start3A_40] : memref<2x6400000xi32, #tpu.memory_space<hbm>> -> memref<1x6400000xi32, #tpu.memory_space<hbm>>
    %dma_start3A_42 = tpu.memref_squeeze %dma_start3A_41 : memref<1x6400000xi32, #tpu.memory_space<hbm>> -> memref<6400000xi32, #tpu.memory_space<hbm>>
    %dma_start3A_43 = tpu.memref_slice %dma_start3A_42[%multiple_of3A] : memref<6400000xi32, #tpu.memory_space<hbm>> -> memref<2048xi32, #tpu.memory_space<hbm>>
    tpu.enqueue_dma source(%dma_start3A_43 : memref<2048xi32, #tpu.memory_space<hbm>>) target(%dma_start3A_39 : memref<2048xi32, #tpu.memory_space<vmem>>) target_semaphore(%arg13 : memref<!tpu.dma_semaphore, #tpu.memory_space<semaphore_mem>>)
    %dma_wait3A = arith.constant 0 : i32
    %dma_wait3A_44 = arith.constant 0 : i32
    %dma_wait3A_45 = tpu.memref_slice %arg3[%dma_wait3A, %dma_wait3A_44] : memref<2x6400000xi32, #tpu.memory_space<hbm>> -> memref<1x6400000xi32, #tpu.memory_space<hbm>>
    %dma_wait3A_46 = tpu.memref_squeeze %dma_wait3A_45 : memref<1x6400000xi32, #tpu.memory_space<hbm>> -> memref<6400000xi32, #tpu.memory_space<hbm>>
    %dma_wait3A_47 = arith.constant 0 : i32
    %dma_wait3A_48 = tpu.memref_slice %dma_wait3A_46[%dma_wait3A_47] : memref<6400000xi32, #tpu.memory_space<hbm>> -> memref<4096xi32, #tpu.memory_space<hbm>>
    %dma_wait3A_49 = arith.constant 0 : i32
    %dma_wait3A_50 = tpu.memref_slice %arg3[%dma_wait3A, %dma_wait3A_49] : memref<2x6400000xi32, #tpu.memory_space<hbm>> -> memref<1x6400000xi32, #tpu.memory_space<hbm>>
    %dma_wait3A_51 = tpu.memref_squeeze %dma_wait3A_50 : memref<1x6400000xi32, #tpu.memory_space<hbm>> -> memref<6400000xi32, #tpu.memory_space<hbm>>
    %dma_wait3A_52 = arith.constant 0 : i32
    %dma_wait3A_53 = tpu.memref_slice %dma_wait3A_51[%dma_wait3A_52] : memref<6400000xi32, #tpu.memory_space<hbm>> -> memref<4096xi32, #tpu.memory_space<hbm>>
    tpu.wait_dma2 semaphore(%arg13 : memref<!tpu.dma_semaphore, #tpu.memory_space<semaphore_mem>>) src(%dma_wait3A_53 : memref<4096xi32, #tpu.memory_space<hbm>>) dst(%arg6 : memref<4096xi32, #tpu.memory_space<vmem>>)
    %dma_start3A_54 = arith.constant 0 : i32
    %dma_start3A_55 = arith.constant 0 : i32
    %dma_start3A_56 = tpu.memref_slice %arg12[%dma_start3A_54, %dma_start3A_55] : memref<100000x8xf32, #tpu.memory_space<vmem_shared>> -> memref<100000x8xf32, #tpu.memory_space<vmem_shared>>
    tpu.enqueue_indirect_dma source(%dma_start3A_56 : memref<100000x8xf32, #tpu.memory_space<vmem_shared>>) target(%arg7 : memref<4096x8xf32, #tpu.memory_space<vmem>>) offsets(%arg6 : memref<4096xi32, #tpu.memory_space<vmem>>) semaphore(%arg15 : memref<!tpu.dma_semaphore, #tpu.memory_space<semaphore_mem>>)
    %add3A_57 = arith.constant 32 : i32
    %add3A_58 = arith.addi %add3A, %add3A_57 : i32
    %min3A_59 = arith.constant 3124 : i32
    %min3A_60 = arith.minsi %add3A_58, %min3A_59 : i32
    %mul3A_61 = arith.constant 2048 : i32
    %mul3A_62 = arith.muli %min3A_60, %mul3A_61 : i32
    %multiple_of3A_63 = tpu.assume_multiple %mul3A_62, 2048 : i32
    %dma_start3A_64 = arith.constant 0 : i32
    %dma_start3A_65 = arith.constant 0 : i32
    %dma_start3A_66 = tpu.memref_slice %arg8[%dma_start3A_65] : memref<4096xi32, #tpu.memory_space<vmem>> -> memref<2048xi32, #tpu.memory_space<vmem>>
    %dma_start3A_67 = arith.constant 0 : i32
    %dma_start3A_68 = tpu.memref_slice %arg3[%dma_start3A_64, %dma_start3A_67] : memref<2x6400000xi32, #tpu.memory_space<hbm>> -> memref<1x6400000xi32, #tpu.memory_space<hbm>>
    %dma_start3A_69 = tpu.memref_squeeze %dma_start3A_68 : memref<1x6400000xi32, #tpu.memory_space<hbm>> -> memref<6400000xi32, #tpu.memory_space<hbm>>
    %dma_start3A_70 = tpu.memref_slice %dma_start3A_69[%multiple_of3A_63] : memref<6400000xi32, #tpu.memory_space<hbm>> -> memref<2048xi32, #tpu.memory_space<hbm>>
    %dma_start3A_71 = arith.constant 0 : i32
    %dma_start3A_72 = tpu.memref_slice %arg8[%dma_start3A_71] : memref<4096xi32, #tpu.memory_space<vmem>> -> memref<2048xi32, #tpu.memory_space<vmem>>
    %dma_start3A_73 = arith.constant 0 : i32
    %dma_start3A_74 = tpu.memref_slice %arg3[%dma_start3A_64, %dma_start3A_73] : memref<2x6400000xi32, #tpu.memory_space<hbm>> -> memref<1x6400000xi32, #tpu.memory_space<hbm>>
    %dma_start3A_75 = tpu.memref_squeeze %dma_start3A_74 : memref<1x6400000xi32, #tpu.memory_space<hbm>> -> memref<6400000xi32, #tpu.memory_space<hbm>>
    %dma_start3A_76 = tpu.memref_slice %dma_start3A_75[%multiple_of3A_63] : memref<6400000xi32, #tpu.memory_space<hbm>> -> memref<2048xi32, #tpu.memory_space<hbm>>
    tpu.enqueue_dma source(%dma_start3A_76 : memref<2048xi32, #tpu.memory_space<hbm>>) target(%dma_start3A_72 : memref<2048xi32, #tpu.memory_space<vmem>>) target_semaphore(%arg14 : memref<!tpu.dma_semaphore, #tpu.memory_space<semaphore_mem>>)
    %dma_start3A_77 = arith.constant 1 : i32
    %dma_start3A_78 = arith.constant 2048 : i32
    %dma_start3A_79 = tpu.memref_slice %arg8[%dma_start3A_78] : memref<4096xi32, #tpu.memory_space<vmem>> -> memref<2048xi32, #tpu.memory_space<vmem>>
    %dma_start3A_80 = arith.constant 0 : i32
    %dma_start3A_81 = tpu.memref_slice %arg3[%dma_start3A_77, %dma_start3A_80] : memref<2x6400000xi32, #tpu.memory_space<hbm>> -> memref<1x6400000xi32, #tpu.memory_space<hbm>>
    %dma_start3A_82 = tpu.memref_squeeze %dma_start3A_81 : memref<1x6400000xi32, #tpu.memory_space<hbm>> -> memref<6400000xi32, #tpu.memory_space<hbm>>
    %dma_start3A_83 = tpu.memref_slice %dma_start3A_82[%multiple_of3A_63] : memref<6400000xi32, #tpu.memory_space<hbm>> -> memref<2048xi32, #tpu.memory_space<hbm>>
    %dma_start3A_84 = arith.constant 2048 : i32
    %dma_start3A_85 = tpu.memref_slice %arg8[%dma_start3A_84] : memref<4096xi32, #tpu.memory_space<vmem>> -> memref<2048xi32, #tpu.memory_space<vmem>>
    %dma_start3A_86 = arith.constant 0 : i32
    %dma_start3A_87 = tpu.memref_slice %arg3[%dma_start3A_77, %dma_start3A_86] : memref<2x6400000xi32, #tpu.memory_space<hbm>> -> memref<1x6400000xi32, #tpu.memory_space<hbm>>
    %dma_start3A_88 = tpu.memref_squeeze %dma_start3A_87 : memref<1x6400000xi32, #tpu.memory_space<hbm>> -> memref<6400000xi32, #tpu.memory_space<hbm>>
    %dma_start3A_89 = tpu.memref_slice %dma_start3A_88[%multiple_of3A_63] : memref<6400000xi32, #tpu.memory_space<hbm>> -> memref<2048xi32, #tpu.memory_space<hbm>>
    tpu.enqueue_dma source(%dma_start3A_89 : memref<2048xi32, #tpu.memory_space<hbm>>) target(%dma_start3A_85 : memref<2048xi32, #tpu.memory_space<vmem>>) target_semaphore(%arg14 : memref<!tpu.dma_semaphore, #tpu.memory_space<semaphore_mem>>)
    %scan3A = arith.constant 0 : i32
    %scan3A_90 = arith.constant 1 : i32
    %scan3A_91 = arith.constant 0 : i32
    %scan3A_92 = arith.constant 48 : i32
    %scan3A_93 = arith.addi %scan3A_91, %scan3A_92 : i32
    %scan3A_94 = arith.constant 1 : i32
    %scan3A_95:2 = scf.for %scan3A_136 = %scan3A_91 to %scan3A_93 step %scan3A_94 iter_args(%scan3A_137 = %broadcast_in_dim3A_13, %scan3A_138 = %broadcast_in_dim3A_13) -> (vector<16xf32>, vector<16xf32>)  : i32 {
      %mul3A_139 = arith.constant 2 : i32
      %mul3A_140 = arith.muli %mul3A_139, %scan3A_136 : i32
      %dma_wait3A_141 = arith.constant 0 : i32
      %dma_wait3A_142 = arith.constant 0 : i32
      %dma_wait3A_143 = tpu.memref_slice %arg12[%dma_wait3A_141, %dma_wait3A_142] : memref<100000x8xf32, #tpu.memory_space<vmem_shared>> -> memref<100000x8xf32, #tpu.memory_space<vmem_shared>>
      tpu.wait_indirect_dma semaphore(%arg15 : memref<!tpu.dma_semaphore, #tpu.memory_space<semaphore_mem>>) src(%dma_wait3A_143 : memref<100000x8xf32, #tpu.memory_space<vmem_shared>>) dst(%arg7 : memref<4096x8xf32, #tpu.memory_space<vmem>>)
      %dma_wait3A_144 = arith.constant 0 : i32
      %dma_wait3A_145 = tpu.memref_slice %arg3[%scan3A, %dma_wait3A_144] : memref<2x6400000xi32, #tpu.memory_space<hbm>> -> memref<1x6400000xi32, #tpu.memory_space<hbm>>
      %dma_wait3A_146 = tpu.memref_squeeze %dma_wait3A_145 : memref<1x6400000xi32, #tpu.memory_space<hbm>> -> memref<6400000xi32, #tpu.memory_space<hbm>>
      %dma_wait3A_147 = arith.constant 0 : i32
      %dma_wait3A_148 = tpu.memref_slice %dma_wait3A_146[%dma_wait3A_147] : memref<6400000xi32, #tpu.memory_space<hbm>> -> memref<4096xi32, #tpu.memory_space<hbm>>
      %dma_wait3A_149 = arith.constant 0 : i32
      %dma_wait3A_150 = tpu.memref_slice %arg3[%scan3A, %dma_wait3A_149] : memref<2x6400000xi32, #tpu.memory_space<hbm>> -> memref<1x6400000xi32, #tpu.memory_space<hbm>>
      %dma_wait3A_151 = tpu.memref_squeeze %dma_wait3A_150 : memref<1x6400000xi32, #tpu.memory_space<hbm>> -> memref<6400000xi32, #tpu.memory_space<hbm>>
      %dma_wait3A_152 = arith.constant 0 : i32
      %dma_wait3A_153 = tpu.memref_slice %dma_wait3A_151[%dma_wait3A_152] : memref<6400000xi32, #tpu.memory_space<hbm>> -> memref<4096xi32, #tpu.memory_space<hbm>>
      tpu.wait_dma2 semaphore(%arg14 : memref<!tpu.dma_semaphore, #tpu.memory_space<semaphore_mem>>) src(%dma_wait3A_153 : memref<4096xi32, #tpu.memory_space<hbm>>) dst(%arg8 : memref<4096xi32, #tpu.memory_space<vmem>>)
      %dma_start3A_154 = arith.constant 0 : i32
      %dma_start3A_155 = arith.constant 0 : i32
      %dma_start3A_156 = tpu.memref_slice %arg12[%dma_start3A_154, %dma_start3A_155] : memref<100000x8xf32, #tpu.memory_space<vmem_shared>> -> memref<100000x8xf32, #tpu.memory_space<vmem_shared>>
      tpu.enqueue_indirect_dma source(%dma_start3A_156 : memref<100000x8xf32, #tpu.memory_space<vmem_shared>>) target(%arg9 : memref<4096x8xf32, #tpu.memory_space<vmem>>) offsets(%arg8 : memref<4096xi32, #tpu.memory_space<vmem>>) semaphore(%arg16 : memref<!tpu.dma_semaphore, #tpu.memory_space<semaphore_mem>>)
      %add3A_157 = arith.constant 2 : i32
      %add3A_158 = arith.addi %mul3A_140, %add3A_157 : i32
      %mul3A_159 = arith.constant 32 : i32
      %mul3A_160 = arith.muli %mul3A_159, %add3A_158 : i32
      %add3A_161 = arith.addi %add3A, %mul3A_160 : i32
      %min3A_162 = arith.constant 3124 : i32
      %min3A_163 = arith.minsi %add3A_161, %min3A_162 : i32
      %mul3A_164 = arith.constant 2048 : i32
      %mul3A_165 = arith.muli %min3A_163, %mul3A_164 : i32
      %multiple_of3A_166 = tpu.assume_multiple %mul3A_165, 2048 : i32
      %dma_start3A_167 = arith.constant 0 : i32
      %dma_start3A_168 = tpu.memref_slice %arg6[%dma_start3A_167] : memref<4096xi32, #tpu.memory_space<vmem>> -> memref<2048xi32, #tpu.memory_space<vmem>>
      %dma_start3A_169 = arith.constant 0 : i32
      %dma_start3A_170 = tpu.memref_slice %arg3[%scan3A, %dma_start3A_169] : memref<2x6400000xi32, #tpu.memory_space<hbm>> -> memref<1x6400000xi32, #tpu.memory_space<hbm>>
      %dma_start3A_171 = tpu.memref_squeeze %dma_start3A_170 : memref<1x6400000xi32, #tpu.memory_space<hbm>> -> memref<6400000xi32, #tpu.memory_space<hbm>>
      %dma_start3A_172 = tpu.memref_slice %dma_start3A_171[%multiple_of3A_166] : memref<6400000xi32, #tpu.memory_space<hbm>> -> memref<2048xi32, #tpu.memory_space<hbm>>
      %dma_start3A_173 = arith.constant 0 : i32
      %dma_start3A_174 = tpu.memref_slice %arg6[%dma_start3A_173] : memref<4096xi32, #tpu.memory_space<vmem>> -> memref<2048xi32, #tpu.memory_space<vmem>>
      %dma_start3A_175 = arith.constant 0 : i32
      %dma_start3A_176 = tpu.memref_slice %arg3[%scan3A, %dma_start3A_175] : memref<2x6400000xi32, #tpu.memory_space<hbm>> -> memref<1x6400000xi32, #tpu.memory_space<hbm>>
      %dma_start3A_177 = tpu.memref_squeeze %dma_start3A_176 : memref<1x6400000xi32, #tpu.memory_space<hbm>> -> memref<6400000xi32, #tpu.memory_space<hbm>>
      %dma_start3A_178 = tpu.memref_slice %dma_start3A_177[%multiple_of3A_166] : memref<6400000xi32, #tpu.memory_space<hbm>> -> memref<2048xi32, #tpu.memory_space<hbm>>
      tpu.enqueue_dma source(%dma_start3A_178 : memref<2048xi32, #tpu.memory_space<hbm>>) target(%dma_start3A_174 : memref<2048xi32, #tpu.memory_space<vmem>>) target_semaphore(%arg13 : memref<!tpu.dma_semaphore, #tpu.memory_space<semaphore_mem>>)
      %dma_start3A_179 = arith.constant 2048 : i32
      %dma_start3A_180 = tpu.memref_slice %arg6[%dma_start3A_179] : memref<4096xi32, #tpu.memory_space<vmem>> -> memref<2048xi32, #tpu.memory_space<vmem>>
      %dma_start3A_181 = arith.constant 0 : i32
      %dma_start3A_182 = tpu.memref_slice %arg3[%scan3A_90, %dma_start3A_181] : memref<2x6400000xi32, #tpu.memory_space<hbm>> -> memref<1x6400000xi32, #tpu.memory_space<hbm>>
      %dma_start3A_183 = tpu.memref_squeeze %dma_start3A_182 : memref<1x6400000xi32, #tpu.memory_space<hbm>> -> memref<6400000xi32, #tpu.memory_space<hbm>>
      %dma_start3A_184 = tpu.memref_slice %dma_start3A_183[%multiple_of3A_166] : memref<6400000xi32, #tpu.memory_space<hbm>> -> memref<2048xi32, #tpu.memory_space<hbm>>
      %dma_start3A_185 = arith.constant 2048 : i32
      %dma_start3A_186 = tpu.memref_slice %arg6[%dma_start3A_185] : memref<4096xi32, #tpu.memory_space<vmem>> -> memref<2048xi32, #tpu.memory_space<vmem>>
      %dma_start3A_187 = arith.constant 0 : i32
      %dma_start3A_188 = tpu.memref_slice %arg3[%scan3A_90, %dma_start3A_187] : memref<2x6400000xi32, #tpu.memory_space<hbm>> -> memref<1x6400000xi32, #tpu.memory_space<hbm>>
      %dma_start3A_189 = tpu.memref_squeeze %dma_start3A_188 : memref<1x6400000xi32, #tpu.memory_space<hbm>> -> memref<6400000xi32, #tpu.memory_space<hbm>>
      %dma_start3A_190 = tpu.memref_slice %dma_start3A_189[%multiple_of3A_166] : memref<6400000xi32, #tpu.memory_space<hbm>> -> memref<2048xi32, #tpu.memory_space<hbm>>
      tpu.enqueue_dma source(%dma_start3A_190 : memref<2048xi32, #tpu.memory_space<hbm>>) target(%dma_start3A_186 : memref<2048xi32, #tpu.memory_space<vmem>>) target_semaphore(%arg13 : memref<!tpu.dma_semaphore, #tpu.memory_space<semaphore_mem>>)
      %scan3A_191 = arith.constant 0 : i32
      %scan3A_192 = arith.constant 128 : i32
      %scan3A_193 = arith.addi %scan3A_191, %scan3A_192 : i32
      %scan3A_194 = arith.constant 4 : i32
      %scan3A_195:2 = scf.for %scan3A_253 = %scan3A_191 to %scan3A_193 step %scan3A_194 iter_args(%scan3A_254 = %scan3A_137, %scan3A_255 = %scan3A_138) -> (vector<16xf32>, vector<16xf32>)  : i32 {
        %mul3A_256 = arith.constant 16 : i32
        %mul3A_257 = arith.muli %scan3A_253, %mul3A_256 : i32
        %add3A_258 = vector.broadcast %mul3A_257 : i32 to vector<16xi32>
        %add3A_259 = arith.addi %add3A_258, %iota3A : vector<16xi32>
        %add3A_260 = arith.constant 2048 : i32
        %add3A_261 = vector.broadcast %add3A_260 : i32 to vector<16xi32>
        %add3A_262 = arith.addi %add3A_259, %add3A_261 : vector<16xi32>
        %gather3A = tpu.vector_load_idx %arg7[%add3A_259, %broadcast_in_dim3A_3] : memref<4096x8xf32, #tpu.memory_space<vmem>>[vector<16xi32>, vector<16xi32>], vector<16xf32>,
        %gather3A_263 = tpu.vector_load_idx %arg7[%add3A_262, %broadcast_in_dim3A_3] : memref<4096x8xf32, #tpu.memory_space<vmem>>[vector<16xi32>, vector<16xi32>], vector<16xf32>,
        %gather3A_264 = tpu.vector_load_idx %arg7[%add3A_259, %broadcast_in_dim3A_5] : memref<4096x8xf32, #tpu.memory_space<vmem>>[vector<16xi32>, vector<16xi32>], vector<16xf32>,
        %gather3A_265 = tpu.vector_load_idx %arg7[%add3A_262, %broadcast_in_dim3A_5] : memref<4096x8xf32, #tpu.memory_space<vmem>>[vector<16xi32>, vector<16xi32>], vector<16xf32>,
        %gather3A_266 = tpu.vector_load_idx %arg7[%add3A_259, %broadcast_in_dim3A_7] : memref<4096x8xf32, #tpu.memory_space<vmem>>[vector<16xi32>, vector<16xi32>], vector<16xf32>,
        %gather3A_267 = tpu.vector_load_idx %arg7[%add3A_262, %broadcast_in_dim3A_7] : memref<4096x8xf32, #tpu.memory_space<vmem>>[vector<16xi32>, vector<16xi32>], vector<16xf32>,
        %gather3A_268 = tpu.vector_load_idx %arg7[%add3A_259, %broadcast_in_dim3A_9] : memref<4096x8xf32, #tpu.memory_space<vmem>>[vector<16xi32>, vector<16xi32>], vector<16xf32>,
        %gather3A_269 = tpu.vector_load_idx %arg7[%add3A_262, %broadcast_in_dim3A_9] : memref<4096x8xf32, #tpu.memory_space<vmem>>[vector<16xi32>, vector<16xi32>], vector<16xf32>,
        %gather3A_270 = tpu.vector_load_idx %arg7[%add3A_259, %broadcast_in_dim3A_11] : memref<4096x8xf32, #tpu.memory_space<vmem>>[vector<16xi32>, vector<16xi32>], vector<16xf32>,
        %gather3A_271 = tpu.vector_load_idx %arg7[%add3A_262, %broadcast_in_dim3A_11] : memref<4096x8xf32, #tpu.memory_space<vmem>>[vector<16xi32>, vector<16xi32>], vector<16xf32>,
        %sub3A = arith.subf %gather3A, %gather3A_263 : vector<16xf32>
        %sub3A_272 = arith.subf %gather3A_264, %gather3A_265 : vector<16xf32>
        %sub3A_273 = arith.subf %gather3A_266, %gather3A_267 : vector<16xf32>
        %mul3A_274 = arith.mulf %sub3A, %sub3A : vector<16xf32>
        %mul3A_275 = arith.mulf %sub3A_272, %sub3A_272 : vector<16xf32>
        %mul3A_276 = arith.mulf %sub3A_273, %sub3A_273 : vector<16xf32>
        %add3A_277 = arith.addf %mul3A_275, %mul3A_276 : vector<16xf32>
        %add3A_278 = arith.addf %mul3A_274, %add3A_277 : vector<16xf32>
        %add3A_279 = arith.addf %scan3A_254, %add3A_278 : vector<16xf32>
        %sub3A_280 = arith.subf %gather3A_268, %gather3A_269 : vector<16xf32>
        %sub3A_281 = arith.subf %gather3A_270, %gather3A_271 : vector<16xf32>
        %mul3A_282 = arith.mulf %sub3A_280, %sub3A_280 : vector<16xf32>
        %mul3A_283 = arith.mulf %sub3A_281, %sub3A_281 : vector<16xf32>
        %add3A_284 = arith.addf %mul3A_282, %mul3A_283 : vector<16xf32>
        %max3A = arith.constant 9.99999996E-13 : f32
        %max3A_285 = vector.broadcast %max3A : f32 to vector<16xf32>
        %max3A_286 = arith.maximumf %add3A_284, %max3A_285 : vector<16xf32>
        %bitcast_convert_type3A = tpu.bitcast %max3A_286 : vector<16xf32> -> vector<16xi32>
        %shift_right_arithmetic3A = arith.constant 1 : i32
        %shift_right_arithmetic3A_287 = vector.broadcast %shift_right_arithmetic3A : i32 to vector<16xi32>
        %shift_right_arithmetic3A_288 = arith.shrsi %bitcast_convert_type3A, %shift_right_arithmetic3A_287 : vector<16xi32>
        %sub3A_289 = arith.constant 1597463007 : i32
        %sub3A_290 = vector.broadcast %sub3A_289 : i32 to vector<16xi32>
        %sub3A_291 = arith.subi %sub3A_290, %shift_right_arithmetic3A_288 : vector<16xi32>
        %bitcast_convert_type3A_292 = tpu.bitcast %sub3A_291 : vector<16xi32> -> vector<16xf32>
        %mul3A_293 = arith.constant 5.000000e-01 : f32
        %mul3A_294 = vector.broadcast %mul3A_293 : f32 to vector<16xf32>
        %mul3A_295 = arith.mulf %max3A_286, %mul3A_294 : vector<16xf32>
        %mul3A_296 = arith.mulf %mul3A_295, %bitcast_convert_type3A_292 : vector<16xf32>
        %mul3A_297 = arith.mulf %mul3A_296, %bitcast_convert_type3A_292 : vector<16xf32>
        %sub3A_298 = arith.constant 1.500000e+00 : f32
        %sub3A_299 = vector.broadcast %sub3A_298 : f32 to vector<16xf32>
        %sub3A_300 = arith.subf %sub3A_299, %mul3A_297 : vector<16xf32>
        %mul3A_301 = arith.mulf %bitcast_convert_type3A_292, %sub3A_300 : vector<16xf32>
        %abs3A = math.absf %sub3A : vector<16xf32>
        %mul3A_302 = arith.mulf %abs3A, %mul3A_301 : vector<16xf32>
        %sub3A_303 = arith.constant 1.000000e-01 : f32
        %sub3A_304 = vector.broadcast %sub3A_303 : f32 to vector<16xf32>
        %sub3A_305 = arith.subf %mul3A_302, %sub3A_304 : vector<16xf32>
        %max3A_306 = arith.constant 0.000000e+00 : f32
        %max3A_307 = vector.broadcast %max3A_306 : f32 to vector<16xf32>
        %max3A_308 = arith.maximumf %sub3A_305, %max3A_307 : vector<16xf32>
        %abs3A_309 = math.absf %sub3A_272 : vector<16xf32>
        %mul3A_310 = arith.mulf %abs3A_309, %mul3A_301 : vector<16xf32>
        %sub3A_311 = arith.constant 1.000000e-01 : f32
        %sub3A_312 = vector.broadcast %sub3A_311 : f32 to vector<16xf32>
        %sub3A_313 = arith.subf %mul3A_310, %sub3A_312 : vector<16xf32>
        %max3A_314 = arith.constant 0.000000e+00 : f32
        %max3A_315 = vector.broadcast %max3A_314 : f32 to vector<16xf32>
        %max3A_316 = arith.maximumf %sub3A_313, %max3A_315 : vector<16xf32>
        %abs3A_317 = math.absf %sub3A_273 : vector<16xf32>
        %mul3A_318 = arith.mulf %abs3A_317, %mul3A_301 : vector<16xf32>
        %sub3A_319 = arith.constant 1.000000e-01 : f32
        %sub3A_320 = vector.broadcast %sub3A_319 : f32 to vector<16xf32>
        %sub3A_321 = arith.subf %mul3A_318, %sub3A_320 : vector<16xf32>
        %max3A_322 = arith.constant 0.000000e+00 : f32
        %max3A_323 = vector.broadcast %max3A_322 : f32 to vector<16xf32>
        %max3A_324 = arith.maximumf %sub3A_321, %max3A_323 : vector<16xf32>
        %add3A_325 = arith.addf %max3A_316, %max3A_324 : vector<16xf32>
        %add3A_326 = arith.addf %max3A_308, %add3A_325 : vector<16xf32>
        %add3A_327 = arith.addf %scan3A_255, %add3A_326 : vector<16xf32>
        %scan3A_328 = arith.constant 1 : i32
        %scan3A_329 = arith.addi %scan3A_253, %scan3A_328 : i32
        %mul3A_330 = arith.constant 16 : i32
        %mul3A_331 = arith.muli %scan3A_329, %mul3A_330 : i32
        %add3A_332 = vector.broadcast %mul3A_331 : i32 to vector<16xi32>
        %add3A_333 = arith.addi %add3A_332, %iota3A : vector<16xi32>
        %add3A_334 = arith.constant 2048 : i32
        %add3A_335 = vector.broadcast %add3A_334 : i32 to vector<16xi32>
        %add3A_336 = arith.addi %add3A_333, %add3A_335 : vector<16xi32>
        %gather3A_337 = tpu.vector_load_idx %arg7[%add3A_333, %broadcast_in_dim3A_3] : memref<4096x8xf32, #tpu.memory_space<vmem>>[vector<16xi32>, vector<16xi32>], vector<16xf32>,
        %gather3A_338 = tpu.vector_load_idx %arg7[%add3A_336, %broadcast_in_dim3A_3] : memref<4096x8xf32, #tpu.memory_space<vmem>>[vector<16xi32>, vector<16xi32>], vector<16xf32>,
        %gather3A_339 = tpu.vector_load_idx %arg7[%add3A_333, %broadcast_in_dim3A_5] : memref<4096x8xf32, #tpu.memory_space<vmem>>[vector<16xi32>, vector<16xi32>], vector<16xf32>,
        %gather3A_340 = tpu.vector_load_idx %arg7[%add3A_336, %broadcast_in_dim3A_5] : memref<4096x8xf32, #tpu.memory_space<vmem>>[vector<16xi32>, vector<16xi32>], vector<16xf32>,
        %gather3A_341 = tpu.vector_load_idx %arg7[%add3A_333, %broadcast_in_dim3A_7] : memref<4096x8xf32, #tpu.memory_space<vmem>>[vector<16xi32>, vector<16xi32>], vector<16xf32>,
        %gather3A_342 = tpu.vector_load_idx %arg7[%add3A_336, %broadcast_in_dim3A_7] : memref<4096x8xf32, #tpu.memory_space<vmem>>[vector<16xi32>, vector<16xi32>], vector<16xf32>,
        %gather3A_343 = tpu.vector_load_idx %arg7[%add3A_333, %broadcast_in_dim3A_9] : memref<4096x8xf32, #tpu.memory_space<vmem>>[vector<16xi32>, vector<16xi32>], vector<16xf32>,
        %gather3A_344 = tpu.vector_load_idx %arg7[%add3A_336, %broadcast_in_dim3A_9] : memref<4096x8xf32, #tpu.memory_space<vmem>>[vector<16xi32>, vector<16xi32>], vector<16xf32>,
        %gather3A_345 = tpu.vector_load_idx %arg7[%add3A_333, %broadcast_in_dim3A_11] : memref<4096x8xf32, #tpu.memory_space<vmem>>[vector<16xi32>, vector<16xi32>], vector<16xf32>,
        %gather3A_346 = tpu.vector_load_idx %arg7[%add3A_336, %broadcast_in_dim3A_11] : memref<4096x8xf32, #tpu.memory_space<vmem>>[vector<16xi32>, vector<16xi32>], vector<16xf32>,
        %sub3A_347 = arith.subf %gather3A_337, %gather3A_338 : vector<16xf32>
        %sub3A_348 = arith.subf %gather3A_339, %gather3A_340 : vector<16xf32>
        %sub3A_349 = arith.subf %gather3A_341, %gather3A_342 : vector<16xf32>
        %mul3A_350 = arith.mulf %sub3A_347, %sub3A_347 : vector<16xf32>
        %mul3A_351 = arith.mulf %sub3A_348, %sub3A_348 : vector<16xf32>
        %mul3A_352 = arith.mulf %sub3A_349, %sub3A_349 : vector<16xf32>
        %add3A_353 = arith.addf %mul3A_351, %mul3A_352 : vector<16xf32>
        %add3A_354 = arith.addf %mul3A_350, %add3A_353 : vector<16xf32>
        %add3A_355 = arith.addf %add3A_279, %add3A_354 : vector<16xf32>
        %sub3A_356 = arith.subf %gather3A_343, %gather3A_344 : vector<16xf32>
        %sub3A_357 = arith.subf %gather3A_345, %gather3A_346 : vector<16xf32>
        %mul3A_358 = arith.mulf %sub3A_356, %sub3A_356 : vector<16xf32>
        %mul3A_359 = arith.mulf %sub3A_357, %sub3A_357 : vector<16xf32>
        %add3A_360 = arith.addf %mul3A_358, %mul3A_359 : vector<16xf32>
        %max3A_361 = arith.constant 9.99999996E-13 : f32
        %max3A_362 = vector.broadcast %max3A_361 : f32 to vector<16xf32>
        %max3A_363 = arith.maximumf %add3A_360, %max3A_362 : vector<16xf32>
        %bitcast_convert_type3A_364 = tpu.bitcast %max3A_363 : vector<16xf32> -> vector<16xi32>
        %shift_right_arithmetic3A_365 = arith.constant 1 : i32
        %shift_right_arithmetic3A_366 = vector.broadcast %shift_right_arithmetic3A_365 : i32 to vector<16xi32>
        %shift_right_arithmetic3A_367 = arith.shrsi %bitcast_convert_type3A_364, %shift_right_arithmetic3A_366 : vector<16xi32>
        %sub3A_368 = arith.constant 1597463007 : i32
        %sub3A_369 = vector.broadcast %sub3A_368 : i32 to vector<16xi32>
        %sub3A_370 = arith.subi %sub3A_369, %shift_right_arithmetic3A_367 : vector<16xi32>
        %bitcast_convert_type3A_371 = tpu.bitcast %sub3A_370 : vector<16xi32> -> vector<16xf32>
        %mul3A_372 = arith.constant 5.000000e-01 : f32
        %mul3A_373 = vector.broadcast %mul3A_372 : f32 to vector<16xf32>
        %mul3A_374 = arith.mulf %max3A_363, %mul3A_373 : vector<16xf32>
        %mul3A_375 = arith.mulf %mul3A_374, %bitcast_convert_type3A_371 : vector<16xf32>
        %mul3A_376 = arith.mulf %mul3A_375, %bitcast_convert_type3A_371 : vector<16xf32>
        %sub3A_377 = arith.constant 1.500000e+00 : f32
        %sub3A_378 = vector.broadcast %sub3A_377 : f32 to vector<16xf32>
        %sub3A_379 = arith.subf %sub3A_378, %mul3A_376 : vector<16xf32>
        %mul3A_380 = arith.mulf %bitcast_convert_type3A_371, %sub3A_379 : vector<16xf32>
        %abs3A_381 = math.absf %sub3A_347 : vector<16xf32>
        %mul3A_382 = arith.mulf %abs3A_381, %mul3A_380 : vector<16xf32>
        %sub3A_383 = arith.constant 1.000000e-01 : f32
        %sub3A_384 = vector.broadcast %sub3A_383 : f32 to vector<16xf32>
        %sub3A_385 = arith.subf %mul3A_382, %sub3A_384 : vector<16xf32>
        %max3A_386 = arith.constant 0.000000e+00 : f32
        %max3A_387 = vector.broadcast %max3A_386 : f32 to vector<16xf32>
        %max3A_388 = arith.maximumf %sub3A_385, %max3A_387 : vector<16xf32>
        %abs3A_389 = math.absf %sub3A_348 : vector<16xf32>
        %mul3A_390 = arith.mulf %abs3A_389, %mul3A_380 : vector<16xf32>
        %sub3A_391 = arith.constant 1.000000e-01 : f32
        %sub3A_392 = vector.broadcast %sub3A_391 : f32 to vector<16xf32>
        %sub3A_393 = arith.subf %mul3A_390, %sub3A_392 : vector<16xf32>
        %max3A_394 = arith.constant 0.000000e+00 : f32
        %max3A_395 = vector.broadcast %max3A_394 : f32 to vector<16xf32>
        %max3A_396 = arith.maximumf %sub3A_393, %max3A_395 : vector<16xf32>
        %abs3A_397 = math.absf %sub3A_349 : vector<16xf32>
        %mul3A_398 = arith.mulf %abs3A_397, %mul3A_380 : vector<16xf32>
        %sub3A_399 = arith.constant 1.000000e-01 : f32
        %sub3A_400 = vector.broadcast %sub3A_399 : f32 to vector<16xf32>
        %sub3A_401 = arith.subf %mul3A_398, %sub3A_400 : vector<16xf32>
        %max3A_402 = arith.constant 0.000000e+00 : f32
        %max3A_403 = vector.broadcast %max3A_402 : f32 to vector<16xf32>
        %max3A_404 = arith.maximumf %sub3A_401, %max3A_403 : vector<16xf32>
        %add3A_405 = arith.addf %max3A_396, %max3A_404 : vector<16xf32>
        %add3A_406 = arith.addf %max3A_388, %add3A_405 : vector<16xf32>
        %add3A_407 = arith.addf %add3A_327, %add3A_406 : vector<16xf32>
        %scan3A_408 = arith.constant 2 : i32
        %scan3A_409 = arith.addi %scan3A_253, %scan3A_408 : i32
        %mul3A_410 = arith.constant 16 : i32
        %mul3A_411 = arith.muli %scan3A_409, %mul3A_410 : i32
        %add3A_412 = vector.broadcast %mul3A_411 : i32 to vector<16xi32>
        %add3A_413 = arith.addi %add3A_412, %iota3A : vector<16xi32>
        %add3A_414 = arith.constant 2048 : i32
        %add3A_415 = vector.broadcast %add3A_414 : i32 to vector<16xi32>
        %add3A_416 = arith.addi %add3A_413, %add3A_415 : vector<16xi32>
        %gather3A_417 = tpu.vector_load_idx %arg7[%add3A_413, %broadcast_in_dim3A_3] : memref<4096x8xf32, #tpu.memory_space<vmem>>[vector<16xi32>, vector<16xi32>], vector<16xf32>,
        %gather3A_418 = tpu.vector_load_idx %arg7[%add3A_416, %broadcast_in_dim3A_3] : memref<4096x8xf32, #tpu.memory_space<vmem>>[vector<16xi32>, vector<16xi32>], vector<16xf32>,
        %gather3A_419 = tpu.vector_load_idx %arg7[%add3A_413, %broadcast_in_dim3A_5] : memref<4096x8xf32, #tpu.memory_space<vmem>>[vector<16xi32>, vector<16xi32>], vector<16xf32>,
        %gather3A_420 = tpu.vector_load_idx %arg7[%add3A_416, %broadcast_in_dim3A_5] : memref<4096x8xf32, #tpu.memory_space<vmem>>[vector<16xi32>, vector<16xi32>], vector<16xf32>,
        %gather3A_421 = tpu.vector_load_idx %arg7[%add3A_413, %broadcast_in_dim3A_7] : memref<4096x8xf32, #tpu.memory_space<vmem>>[vector<16xi32>, vector<16xi32>], vector<16xf32>,
        %gather3A_422 = tpu.vector_load_idx %arg7[%add3A_416, %broadcast_in_dim3A_7] : memref<4096x8xf32, #tpu.memory_space<vmem>>[vector<16xi32>, vector<16xi32>], vector<16xf32>,
        %gather3A_423 = tpu.vector_load_idx %arg7[%add3A_413, %broadcast_in_dim3A_9] : memref<4096x8xf32, #tpu.memory_space<vmem>>[vector<16xi32>, vector<16xi32>], vector<16xf32>,
        %gather3A_424 = tpu.vector_load_idx %arg7[%add3A_416, %broadcast_in_dim3A_9] : memref<4096x8xf32, #tpu.memory_space<vmem>>[vector<16xi32>, vector<16xi32>], vector<16xf32>,
        %gather3A_425 = tpu.vector_load_idx %arg7[%add3A_413, %broadcast_in_dim3A_11] : memref<4096x8xf32, #tpu.memory_space<vmem>>[vector<16xi32>, vector<16xi32>], vector<16xf32>,
        %gather3A_426 = tpu.vector_load_idx %arg7[%add3A_416, %broadcast_in_dim3A_11] : memref<4096x8xf32, #tpu.memory_space<vmem>>[vector<16xi32>, vector<16xi32>], vector<16xf32>,
        %sub3A_427 = arith.subf %gather3A_417, %gather3A_418 : vector<16xf32>
        %sub3A_428 = arith.subf %gather3A_419, %gather3A_420 : vector<16xf32>
        %sub3A_429 = arith.subf %gather3A_421, %gather3A_422 : vector<16xf32>
        %mul3A_430 = arith.mulf %sub3A_427, %sub3A_427 : vector<16xf32>
        %mul3A_431 = arith.mulf %sub3A_428, %sub3A_428 : vector<16xf32>
        %mul3A_432 = arith.mulf %sub3A_429, %sub3A_429 : vector<16xf32>
        %add3A_433 = arith.addf %mul3A_431, %mul3A_432 : vector<16xf32>
        %add3A_434 = arith.addf %mul3A_430, %add3A_433 : vector<16xf32>
        %add3A_435 = arith.addf %add3A_355, %add3A_434 : vector<16xf32>
        %sub3A_436 = arith.subf %gather3A_423, %gather3A_424 : vector<16xf32>
        %sub3A_437 = arith.subf %gather3A_425, %gather3A_426 : vector<16xf32>
        %mul3A_438 = arith.mulf %sub3A_436, %sub3A_436 : vector<16xf32>
        %mul3A_439 = arith.mulf %sub3A_437, %sub3A_437 : vector<16xf32>
        %add3A_440 = arith.addf %mul3A_438, %mul3A_439 : vector<16xf32>
        %max3A_441 = arith.constant 9.99999996E-13 : f32
        %max3A_442 = vector.broadcast %max3A_441 : f32 to vector<16xf32>
        %max3A_443 = arith.maximumf %add3A_440, %max3A_442 : vector<16xf32>
        %bitcast_convert_type3A_444 = tpu.bitcast %max3A_443 : vector<16xf32> -> vector<16xi32>
        %shift_right_arithmetic3A_445 = arith.constant 1 : i32
        %shift_right_arithmetic3A_446 = vector.broadcast %shift_right_arithmetic3A_445 : i32 to vector<16xi32>
        %shift_right_arithmetic3A_447 = arith.shrsi %bitcast_convert_type3A_444, %shift_right_arithmetic3A_446 : vector<16xi32>
        %sub3A_448 = arith.constant 1597463007 : i32
        %sub3A_449 = vector.broadcast %sub3A_448 : i32 to vector<16xi32>
        %sub3A_450 = arith.subi %sub3A_449, %shift_right_arithmetic3A_447 : vector<16xi32>
        %bitcast_convert_type3A_451 = tpu.bitcast %sub3A_450 : vector<16xi32> -> vector<16xf32>
        %mul3A_452 = arith.constant 5.000000e-01 : f32
        %mul3A_453 = vector.broadcast %mul3A_452 : f32 to vector<16xf32>
        %mul3A_454 = arith.mulf %max3A_443, %mul3A_453 : vector<16xf32>
        %mul3A_455 = arith.mulf %mul3A_454, %bitcast_convert_type3A_451 : vector<16xf32>
        %mul3A_456 = arith.mulf %mul3A_455, %bitcast_convert_type3A_451 : vector<16xf32>
        %sub3A_457 = arith.constant 1.500000e+00 : f32
        %sub3A_458 = vector.broadcast %sub3A_457 : f32 to vector<16xf32>
        %sub3A_459 = arith.subf %sub3A_458, %mul3A_456 : vector<16xf32>
        %mul3A_460 = arith.mulf %bitcast_convert_type3A_451, %sub3A_459 : vector<16xf32>
        %abs3A_461 = math.absf %sub3A_427 : vector<16xf32>
        %mul3A_462 = arith.mulf %abs3A_461, %mul3A_460 : vector<16xf32>
        %sub3A_463 = arith.constant 1.000000e-01 : f32
        %sub3A_464 = vector.broadcast %sub3A_463 : f32 to vector<16xf32>
        %sub3A_465 = arith.subf %mul3A_462, %sub3A_464 : vector<16xf32>
        %max3A_466 = arith.constant 0.000000e+00 : f32
        %max3A_467 = vector.broadcast %max3A_466 : f32 to vector<16xf32>
        %max3A_468 = arith.maximumf %sub3A_465, %max3A_467 : vector<16xf32>
        %abs3A_469 = math.absf %sub3A_428 : vector<16xf32>
        %mul3A_470 = arith.mulf %abs3A_469, %mul3A_460 : vector<16xf32>
        %sub3A_471 = arith.constant 1.000000e-01 : f32
        %sub3A_472 = vector.broadcast %sub3A_471 : f32 to vector<16xf32>
        %sub3A_473 = arith.subf %mul3A_470, %sub3A_472 : vector<16xf32>
        %max3A_474 = arith.constant 0.000000e+00 : f32
        %max3A_475 = vector.broadcast %max3A_474 : f32 to vector<16xf32>
        %max3A_476 = arith.maximumf %sub3A_473, %max3A_475 : vector<16xf32>
        %abs3A_477 = math.absf %sub3A_429 : vector<16xf32>
        %mul3A_478 = arith.mulf %abs3A_477, %mul3A_460 : vector<16xf32>
        %sub3A_479 = arith.constant 1.000000e-01 : f32
        %sub3A_480 = vector.broadcast %sub3A_479 : f32 to vector<16xf32>
        %sub3A_481 = arith.subf %mul3A_478, %sub3A_480 : vector<16xf32>
        %max3A_482 = arith.constant 0.000000e+00 : f32
        %max3A_483 = vector.broadcast %max3A_482 : f32 to vector<16xf32>
        %max3A_484 = arith.maximumf %sub3A_481, %max3A_483 : vector<16xf32>
        %add3A_485 = arith.addf %max3A_476, %max3A_484 : vector<16xf32>
        %add3A_486 = arith.addf %max3A_468, %add3A_485 : vector<16xf32>
        %add3A_487 = arith.addf %add3A_407, %add3A_486 : vector<16xf32>
        %scan3A_488 = arith.constant 3 : i32
        %scan3A_489 = arith.addi %scan3A_253, %scan3A_488 : i32
        %mul3A_490 = arith.constant 16 : i32
        %mul3A_491 = arith.muli %scan3A_489, %mul3A_490 : i32
        %add3A_492 = vector.broadcast %mul3A_491 : i32 to vector<16xi32>
        %add3A_493 = arith.addi %add3A_492, %iota3A : vector<16xi32>
        %add3A_494 = arith.constant 2048 : i32
        %add3A_495 = vector.broadcast %add3A_494 : i32 to vector<16xi32>
        %add3A_496 = arith.addi %add3A_493, %add3A_495 : vector<16xi32>
        %gather3A_497 = tpu.vector_load_idx %arg7[%add3A_493, %broadcast_in_dim3A_3] : memref<4096x8xf32, #tpu.memory_space<vmem>>[vector<16xi32>, vector<16xi32>], vector<16xf32>,
        %gather3A_498 = tpu.vector_load_idx %arg7[%add3A_496, %broadcast_in_dim3A_3] : memref<4096x8xf32, #tpu.memory_space<vmem>>[vector<16xi32>, vector<16xi32>], vector<16xf32>,
        %gather3A_499 = tpu.vector_load_idx %arg7[%add3A_493, %broadcast_in_dim3A_5] : memref<4096x8xf32, #tpu.memory_space<vmem>>[vector<16xi32>, vector<16xi32>], vector<16xf32>,
        %gather3A_500 = tpu.vector_load_idx %arg7[%add3A_496, %broadcast_in_dim3A_5] : memref<4096x8xf32, #tpu.memory_space<vmem>>[vector<16xi32>, vector<16xi32>], vector<16xf32>,
        %gather3A_501 = tpu.vector_load_idx %arg7[%add3A_493, %broadcast_in_dim3A_7] : memref<4096x8xf32, #tpu.memory_space<vmem>>[vector<16xi32>, vector<16xi32>], vector<16xf32>,
        %gather3A_502 = tpu.vector_load_idx %arg7[%add3A_496, %broadcast_in_dim3A_7] : memref<4096x8xf32, #tpu.memory_space<vmem>>[vector<16xi32>, vector<16xi32>], vector<16xf32>,
        %gather3A_503 = tpu.vector_load_idx %arg7[%add3A_493, %broadcast_in_dim3A_9] : memref<4096x8xf32, #tpu.memory_space<vmem>>[vector<16xi32>, vector<16xi32>], vector<16xf32>,
        %gather3A_504 = tpu.vector_load_idx %arg7[%add3A_496, %broadcast_in_dim3A_9] : memref<4096x8xf32, #tpu.memory_space<vmem>>[vector<16xi32>, vector<16xi32>], vector<16xf32>,
        %gather3A_505 = tpu.vector_load_idx %arg7[%add3A_493, %broadcast_in_dim3A_11] : memref<4096x8xf32, #tpu.memory_space<vmem>>[vector<16xi32>, vector<16xi32>], vector<16xf32>,
        %gather3A_506 = tpu.vector_load_idx %arg7[%add3A_496, %broadcast_in_dim3A_11] : memref<4096x8xf32, #tpu.memory_space<vmem>>[vector<16xi32>, vector<16xi32>], vector<16xf32>,
        %sub3A_507 = arith.subf %gather3A_497, %gather3A_498 : vector<16xf32>
        %sub3A_508 = arith.subf %gather3A_499, %gather3A_500 : vector<16xf32>
        %sub3A_509 = arith.subf %gather3A_501, %gather3A_502 : vector<16xf32>
        %mul3A_510 = arith.mulf %sub3A_507, %sub3A_507 : vector<16xf32>
        %mul3A_511 = arith.mulf %sub3A_508, %sub3A_508 : vector<16xf32>
        %mul3A_512 = arith.mulf %sub3A_509, %sub3A_509 : vector<16xf32>
        %add3A_513 = arith.addf %mul3A_511, %mul3A_512 : vector<16xf32>
        %add3A_514 = arith.addf %mul3A_510, %add3A_513 : vector<16xf32>
        %add3A_515 = arith.addf %add3A_435, %add3A_514 : vector<16xf32>
        %sub3A_516 = arith.subf %gather3A_503, %gather3A_504 : vector<16xf32>
        %sub3A_517 = arith.subf %gather3A_505, %gather3A_506 : vector<16xf32>
        %mul3A_518 = arith.mulf %sub3A_516, %sub3A_516 : vector<16xf32>
        %mul3A_519 = arith.mulf %sub3A_517, %sub3A_517 : vector<16xf32>
        %add3A_520 = arith.addf %mul3A_518, %mul3A_519 : vector<16xf32>
        %max3A_521 = arith.constant 9.99999996E-13 : f32
        %max3A_522 = vector.broadcast %max3A_521 : f32 to vector<16xf32>
        %max3A_523 = arith.maximumf %add3A_520, %max3A_522 : vector<16xf32>
        %bitcast_convert_type3A_524 = tpu.bitcast %max3A_523 : vector<16xf32> -> vector<16xi32>
        %shift_right_arithmetic3A_525 = arith.constant 1 : i32
        %shift_right_arithmetic3A_526 = vector.broadcast %shift_right_arithmetic3A_525 : i32 to vector<16xi32>
        %shift_right_arithmetic3A_527 = arith.shrsi %bitcast_convert_type3A_524, %shift_right_arithmetic3A_526 : vector<16xi32>
        %sub3A_528 = arith.constant 1597463007 : i32
        %sub3A_529 = vector.broadcast %sub3A_528 : i32 to vector<16xi32>
        %sub3A_530 = arith.subi %sub3A_529, %shift_right_arithmetic3A_527 : vector<16xi32>
        %bitcast_convert_type3A_531 = tpu.bitcast %sub3A_530 : vector<16xi32> -> vector<16xf32>
        %mul3A_532 = arith.constant 5.000000e-01 : f32
        %mul3A_533 = vector.broadcast %mul3A_532 : f32 to vector<16xf32>
        %mul3A_534 = arith.mulf %max3A_523, %mul3A_533 : vector<16xf32>
        %mul3A_535 = arith.mulf %mul3A_534, %bitcast_convert_type3A_531 : vector<16xf32>
        %mul3A_536 = arith.mulf %mul3A_535, %bitcast_convert_type3A_531 : vector<16xf32>
        %sub3A_537 = arith.constant 1.500000e+00 : f32
        %sub3A_538 = vector.broadcast %sub3A_537 : f32 to vector<16xf32>
        %sub3A_539 = arith.subf %sub3A_538, %mul3A_536 : vector<16xf32>
        %mul3A_540 = arith.mulf %bitcast_convert_type3A_531, %sub3A_539 : vector<16xf32>
        %abs3A_541 = math.absf %sub3A_507 : vector<16xf32>
        %mul3A_542 = arith.mulf %abs3A_541, %mul3A_540 : vector<16xf32>
        %sub3A_543 = arith.constant 1.000000e-01 : f32
        %sub3A_544 = vector.broadcast %sub3A_543 : f32 to vector<16xf32>
        %sub3A_545 = arith.subf %mul3A_542, %sub3A_544 : vector<16xf32>
        %max3A_546 = arith.constant 0.000000e+00 : f32
        %max3A_547 = vector.broadcast %max3A_546 : f32 to vector<16xf32>
        %max3A_548 = arith.maximumf %sub3A_545, %max3A_547 : vector<16xf32>
        %abs3A_549 = math.absf %sub3A_508 : vector<16xf32>
        %mul3A_550 = arith.mulf %abs3A_549, %mul3A_540 : vector<16xf32>
        %sub3A_551 = arith.constant 1.000000e-01 : f32
        %sub3A_552 = vector.broadcast %sub3A_551 : f32 to vector<16xf32>
        %sub3A_553 = arith.subf %mul3A_550, %sub3A_552 : vector<16xf32>
        %max3A_554 = arith.constant 0.000000e+00 : f32
        %max3A_555 = vector.broadcast %max3A_554 : f32 to vector<16xf32>
        %max3A_556 = arith.maximumf %sub3A_553, %max3A_555 : vector<16xf32>
        %abs3A_557 = math.absf %sub3A_509 : vector<16xf32>
        %mul3A_558 = arith.mulf %abs3A_557, %mul3A_540 : vector<16xf32>
        %sub3A_559 = arith.constant 1.000000e-01 : f32
        %sub3A_560 = vector.broadcast %sub3A_559 : f32 to vector<16xf32>
        %sub3A_561 = arith.subf %mul3A_558, %sub3A_560 : vector<16xf32>
        %max3A_562 = arith.constant 0.000000e+00 : f32
        %max3A_563 = vector.broadcast %max3A_562 : f32 to vector<16xf32>
        %max3A_564 = arith.maximumf %sub3A_561, %max3A_563 : vector<16xf32>
        %add3A_565 = arith.addf %max3A_556, %max3A_564 : vector<16xf32>
        %add3A_566 = arith.addf %max3A_548, %add3A_565 : vector<16xf32>
        %add3A_567 = arith.addf %add3A_487, %add3A_566 : vector<16xf32>
        scf.yield %add3A_515, %add3A_567 : vector<16xf32>, vector<16xf32>
      }
      %scan3A_196 = arith.constant 128 : i32
      %dma_wait3A_197 = arith.constant 0 : i32
      %dma_wait3A_198 = arith.constant 0 : i32
      %dma_wait3A_199 = tpu.memref_slice %arg12[%dma_wait3A_197, %dma_wait3A_198] : memref<100000x8xf32, #tpu.memory_space<vmem_shared>> -> memref<100000x8xf32, #tpu.memory_space<vmem_shared>>
      tpu.wait_indirect_dma semaphore(%arg16 : memref<!tpu.dma_semaphore, #tpu.memory_space<semaphore_mem>>) src(%dma_wait3A_199 : memref<100000x8xf32, #tpu.memory_space<vmem_shared>>) dst(%arg9 : memref<4096x8xf32, #tpu.memory_space<vmem>>)
      %dma_wait3A_200 = arith.constant 0 : i32
      %dma_wait3A_201 = tpu.memref_slice %arg3[%scan3A, %dma_wait3A_200] : memref<2x6400000xi32, #tpu.memory_space<hbm>> -> memref<1x6400000xi32, #tpu.memory_space<hbm>>
      %dma_wait3A_202 = tpu.memref_squeeze %dma_wait3A_201 : memref<1x6400000xi32, #tpu.memory_space<hbm>> -> memref<6400000xi32, #tpu.memory_space<hbm>>
      %dma_wait3A_203 = arith.constant 0 : i32
      %dma_wait3A_204 = tpu.memref_slice %dma_wait3A_202[%dma_wait3A_203] : memref<6400000xi32, #tpu.memory_space<hbm>> -> memref<4096xi32, #tpu.memory_space<hbm>>
      %dma_wait3A_205 = arith.constant 0 : i32
      %dma_wait3A_206 = tpu.memref_slice %arg3[%scan3A, %dma_wait3A_205] : memref<2x6400000xi32, #tpu.memory_space<hbm>> -> memref<1x6400000xi32, #tpu.memory_space<hbm>>
      %dma_wait3A_207 = tpu.memref_squeeze %dma_wait3A_206 : memref<1x6400000xi32, #tpu.memory_space<hbm>> -> memref<6400000xi32, #tpu.memory_space<hbm>>
      %dma_wait3A_208 = arith.constant 0 : i32
      %dma_wait3A_209 = tpu.memref_slice %dma_wait3A_207[%dma_wait3A_208] : memref<6400000xi32, #tpu.memory_space<hbm>> -> memref<4096xi32, #tpu.memory_space<hbm>>
      tpu.wait_dma2 semaphore(%arg13 : memref<!tpu.dma_semaphore, #tpu.memory_space<semaphore_mem>>) src(%dma_wait3A_209 : memref<4096xi32, #tpu.memory_space<hbm>>) dst(%arg6 : memref<4096xi32, #tpu.memory_space<vmem>>)
      %dma_start3A_210 = arith.constant 0 : i32
      %dma_start3A_211 = arith.constant 0 : i32
      %dma_start3A_212 = tpu.memref_slice %arg12[%dma_start3A_210, %dma_start3A_211] : memref<100000x8xf32, #tpu.memory_space<vmem_shared>> -> memref<100000x8xf32, #tpu.memory_space<vmem_shared>>
      tpu.enqueue_indirect_dma source(%dma_start3A_212 : memref<100000x8xf32, #tpu.memory_space<vmem_shared>>) target(%arg7 : memref<4096x8xf32, #tpu.memory_space<vmem>>) offsets(%arg6 : memref<4096xi32, #tpu.memory_space<vmem>>) semaphore(%arg15 : memref<!tpu.dma_semaphore, #tpu.memory_space<semaphore_mem>>)
      %add3A_213 = arith.constant 3 : i32
      %add3A_214 = arith.addi %mul3A_140, %add3A_213 : i32
      %mul3A_215 = arith.constant 32 : i32
      %mul3A_216 = arith.muli %mul3A_215, %add3A_214 : i32
      %add3A_217 = arith.addi %add3A, %mul3A_216 : i32
      %min3A_218 = arith.constant 3124 : i32
      %min3A_219 = arith.minsi %add3A_217, %min3A_218 : i32
      %mul3A_220 = arith.constant 2048 : i32
      %mul3A_221 = arith.muli %min3A_219, %mul3A_220 : i32
      %multiple_of3A_222 = tpu.assume_multiple %mul3A_221, 2048 : i32
      %dma_start3A_223 = arith.constant 0 : i32
      %dma_start3A_224 = tpu.memref_slice %arg8[%dma_start3A_223] : memref<4096xi32, #tpu.memory_space<vmem>> -> memref<2048xi32, #tpu.memory_space<vmem>>
      %dma_start3A_225 = arith.constant 0 : i32
      %dma_start3A_226 = tpu.memref_slice %arg3[%scan3A, %dma_start3A_225] : memref<2x6400000xi32, #tpu.memory_space<hbm>> -> memref<1x6400000xi32, #tpu.memory_space<hbm>>
      %dma_start3A_227 = tpu.memref_squeeze %dma_start3A_226 : memref<1x6400000xi32, #tpu.memory_space<hbm>> -> memref<6400000xi32, #tpu.memory_space<hbm>>
      %dma_start3A_228 = tpu.memref_slice %dma_start3A_227[%multiple_of3A_222] : memref<6400000xi32, #tpu.memory_space<hbm>> -> memref<2048xi32, #tpu.memory_space<hbm>>
      %dma_start3A_229 = arith.constant 0 : i32
      %dma_start3A_230 = tpu.memref_slice %arg8[%dma_start3A_229] : memref<4096xi32, #tpu.memory_space<vmem>> -> memref<2048xi32, #tpu.memory_space<vmem>>
      %dma_start3A_231 = arith.constant 0 : i32
      %dma_start3A_232 = tpu.memref_slice %arg3[%scan3A, %dma_start3A_231] : memref<2x6400000xi32, #tpu.memory_space<hbm>> -> memref<1x6400000xi32, #tpu.memory_space<hbm>>
      %dma_start3A_233 = tpu.memref_squeeze %dma_start3A_232 : memref<1x6400000xi32, #tpu.memory_space<hbm>> -> memref<6400000xi32, #tpu.memory_space<hbm>>
      %dma_start3A_234 = tpu.memref_slice %dma_start3A_233[%multiple_of3A_222] : memref<6400000xi32, #tpu.memory_space<hbm>> -> memref<2048xi32, #tpu.memory_space<hbm>>
      tpu.enqueue_dma source(%dma_start3A_234 : memref<2048xi32, #tpu.memory_space<hbm>>) target(%dma_start3A_230 : memref<2048xi32, #tpu.memory_space<vmem>>) target_semaphore(%arg14 : memref<!tpu.dma_semaphore, #tpu.memory_space<semaphore_mem>>)
      %dma_start3A_235 = arith.constant 2048 : i32
      %dma_start3A_236 = tpu.memref_slice %arg8[%dma_start3A_235] : memref<4096xi32, #tpu.memory_space<vmem>> -> memref<2048xi32, #tpu.memory_space<vmem>>
      %dma_start3A_237 = arith.constant 0 : i32
      %dma_start3A_238 = tpu.memref_slice %arg3[%scan3A_90, %dma_start3A_237] : memref<2x6400000xi32, #tpu.memory_space<hbm>> -> memref<1x6400000xi32, #tpu.memory_space<hbm>>
      %dma_start3A_239 = tpu.memref_squeeze %dma_start3A_238 : memref<1x6400000xi32, #tpu.memory_space<hbm>> -> memref<6400000xi32, #tpu.memory_space<hbm>>
      %dma_start3A_240 = tpu.memref_slice %dma_start3A_239[%multiple_of3A_222] : memref<6400000xi32, #tpu.memory_space<hbm>> -> memref<2048xi32, #tpu.memory_space<hbm>>
      %dma_start3A_241 = arith.constant 2048 : i32
      %dma_start3A_242 = tpu.memref_slice %arg8[%dma_start3A_241] : memref<4096xi32, #tpu.memory_space<vmem>> -> memref<2048xi32, #tpu.memory_space<vmem>>
      %dma_start3A_243 = arith.constant 0 : i32
      %dma_start3A_244 = tpu.memref_slice %arg3[%scan3A_90, %dma_start3A_243] : memref<2x6400000xi32, #tpu.memory_space<hbm>> -> memref<1x6400000xi32, #tpu.memory_space<hbm>>
      %dma_start3A_245 = tpu.memref_squeeze %dma_start3A_244 : memref<1x6400000xi32, #tpu.memory_space<hbm>> -> memref<6400000xi32, #tpu.memory_space<hbm>>
      %dma_start3A_246 = tpu.memref_slice %dma_start3A_245[%multiple_of3A_222] : memref<6400000xi32, #tpu.memory_space<hbm>> -> memref<2048xi32, #tpu.memory_space<hbm>>
      tpu.enqueue_dma source(%dma_start3A_246 : memref<2048xi32, #tpu.memory_space<hbm>>) target(%dma_start3A_242 : memref<2048xi32, #tpu.memory_space<vmem>>) target_semaphore(%arg14 : memref<!tpu.dma_semaphore, #tpu.memory_space<semaphore_mem>>)
      %scan3A_247 = arith.constant 0 : i32
      %scan3A_248 = arith.constant 128 : i32
      %scan3A_249 = arith.addi %scan3A_247, %scan3A_248 : i32
      %scan3A_250 = arith.constant 4 : i32
      %scan3A_251:2 = scf.for %scan3A_253 = %scan3A_247 to %scan3A_249 step %scan3A_250 iter_args(%scan3A_254 = %scan3A_195#0, %scan3A_255 = %scan3A_195#1) -> (vector<16xf32>, vector<16xf32>)  : i32 {
        %mul3A_256 = arith.constant 16 : i32
        %mul3A_257 = arith.muli %scan3A_253, %mul3A_256 : i32
        %add3A_258 = vector.broadcast %mul3A_257 : i32 to vector<16xi32>
        %add3A_259 = arith.addi %add3A_258, %iota3A : vector<16xi32>
        %add3A_260 = arith.constant 2048 : i32
        %add3A_261 = vector.broadcast %add3A_260 : i32 to vector<16xi32>
        %add3A_262 = arith.addi %add3A_259, %add3A_261 : vector<16xi32>
        %gather3A = tpu.vector_load_idx %arg9[%add3A_259, %broadcast_in_dim3A_3] : memref<4096x8xf32, #tpu.memory_space<vmem>>[vector<16xi32>, vector<16xi32>], vector<16xf32>,
        %gather3A_263 = tpu.vector_load_idx %arg9[%add3A_262, %broadcast_in_dim3A_3] : memref<4096x8xf32, #tpu.memory_space<vmem>>[vector<16xi32>, vector<16xi32>], vector<16xf32>,
        %gather3A_264 = tpu.vector_load_idx %arg9[%add3A_259, %broadcast_in_dim3A_5] : memref<4096x8xf32, #tpu.memory_space<vmem>>[vector<16xi32>, vector<16xi32>], vector<16xf32>,
        %gather3A_265 = tpu.vector_load_idx %arg9[%add3A_262, %broadcast_in_dim3A_5] : memref<4096x8xf32, #tpu.memory_space<vmem>>[vector<16xi32>, vector<16xi32>], vector<16xf32>,
        %gather3A_266 = tpu.vector_load_idx %arg9[%add3A_259, %broadcast_in_dim3A_7] : memref<4096x8xf32, #tpu.memory_space<vmem>>[vector<16xi32>, vector<16xi32>], vector<16xf32>,
        %gather3A_267 = tpu.vector_load_idx %arg9[%add3A_262, %broadcast_in_dim3A_7] : memref<4096x8xf32, #tpu.memory_space<vmem>>[vector<16xi32>, vector<16xi32>], vector<16xf32>,
        %gather3A_268 = tpu.vector_load_idx %arg9[%add3A_259, %broadcast_in_dim3A_9] : memref<4096x8xf32, #tpu.memory_space<vmem>>[vector<16xi32>, vector<16xi32>], vector<16xf32>,
        %gather3A_269 = tpu.vector_load_idx %arg9[%add3A_262, %broadcast_in_dim3A_9] : memref<4096x8xf32, #tpu.memory_space<vmem>>[vector<16xi32>, vector<16xi32>], vector<16xf32>,
        %gather3A_270 = tpu.vector_load_idx %arg9[%add3A_259, %broadcast_in_dim3A_11] : memref<4096x8xf32, #tpu.memory_space<vmem>>[vector<16xi32>, vector<16xi32>], vector<16xf32>,
        %gather3A_271 = tpu.vector_load_idx %arg9[%add3A_262, %broadcast_in_dim3A_11] : memref<4096x8xf32, #tpu.memory_space<vmem>>[vector<16xi32>, vector<16xi32>], vector<16xf32>,
        %sub3A = arith.subf %gather3A, %gather3A_263 : vector<16xf32>
        %sub3A_272 = arith.subf %gather3A_264, %gather3A_265 : vector<16xf32>
        %sub3A_273 = arith.subf %gather3A_266, %gather3A_267 : vector<16xf32>
        %mul3A_274 = arith.mulf %sub3A, %sub3A : vector<16xf32>
        %mul3A_275 = arith.mulf %sub3A_272, %sub3A_272 : vector<16xf32>
        %mul3A_276 = arith.mulf %sub3A_273, %sub3A_273 : vector<16xf32>
        %add3A_277 = arith.addf %mul3A_275, %mul3A_276 : vector<16xf32>
        %add3A_278 = arith.addf %mul3A_274, %add3A_277 : vector<16xf32>
        %add3A_279 = arith.addf %scan3A_254, %add3A_278 : vector<16xf32>
        %sub3A_280 = arith.subf %gather3A_268, %gather3A_269 : vector<16xf32>
        %sub3A_281 = arith.subf %gather3A_270, %gather3A_271 : vector<16xf32>
        %mul3A_282 = arith.mulf %sub3A_280, %sub3A_280 : vector<16xf32>
        %mul3A_283 = arith.mulf %sub3A_281, %sub3A_281 : vector<16xf32>
        %add3A_284 = arith.addf %mul3A_282, %mul3A_283 : vector<16xf32>
        %max3A = arith.constant 9.99999996E-13 : f32
        %max3A_285 = vector.broadcast %max3A : f32 to vector<16xf32>
        %max3A_286 = arith.maximumf %add3A_284, %max3A_285 : vector<16xf32>
        %bitcast_convert_type3A = tpu.bitcast %max3A_286 : vector<16xf32> -> vector<16xi32>
        %shift_right_arithmetic3A = arith.constant 1 : i32
        %shift_right_arithmetic3A_287 = vector.broadcast %shift_right_arithmetic3A : i32 to vector<16xi32>
        %shift_right_arithmetic3A_288 = arith.shrsi %bitcast_convert_type3A, %shift_right_arithmetic3A_287 : vector<16xi32>
        %sub3A_289 = arith.constant 1597463007 : i32
        %sub3A_290 = vector.broadcast %sub3A_289 : i32 to vector<16xi32>
        %sub3A_291 = arith.subi %sub3A_290, %shift_right_arithmetic3A_288 : vector<16xi32>
        %bitcast_convert_type3A_292 = tpu.bitcast %sub3A_291 : vector<16xi32> -> vector<16xf32>
        %mul3A_293 = arith.constant 5.000000e-01 : f32
        %mul3A_294 = vector.broadcast %mul3A_293 : f32 to vector<16xf32>
        %mul3A_295 = arith.mulf %max3A_286, %mul3A_294 : vector<16xf32>
        %mul3A_296 = arith.mulf %mul3A_295, %bitcast_convert_type3A_292 : vector<16xf32>
        %mul3A_297 = arith.mulf %mul3A_296, %bitcast_convert_type3A_292 : vector<16xf32>
        %sub3A_298 = arith.constant 1.500000e+00 : f32
        %sub3A_299 = vector.broadcast %sub3A_298 : f32 to vector<16xf32>
        %sub3A_300 = arith.subf %sub3A_299, %mul3A_297 : vector<16xf32>
        %mul3A_301 = arith.mulf %bitcast_convert_type3A_292, %sub3A_300 : vector<16xf32>
        %abs3A = math.absf %sub3A : vector<16xf32>
        %mul3A_302 = arith.mulf %abs3A, %mul3A_301 : vector<16xf32>
        %sub3A_303 = arith.constant 1.000000e-01 : f32
        %sub3A_304 = vector.broadcast %sub3A_303 : f32 to vector<16xf32>
        %sub3A_305 = arith.subf %mul3A_302, %sub3A_304 : vector<16xf32>
        %max3A_306 = arith.constant 0.000000e+00 : f32
        %max3A_307 = vector.broadcast %max3A_306 : f32 to vector<16xf32>
        %max3A_308 = arith.maximumf %sub3A_305, %max3A_307 : vector<16xf32>
        %abs3A_309 = math.absf %sub3A_272 : vector<16xf32>
        %mul3A_310 = arith.mulf %abs3A_309, %mul3A_301 : vector<16xf32>
        %sub3A_311 = arith.constant 1.000000e-01 : f32
        %sub3A_312 = vector.broadcast %sub3A_311 : f32 to vector<16xf32>
        %sub3A_313 = arith.subf %mul3A_310, %sub3A_312 : vector<16xf32>
        %max3A_314 = arith.constant 0.000000e+00 : f32
        %max3A_315 = vector.broadcast %max3A_314 : f32 to vector<16xf32>
        %max3A_316 = arith.maximumf %sub3A_313, %max3A_315 : vector<16xf32>
        %abs3A_317 = math.absf %sub3A_273 : vector<16xf32>
        %mul3A_318 = arith.mulf %abs3A_317, %mul3A_301 : vector<16xf32>
        %sub3A_319 = arith.constant 1.000000e-01 : f32
        %sub3A_320 = vector.broadcast %sub3A_319 : f32 to vector<16xf32>
        %sub3A_321 = arith.subf %mul3A_318, %sub3A_320 : vector<16xf32>
        %max3A_322 = arith.constant 0.000000e+00 : f32
        %max3A_323 = vector.broadcast %max3A_322 : f32 to vector<16xf32>
        %max3A_324 = arith.maximumf %sub3A_321, %max3A_323 : vector<16xf32>
        %add3A_325 = arith.addf %max3A_316, %max3A_324 : vector<16xf32>
        %add3A_326 = arith.addf %max3A_308, %add3A_325 : vector<16xf32>
        %add3A_327 = arith.addf %scan3A_255, %add3A_326 : vector<16xf32>
        %scan3A_328 = arith.constant 1 : i32
        %scan3A_329 = arith.addi %scan3A_253, %scan3A_328 : i32
        %mul3A_330 = arith.constant 16 : i32
        %mul3A_331 = arith.muli %scan3A_329, %mul3A_330 : i32
        %add3A_332 = vector.broadcast %mul3A_331 : i32 to vector<16xi32>
        %add3A_333 = arith.addi %add3A_332, %iota3A : vector<16xi32>
        %add3A_334 = arith.constant 2048 : i32
        %add3A_335 = vector.broadcast %add3A_334 : i32 to vector<16xi32>
        %add3A_336 = arith.addi %add3A_333, %add3A_335 : vector<16xi32>
        %gather3A_337 = tpu.vector_load_idx %arg9[%add3A_333, %broadcast_in_dim3A_3] : memref<4096x8xf32, #tpu.memory_space<vmem>>[vector<16xi32>, vector<16xi32>], vector<16xf32>,
        %gather3A_338 = tpu.vector_load_idx %arg9[%add3A_336, %broadcast_in_dim3A_3] : memref<4096x8xf32, #tpu.memory_space<vmem>>[vector<16xi32>, vector<16xi32>], vector<16xf32>,
        %gather3A_339 = tpu.vector_load_idx %arg9[%add3A_333, %broadcast_in_dim3A_5] : memref<4096x8xf32, #tpu.memory_space<vmem>>[vector<16xi32>, vector<16xi32>], vector<16xf32>,
        %gather3A_340 = tpu.vector_load_idx %arg9[%add3A_336, %broadcast_in_dim3A_5] : memref<4096x8xf32, #tpu.memory_space<vmem>>[vector<16xi32>, vector<16xi32>], vector<16xf32>,
        %gather3A_341 = tpu.vector_load_idx %arg9[%add3A_333, %broadcast_in_dim3A_7] : memref<4096x8xf32, #tpu.memory_space<vmem>>[vector<16xi32>, vector<16xi32>], vector<16xf32>,
        %gather3A_342 = tpu.vector_load_idx %arg9[%add3A_336, %broadcast_in_dim3A_7] : memref<4096x8xf32, #tpu.memory_space<vmem>>[vector<16xi32>, vector<16xi32>], vector<16xf32>,
        %gather3A_343 = tpu.vector_load_idx %arg9[%add3A_333, %broadcast_in_dim3A_9] : memref<4096x8xf32, #tpu.memory_space<vmem>>[vector<16xi32>, vector<16xi32>], vector<16xf32>,
        %gather3A_344 = tpu.vector_load_idx %arg9[%add3A_336, %broadcast_in_dim3A_9] : memref<4096x8xf32, #tpu.memory_space<vmem>>[vector<16xi32>, vector<16xi32>], vector<16xf32>,
        %gather3A_345 = tpu.vector_load_idx %arg9[%add3A_333, %broadcast_in_dim3A_11] : memref<4096x8xf32, #tpu.memory_space<vmem>>[vector<16xi32>, vector<16xi32>], vector<16xf32>,
        %gather3A_346 = tpu.vector_load_idx %arg9[%add3A_336, %broadcast_in_dim3A_11] : memref<4096x8xf32, #tpu.memory_space<vmem>>[vector<16xi32>, vector<16xi32>], vector<16xf32>,
        %sub3A_347 = arith.subf %gather3A_337, %gather3A_338 : vector<16xf32>
        %sub3A_348 = arith.subf %gather3A_339, %gather3A_340 : vector<16xf32>
        %sub3A_349 = arith.subf %gather3A_341, %gather3A_342 : vector<16xf32>
        %mul3A_350 = arith.mulf %sub3A_347, %sub3A_347 : vector<16xf32>
        %mul3A_351 = arith.mulf %sub3A_348, %sub3A_348 : vector<16xf32>
        %mul3A_352 = arith.mulf %sub3A_349, %sub3A_349 : vector<16xf32>
        %add3A_353 = arith.addf %mul3A_351, %mul3A_352 : vector<16xf32>
        %add3A_354 = arith.addf %mul3A_350, %add3A_353 : vector<16xf32>
        %add3A_355 = arith.addf %add3A_279, %add3A_354 : vector<16xf32>
        %sub3A_356 = arith.subf %gather3A_343, %gather3A_344 : vector<16xf32>
        %sub3A_357 = arith.subf %gather3A_345, %gather3A_346 : vector<16xf32>
        %mul3A_358 = arith.mulf %sub3A_356, %sub3A_356 : vector<16xf32>
        %mul3A_359 = arith.mulf %sub3A_357, %sub3A_357 : vector<16xf32>
        %add3A_360 = arith.addf %mul3A_358, %mul3A_359 : vector<16xf32>
        %max3A_361 = arith.constant 9.99999996E-13 : f32
        %max3A_362 = vector.broadcast %max3A_361 : f32 to vector<16xf32>
        %max3A_363 = arith.maximumf %add3A_360, %max3A_362 : vector<16xf32>
        %bitcast_convert_type3A_364 = tpu.bitcast %max3A_363 : vector<16xf32> -> vector<16xi32>
        %shift_right_arithmetic3A_365 = arith.constant 1 : i32
        %shift_right_arithmetic3A_366 = vector.broadcast %shift_right_arithmetic3A_365 : i32 to vector<16xi32>
        %shift_right_arithmetic3A_367 = arith.shrsi %bitcast_convert_type3A_364, %shift_right_arithmetic3A_366 : vector<16xi32>
        %sub3A_368 = arith.constant 1597463007 : i32
        %sub3A_369 = vector.broadcast %sub3A_368 : i32 to vector<16xi32>
        %sub3A_370 = arith.subi %sub3A_369, %shift_right_arithmetic3A_367 : vector<16xi32>
        %bitcast_convert_type3A_371 = tpu.bitcast %sub3A_370 : vector<16xi32> -> vector<16xf32>
        %mul3A_372 = arith.constant 5.000000e-01 : f32
        %mul3A_373 = vector.broadcast %mul3A_372 : f32 to vector<16xf32>
        %mul3A_374 = arith.mulf %max3A_363, %mul3A_373 : vector<16xf32>
        %mul3A_375 = arith.mulf %mul3A_374, %bitcast_convert_type3A_371 : vector<16xf32>
        %mul3A_376 = arith.mulf %mul3A_375, %bitcast_convert_type3A_371 : vector<16xf32>
        %sub3A_377 = arith.constant 1.500000e+00 : f32
        %sub3A_378 = vector.broadcast %sub3A_377 : f32 to vector<16xf32>
        %sub3A_379 = arith.subf %sub3A_378, %mul3A_376 : vector<16xf32>
        %mul3A_380 = arith.mulf %bitcast_convert_type3A_371, %sub3A_379 : vector<16xf32>
        %abs3A_381 = math.absf %sub3A_347 : vector<16xf32>
        %mul3A_382 = arith.mulf %abs3A_381, %mul3A_380 : vector<16xf32>
        %sub3A_383 = arith.constant 1.000000e-01 : f32
        %sub3A_384 = vector.broadcast %sub3A_383 : f32 to vector<16xf32>
        %sub3A_385 = arith.subf %mul3A_382, %sub3A_384 : vector<16xf32>
        %max3A_386 = arith.constant 0.000000e+00 : f32
        %max3A_387 = vector.broadcast %max3A_386 : f32 to vector<16xf32>
        %max3A_388 = arith.maximumf %sub3A_385, %max3A_387 : vector<16xf32>
        %abs3A_389 = math.absf %sub3A_348 : vector<16xf32>
        %mul3A_390 = arith.mulf %abs3A_389, %mul3A_380 : vector<16xf32>
        %sub3A_391 = arith.constant 1.000000e-01 : f32
        %sub3A_392 = vector.broadcast %sub3A_391 : f32 to vector<16xf32>
        %sub3A_393 = arith.subf %mul3A_390, %sub3A_392 : vector<16xf32>
        %max3A_394 = arith.constant 0.000000e+00 : f32
        %max3A_395 = vector.broadcast %max3A_394 : f32 to vector<16xf32>
        %max3A_396 = arith.maximumf %sub3A_393, %max3A_395 : vector<16xf32>
        %abs3A_397 = math.absf %sub3A_349 : vector<16xf32>
        %mul3A_398 = arith.mulf %abs3A_397, %mul3A_380 : vector<16xf32>
        %sub3A_399 = arith.constant 1.000000e-01 : f32
        %sub3A_400 = vector.broadcast %sub3A_399 : f32 to vector<16xf32>
        %sub3A_401 = arith.subf %mul3A_398, %sub3A_400 : vector<16xf32>
        %max3A_402 = arith.constant 0.000000e+00 : f32
        %max3A_403 = vector.broadcast %max3A_402 : f32 to vector<16xf32>
        %max3A_404 = arith.maximumf %sub3A_401, %max3A_403 : vector<16xf32>
        %add3A_405 = arith.addf %max3A_396, %max3A_404 : vector<16xf32>
        %add3A_406 = arith.addf %max3A_388, %add3A_405 : vector<16xf32>
        %add3A_407 = arith.addf %add3A_327, %add3A_406 : vector<16xf32>
        %scan3A_408 = arith.constant 2 : i32
        %scan3A_409 = arith.addi %scan3A_253, %scan3A_408 : i32
        %mul3A_410 = arith.constant 16 : i32
        %mul3A_411 = arith.muli %scan3A_409, %mul3A_410 : i32
        %add3A_412 = vector.broadcast %mul3A_411 : i32 to vector<16xi32>
        %add3A_413 = arith.addi %add3A_412, %iota3A : vector<16xi32>
        %add3A_414 = arith.constant 2048 : i32
        %add3A_415 = vector.broadcast %add3A_414 : i32 to vector<16xi32>
        %add3A_416 = arith.addi %add3A_413, %add3A_415 : vector<16xi32>
        %gather3A_417 = tpu.vector_load_idx %arg9[%add3A_413, %broadcast_in_dim3A_3] : memref<4096x8xf32, #tpu.memory_space<vmem>>[vector<16xi32>, vector<16xi32>], vector<16xf32>,
        %gather3A_418 = tpu.vector_load_idx %arg9[%add3A_416, %broadcast_in_dim3A_3] : memref<4096x8xf32, #tpu.memory_space<vmem>>[vector<16xi32>, vector<16xi32>], vector<16xf32>,
        %gather3A_419 = tpu.vector_load_idx %arg9[%add3A_413, %broadcast_in_dim3A_5] : memref<4096x8xf32, #tpu.memory_space<vmem>>[vector<16xi32>, vector<16xi32>], vector<16xf32>,
        %gather3A_420 = tpu.vector_load_idx %arg9[%add3A_416, %broadcast_in_dim3A_5] : memref<4096x8xf32, #tpu.memory_space<vmem>>[vector<16xi32>, vector<16xi32>], vector<16xf32>,
        %gather3A_421 = tpu.vector_load_idx %arg9[%add3A_413, %broadcast_in_dim3A_7] : memref<4096x8xf32, #tpu.memory_space<vmem>>[vector<16xi32>, vector<16xi32>], vector<16xf32>,
        %gather3A_422 = tpu.vector_load_idx %arg9[%add3A_416, %broadcast_in_dim3A_7] : memref<4096x8xf32, #tpu.memory_space<vmem>>[vector<16xi32>, vector<16xi32>], vector<16xf32>,
        %gather3A_423 = tpu.vector_load_idx %arg9[%add3A_413, %broadcast_in_dim3A_9] : memref<4096x8xf32, #tpu.memory_space<vmem>>[vector<16xi32>, vector<16xi32>], vector<16xf32>,
        %gather3A_424 = tpu.vector_load_idx %arg9[%add3A_416, %broadcast_in_dim3A_9] : memref<4096x8xf32, #tpu.memory_space<vmem>>[vector<16xi32>, vector<16xi32>], vector<16xf32>,
        %gather3A_425 = tpu.vector_load_idx %arg9[%add3A_413, %broadcast_in_dim3A_11] : memref<4096x8xf32, #tpu.memory_space<vmem>>[vector<16xi32>, vector<16xi32>], vector<16xf32>,
        %gather3A_426 = tpu.vector_load_idx %arg9[%add3A_416, %broadcast_in_dim3A_11] : memref<4096x8xf32, #tpu.memory_space<vmem>>[vector<16xi32>, vector<16xi32>], vector<16xf32>,
        %sub3A_427 = arith.subf %gather3A_417, %gather3A_418 : vector<16xf32>
        %sub3A_428 = arith.subf %gather3A_419, %gather3A_420 : vector<16xf32>
        %sub3A_429 = arith.subf %gather3A_421, %gather3A_422 : vector<16xf32>
        %mul3A_430 = arith.mulf %sub3A_427, %sub3A_427 : vector<16xf32>
        %mul3A_431 = arith.mulf %sub3A_428, %sub3A_428 : vector<16xf32>
        %mul3A_432 = arith.mulf %sub3A_429, %sub3A_429 : vector<16xf32>
        %add3A_433 = arith.addf %mul3A_431, %mul3A_432 : vector<16xf32>
        %add3A_434 = arith.addf %mul3A_430, %add3A_433 : vector<16xf32>
        %add3A_435 = arith.addf %add3A_355, %add3A_434 : vector<16xf32>
        %sub3A_436 = arith.subf %gather3A_423, %gather3A_424 : vector<16xf32>
        %sub3A_437 = arith.subf %gather3A_425, %gather3A_426 : vector<16xf32>
        %mul3A_438 = arith.mulf %sub3A_436, %sub3A_436 : vector<16xf32>
        %mul3A_439 = arith.mulf %sub3A_437, %sub3A_437 : vector<16xf32>
        %add3A_440 = arith.addf %mul3A_438, %mul3A_439 : vector<16xf32>
        %max3A_441 = arith.constant 9.99999996E-13 : f32
        %max3A_442 = vector.broadcast %max3A_441 : f32 to vector<16xf32>
        %max3A_443 = arith.maximumf %add3A_440, %max3A_442 : vector<16xf32>
        %bitcast_convert_type3A_444 = tpu.bitcast %max3A_443 : vector<16xf32> -> vector<16xi32>
        %shift_right_arithmetic3A_445 = arith.constant 1 : i32
        %shift_right_arithmetic3A_446 = vector.broadcast %shift_right_arithmetic3A_445 : i32 to vector<16xi32>
        %shift_right_arithmetic3A_447 = arith.shrsi %bitcast_convert_type3A_444, %shift_right_arithmetic3A_446 : vector<16xi32>
        %sub3A_448 = arith.constant 1597463007 : i32
        %sub3A_449 = vector.broadcast %sub3A_448 : i32 to vector<16xi32>
        %sub3A_450 = arith.subi %sub3A_449, %shift_right_arithmetic3A_447 : vector<16xi32>
        %bitcast_convert_type3A_451 = tpu.bitcast %sub3A_450 : vector<16xi32> -> vector<16xf32>
        %mul3A_452 = arith.constant 5.000000e-01 : f32
        %mul3A_453 = vector.broadcast %mul3A_452 : f32 to vector<16xf32>
        %mul3A_454 = arith.mulf %max3A_443, %mul3A_453 : vector<16xf32>
        %mul3A_455 = arith.mulf %mul3A_454, %bitcast_convert_type3A_451 : vector<16xf32>
        %mul3A_456 = arith.mulf %mul3A_455, %bitcast_convert_type3A_451 : vector<16xf32>
        %sub3A_457 = arith.constant 1.500000e+00 : f32
        %sub3A_458 = vector.broadcast %sub3A_457 : f32 to vector<16xf32>
        %sub3A_459 = arith.subf %sub3A_458, %mul3A_456 : vector<16xf32>
        %mul3A_460 = arith.mulf %bitcast_convert_type3A_451, %sub3A_459 : vector<16xf32>
        %abs3A_461 = math.absf %sub3A_427 : vector<16xf32>
        %mul3A_462 = arith.mulf %abs3A_461, %mul3A_460 : vector<16xf32>
        %sub3A_463 = arith.constant 1.000000e-01 : f32
        %sub3A_464 = vector.broadcast %sub3A_463 : f32 to vector<16xf32>
        %sub3A_465 = arith.subf %mul3A_462, %sub3A_464 : vector<16xf32>
        %max3A_466 = arith.constant 0.000000e+00 : f32
        %max3A_467 = vector.broadcast %max3A_466 : f32 to vector<16xf32>
        %max3A_468 = arith.maximumf %sub3A_465, %max3A_467 : vector<16xf32>
        %abs3A_469 = math.absf %sub3A_428 : vector<16xf32>
        %mul3A_470 = arith.mulf %abs3A_469, %mul3A_460 : vector<16xf32>
        %sub3A_471 = arith.constant 1.000000e-01 : f32
        %sub3A_472 = vector.broadcast %sub3A_471 : f32 to vector<16xf32>
        %sub3A_473 = arith.subf %mul3A_470, %sub3A_472 : vector<16xf32>
        %max3A_474 = arith.constant 0.000000e+00 : f32
        %max3A_475 = vector.broadcast %max3A_474 : f32 to vector<16xf32>
        %max3A_476 = arith.maximumf %sub3A_473, %max3A_475 : vector<16xf32>
        %abs3A_477 = math.absf %sub3A_429 : vector<16xf32>
        %mul3A_478 = arith.mulf %abs3A_477, %mul3A_460 : vector<16xf32>
        %sub3A_479 = arith.constant 1.000000e-01 : f32
        %sub3A_480 = vector.broadcast %sub3A_479 : f32 to vector<16xf32>
        %sub3A_481 = arith.subf %mul3A_478, %sub3A_480 : vector<16xf32>
        %max3A_482 = arith.constant 0.000000e+00 : f32
        %max3A_483 = vector.broadcast %max3A_482 : f32 to vector<16xf32>
        %max3A_484 = arith.maximumf %sub3A_481, %max3A_483 : vector<16xf32>
        %add3A_485 = arith.addf %max3A_476, %max3A_484 : vector<16xf32>
        %add3A_486 = arith.addf %max3A_468, %add3A_485 : vector<16xf32>
        %add3A_487 = arith.addf %add3A_407, %add3A_486 : vector<16xf32>
        %scan3A_488 = arith.constant 3 : i32
        %scan3A_489 = arith.addi %scan3A_253, %scan3A_488 : i32
        %mul3A_490 = arith.constant 16 : i32
        %mul3A_491 = arith.muli %scan3A_489, %mul3A_490 : i32
        %add3A_492 = vector.broadcast %mul3A_491 : i32 to vector<16xi32>
        %add3A_493 = arith.addi %add3A_492, %iota3A : vector<16xi32>
        %add3A_494 = arith.constant 2048 : i32
        %add3A_495 = vector.broadcast %add3A_494 : i32 to vector<16xi32>
        %add3A_496 = arith.addi %add3A_493, %add3A_495 : vector<16xi32>
        %gather3A_497 = tpu.vector_load_idx %arg9[%add3A_493, %broadcast_in_dim3A_3] : memref<4096x8xf32, #tpu.memory_space<vmem>>[vector<16xi32>, vector<16xi32>], vector<16xf32>,
        %gather3A_498 = tpu.vector_load_idx %arg9[%add3A_496, %broadcast_in_dim3A_3] : memref<4096x8xf32, #tpu.memory_space<vmem>>[vector<16xi32>, vector<16xi32>], vector<16xf32>,
        %gather3A_499 = tpu.vector_load_idx %arg9[%add3A_493, %broadcast_in_dim3A_5] : memref<4096x8xf32, #tpu.memory_space<vmem>>[vector<16xi32>, vector<16xi32>], vector<16xf32>,
        %gather3A_500 = tpu.vector_load_idx %arg9[%add3A_496, %broadcast_in_dim3A_5] : memref<4096x8xf32, #tpu.memory_space<vmem>>[vector<16xi32>, vector<16xi32>], vector<16xf32>,
        %gather3A_501 = tpu.vector_load_idx %arg9[%add3A_493, %broadcast_in_dim3A_7] : memref<4096x8xf32, #tpu.memory_space<vmem>>[vector<16xi32>, vector<16xi32>], vector<16xf32>,
        %gather3A_502 = tpu.vector_load_idx %arg9[%add3A_496, %broadcast_in_dim3A_7] : memref<4096x8xf32, #tpu.memory_space<vmem>>[vector<16xi32>, vector<16xi32>], vector<16xf32>,
        %gather3A_503 = tpu.vector_load_idx %arg9[%add3A_493, %broadcast_in_dim3A_9] : memref<4096x8xf32, #tpu.memory_space<vmem>>[vector<16xi32>, vector<16xi32>], vector<16xf32>,
        %gather3A_504 = tpu.vector_load_idx %arg9[%add3A_496, %broadcast_in_dim3A_9] : memref<4096x8xf32, #tpu.memory_space<vmem>>[vector<16xi32>, vector<16xi32>], vector<16xf32>,
        %gather3A_505 = tpu.vector_load_idx %arg9[%add3A_493, %broadcast_in_dim3A_11] : memref<4096x8xf32, #tpu.memory_space<vmem>>[vector<16xi32>, vector<16xi32>], vector<16xf32>,
        %gather3A_506 = tpu.vector_load_idx %arg9[%add3A_496, %broadcast_in_dim3A_11] : memref<4096x8xf32, #tpu.memory_space<vmem>>[vector<16xi32>, vector<16xi32>], vector<16xf32>,
        %sub3A_507 = arith.subf %gather3A_497, %gather3A_498 : vector<16xf32>
        %sub3A_508 = arith.subf %gather3A_499, %gather3A_500 : vector<16xf32>
        %sub3A_509 = arith.subf %gather3A_501, %gather3A_502 : vector<16xf32>
        %mul3A_510 = arith.mulf %sub3A_507, %sub3A_507 : vector<16xf32>
        %mul3A_511 = arith.mulf %sub3A_508, %sub3A_508 : vector<16xf32>
        %mul3A_512 = arith.mulf %sub3A_509, %sub3A_509 : vector<16xf32>
        %add3A_513 = arith.addf %mul3A_511, %mul3A_512 : vector<16xf32>
        %add3A_514 = arith.addf %mul3A_510, %add3A_513 : vector<16xf32>
        %add3A_515 = arith.addf %add3A_435, %add3A_514 : vector<16xf32>
        %sub3A_516 = arith.subf %gather3A_503, %gather3A_504 : vector<16xf32>
        %sub3A_517 = arith.subf %gather3A_505, %gather3A_506 : vector<16xf32>
        %mul3A_518 = arith.mulf %sub3A_516, %sub3A_516 : vector<16xf32>
        %mul3A_519 = arith.mulf %sub3A_517, %sub3A_517 : vector<16xf32>
        %add3A_520 = arith.addf %mul3A_518, %mul3A_519 : vector<16xf32>
        %max3A_521 = arith.constant 9.99999996E-13 : f32
        %max3A_522 = vector.broadcast %max3A_521 : f32 to vector<16xf32>
        %max3A_523 = arith.maximumf %add3A_520, %max3A_522 : vector<16xf32>
        %bitcast_convert_type3A_524 = tpu.bitcast %max3A_523 : vector<16xf32> -> vector<16xi32>
        %shift_right_arithmetic3A_525 = arith.constant 1 : i32
        %shift_right_arithmetic3A_526 = vector.broadcast %shift_right_arithmetic3A_525 : i32 to vector<16xi32>
        %shift_right_arithmetic3A_527 = arith.shrsi %bitcast_convert_type3A_524, %shift_right_arithmetic3A_526 : vector<16xi32>
        %sub3A_528 = arith.constant 1597463007 : i32
        %sub3A_529 = vector.broadcast %sub3A_528 : i32 to vector<16xi32>
        %sub3A_530 = arith.subi %sub3A_529, %shift_right_arithmetic3A_527 : vector<16xi32>
        %bitcast_convert_type3A_531 = tpu.bitcast %sub3A_530 : vector<16xi32> -> vector<16xf32>
        %mul3A_532 = arith.constant 5.000000e-01 : f32
        %mul3A_533 = vector.broadcast %mul3A_532 : f32 to vector<16xf32>
        %mul3A_534 = arith.mulf %max3A_523, %mul3A_533 : vector<16xf32>
        %mul3A_535 = arith.mulf %mul3A_534, %bitcast_convert_type3A_531 : vector<16xf32>
        %mul3A_536 = arith.mulf %mul3A_535, %bitcast_convert_type3A_531 : vector<16xf32>
        %sub3A_537 = arith.constant 1.500000e+00 : f32
        %sub3A_538 = vector.broadcast %sub3A_537 : f32 to vector<16xf32>
        %sub3A_539 = arith.subf %sub3A_538, %mul3A_536 : vector<16xf32>
        %mul3A_540 = arith.mulf %bitcast_convert_type3A_531, %sub3A_539 : vector<16xf32>
        %abs3A_541 = math.absf %sub3A_507 : vector<16xf32>
        %mul3A_542 = arith.mulf %abs3A_541, %mul3A_540 : vector<16xf32>
        %sub3A_543 = arith.constant 1.000000e-01 : f32
        %sub3A_544 = vector.broadcast %sub3A_543 : f32 to vector<16xf32>
        %sub3A_545 = arith.subf %mul3A_542, %sub3A_544 : vector<16xf32>
        %max3A_546 = arith.constant 0.000000e+00 : f32
        %max3A_547 = vector.broadcast %max3A_546 : f32 to vector<16xf32>
        %max3A_548 = arith.maximumf %sub3A_545, %max3A_547 : vector<16xf32>
        %abs3A_549 = math.absf %sub3A_508 : vector<16xf32>
        %mul3A_550 = arith.mulf %abs3A_549, %mul3A_540 : vector<16xf32>
        %sub3A_551 = arith.constant 1.000000e-01 : f32
        %sub3A_552 = vector.broadcast %sub3A_551 : f32 to vector<16xf32>
        %sub3A_553 = arith.subf %mul3A_550, %sub3A_552 : vector<16xf32>
        %max3A_554 = arith.constant 0.000000e+00 : f32
        %max3A_555 = vector.broadcast %max3A_554 : f32 to vector<16xf32>
        %max3A_556 = arith.maximumf %sub3A_553, %max3A_555 : vector<16xf32>
        %abs3A_557 = math.absf %sub3A_509 : vector<16xf32>
        %mul3A_558 = arith.mulf %abs3A_557, %mul3A_540 : vector<16xf32>
        %sub3A_559 = arith.constant 1.000000e-01 : f32
        %sub3A_560 = vector.broadcast %sub3A_559 : f32 to vector<16xf32>
        %sub3A_561 = arith.subf %mul3A_558, %sub3A_560 : vector<16xf32>
        %max3A_562 = arith.constant 0.000000e+00 : f32
        %max3A_563 = vector.broadcast %max3A_562 : f32 to vector<16xf32>
        %max3A_564 = arith.maximumf %sub3A_561, %max3A_563 : vector<16xf32>
        %add3A_565 = arith.addf %max3A_556, %max3A_564 : vector<16xf32>
        %add3A_566 = arith.addf %max3A_548, %add3A_565 : vector<16xf32>
        %add3A_567 = arith.addf %add3A_487, %add3A_566 : vector<16xf32>
        scf.yield %add3A_515, %add3A_567 : vector<16xf32>, vector<16xf32>
      }
      %scan3A_252 = arith.constant 128 : i32
      scf.yield %scan3A_251#0, %scan3A_251#1 : vector<16xf32>, vector<16xf32>
    }
    %scan3A_96 = arith.constant 48 : i32
    %dma_wait3A_97 = arith.constant 0 : i32
    %dma_wait3A_98 = arith.constant 0 : i32
    %dma_wait3A_99 = tpu.memref_slice %arg12[%dma_wait3A_97, %dma_wait3A_98] : memref<100000x8xf32, #tpu.memory_space<vmem_shared>> -> memref<100000x8xf32, #tpu.memory_space<vmem_shared>>
    tpu.wait_indirect_dma semaphore(%arg15 : memref<!tpu.dma_semaphore, #tpu.memory_space<semaphore_mem>>) src(%dma_wait3A_99 : memref<100000x8xf32, #tpu.memory_space<vmem_shared>>) dst(%arg7 : memref<4096x8xf32, #tpu.memory_space<vmem>>)
    %dma_wait3A_100 = arith.constant 0 : i32
    %dma_wait3A_101 = arith.constant 0 : i32
    %dma_wait3A_102 = tpu.memref_slice %arg3[%dma_wait3A_100, %dma_wait3A_101] : memref<2x6400000xi32, #tpu.memory_space<hbm>> -> memref<1x6400000xi32, #tpu.memory_space<hbm>>
    %dma_wait3A_103 = tpu.memref_squeeze %dma_wait3A_102 : memref<1x6400000xi32, #tpu.memory_space<hbm>> -> memref<6400000xi32, #tpu.memory_space<hbm>>
    %dma_wait3A_104 = arith.constant 0 : i32
    %dma_wait3A_105 = tpu.memref_slice %dma_wait3A_103[%dma_wait3A_104] : memref<6400000xi32, #tpu.memory_space<hbm>> -> memref<4096xi32, #tpu.memory_space<hbm>>
    %dma_wait3A_106 = arith.constant 0 : i32
    %dma_wait3A_107 = tpu.memref_slice %arg3[%dma_wait3A_100, %dma_wait3A_106] : memref<2x6400000xi32, #tpu.memory_space<hbm>> -> memref<1x6400000xi32, #tpu.memory_space<hbm>>
    %dma_wait3A_108 = tpu.memref_squeeze %dma_wait3A_107 : memref<1x6400000xi32, #tpu.memory_space<hbm>> -> memref<6400000xi32, #tpu.memory_space<hbm>>
    %dma_wait3A_109 = arith.constant 0 : i32
    %dma_wait3A_110 = tpu.memref_slice %dma_wait3A_108[%dma_wait3A_109] : memref<6400000xi32, #tpu.memory_space<hbm>> -> memref<4096xi32, #tpu.memory_space<hbm>>
    tpu.wait_dma2 semaphore(%arg14 : memref<!tpu.dma_semaphore, #tpu.memory_space<semaphore_mem>>) src(%dma_wait3A_110 : memref<4096xi32, #tpu.memory_space<hbm>>) dst(%arg8 : memref<4096xi32, #tpu.memory_space<vmem>>)
    %dma_start3A_111 = arith.constant 0 : i32
    %dma_start3A_112 = arith.constant 0 : i32
    %dma_start3A_113 = tpu.memref_slice %arg12[%dma_start3A_111, %dma_start3A_112] : memref<100000x8xf32, #tpu.memory_space<vmem_shared>> -> memref<100000x8xf32, #tpu.memory_space<vmem_shared>>
    tpu.enqueue_indirect_dma source(%dma_start3A_113 : memref<100000x8xf32, #tpu.memory_space<vmem_shared>>) target(%arg9 : memref<4096x8xf32, #tpu.memory_space<vmem>>) offsets(%arg8 : memref<4096xi32, #tpu.memory_space<vmem>>) semaphore(%arg16 : memref<!tpu.dma_semaphore, #tpu.memory_space<semaphore_mem>>)
    %scan3A_114 = arith.constant 0 : i32
    %scan3A_115 = arith.constant 128 : i32
    %scan3A_116 = arith.addi %scan3A_114, %scan3A_115 : i32
    %scan3A_117 = arith.constant 4 : i32
    %scan3A_118:2 = scf.for %scan3A_136 = %scan3A_114 to %scan3A_116 step %scan3A_117 iter_args(%scan3A_137 = %scan3A_95#0, %scan3A_138 = %scan3A_95#1) -> (vector<16xf32>, vector<16xf32>)  : i32 {
      %mul3A_139 = arith.constant 16 : i32
      %mul3A_140 = arith.muli %scan3A_136, %mul3A_139 : i32
      %add3A_141 = vector.broadcast %mul3A_140 : i32 to vector<16xi32>
      %add3A_142 = arith.addi %add3A_141, %iota3A : vector<16xi32>
      %add3A_143 = arith.constant 2048 : i32
      %add3A_144 = vector.broadcast %add3A_143 : i32 to vector<16xi32>
      %add3A_145 = arith.addi %add3A_142, %add3A_144 : vector<16xi32>
      %gather3A = tpu.vector_load_idx %arg7[%add3A_142, %broadcast_in_dim3A_3] : memref<4096x8xf32, #tpu.memory_space<vmem>>[vector<16xi32>, vector<16xi32>], vector<16xf32>,
      %gather3A_146 = tpu.vector_load_idx %arg7[%add3A_145, %broadcast_in_dim3A_3] : memref<4096x8xf32, #tpu.memory_space<vmem>>[vector<16xi32>, vector<16xi32>], vector<16xf32>,
      %gather3A_147 = tpu.vector_load_idx %arg7[%add3A_142, %broadcast_in_dim3A_5] : memref<4096x8xf32, #tpu.memory_space<vmem>>[vector<16xi32>, vector<16xi32>], vector<16xf32>,
      %gather3A_148 = tpu.vector_load_idx %arg7[%add3A_145, %broadcast_in_dim3A_5] : memref<4096x8xf32, #tpu.memory_space<vmem>>[vector<16xi32>, vector<16xi32>], vector<16xf32>,
      %gather3A_149 = tpu.vector_load_idx %arg7[%add3A_142, %broadcast_in_dim3A_7] : memref<4096x8xf32, #tpu.memory_space<vmem>>[vector<16xi32>, vector<16xi32>], vector<16xf32>,
      %gather3A_150 = tpu.vector_load_idx %arg7[%add3A_145, %broadcast_in_dim3A_7] : memref<4096x8xf32, #tpu.memory_space<vmem>>[vector<16xi32>, vector<16xi32>], vector<16xf32>,
      %gather3A_151 = tpu.vector_load_idx %arg7[%add3A_142, %broadcast_in_dim3A_9] : memref<4096x8xf32, #tpu.memory_space<vmem>>[vector<16xi32>, vector<16xi32>], vector<16xf32>,
      %gather3A_152 = tpu.vector_load_idx %arg7[%add3A_145, %broadcast_in_dim3A_9] : memref<4096x8xf32, #tpu.memory_space<vmem>>[vector<16xi32>, vector<16xi32>], vector<16xf32>,
      %gather3A_153 = tpu.vector_load_idx %arg7[%add3A_142, %broadcast_in_dim3A_11] : memref<4096x8xf32, #tpu.memory_space<vmem>>[vector<16xi32>, vector<16xi32>], vector<16xf32>,
      %gather3A_154 = tpu.vector_load_idx %arg7[%add3A_145, %broadcast_in_dim3A_11] : memref<4096x8xf32, #tpu.memory_space<vmem>>[vector<16xi32>, vector<16xi32>], vector<16xf32>,
      %sub3A = arith.subf %gather3A, %gather3A_146 : vector<16xf32>
      %sub3A_155 = arith.subf %gather3A_147, %gather3A_148 : vector<16xf32>
      %sub3A_156 = arith.subf %gather3A_149, %gather3A_150 : vector<16xf32>
      %mul3A_157 = arith.mulf %sub3A, %sub3A : vector<16xf32>
      %mul3A_158 = arith.mulf %sub3A_155, %sub3A_155 : vector<16xf32>
      %mul3A_159 = arith.mulf %sub3A_156, %sub3A_156 : vector<16xf32>
      %add3A_160 = arith.addf %mul3A_158, %mul3A_159 : vector<16xf32>
      %add3A_161 = arith.addf %mul3A_157, %add3A_160 : vector<16xf32>
      %add3A_162 = arith.addf %scan3A_137, %add3A_161 : vector<16xf32>
      %sub3A_163 = arith.subf %gather3A_151, %gather3A_152 : vector<16xf32>
      %sub3A_164 = arith.subf %gather3A_153, %gather3A_154 : vector<16xf32>
      %mul3A_165 = arith.mulf %sub3A_163, %sub3A_163 : vector<16xf32>
      %mul3A_166 = arith.mulf %sub3A_164, %sub3A_164 : vector<16xf32>
      %add3A_167 = arith.addf %mul3A_165, %mul3A_166 : vector<16xf32>
      %max3A = arith.constant 9.99999996E-13 : f32
      %max3A_168 = vector.broadcast %max3A : f32 to vector<16xf32>
      %max3A_169 = arith.maximumf %add3A_167, %max3A_168 : vector<16xf32>
      %bitcast_convert_type3A = tpu.bitcast %max3A_169 : vector<16xf32> -> vector<16xi32>
      %shift_right_arithmetic3A = arith.constant 1 : i32
      %shift_right_arithmetic3A_170 = vector.broadcast %shift_right_arithmetic3A : i32 to vector<16xi32>
      %shift_right_arithmetic3A_171 = arith.shrsi %bitcast_convert_type3A, %shift_right_arithmetic3A_170 : vector<16xi32>
      %sub3A_172 = arith.constant 1597463007 : i32
      %sub3A_173 = vector.broadcast %sub3A_172 : i32 to vector<16xi32>
      %sub3A_174 = arith.subi %sub3A_173, %shift_right_arithmetic3A_171 : vector<16xi32>
      %bitcast_convert_type3A_175 = tpu.bitcast %sub3A_174 : vector<16xi32> -> vector<16xf32>
      %mul3A_176 = arith.constant 5.000000e-01 : f32
      %mul3A_177 = vector.broadcast %mul3A_176 : f32 to vector<16xf32>
      %mul3A_178 = arith.mulf %max3A_169, %mul3A_177 : vector<16xf32>
      %mul3A_179 = arith.mulf %mul3A_178, %bitcast_convert_type3A_175 : vector<16xf32>
      %mul3A_180 = arith.mulf %mul3A_179, %bitcast_convert_type3A_175 : vector<16xf32>
      %sub3A_181 = arith.constant 1.500000e+00 : f32
      %sub3A_182 = vector.broadcast %sub3A_181 : f32 to vector<16xf32>
      %sub3A_183 = arith.subf %sub3A_182, %mul3A_180 : vector<16xf32>
      %mul3A_184 = arith.mulf %bitcast_convert_type3A_175, %sub3A_183 : vector<16xf32>
      %abs3A = math.absf %sub3A : vector<16xf32>
      %mul3A_185 = arith.mulf %abs3A, %mul3A_184 : vector<16xf32>
      %sub3A_186 = arith.constant 1.000000e-01 : f32
      %sub3A_187 = vector.broadcast %sub3A_186 : f32 to vector<16xf32>
      %sub3A_188 = arith.subf %mul3A_185, %sub3A_187 : vector<16xf32>
      %max3A_189 = arith.constant 0.000000e+00 : f32
      %max3A_190 = vector.broadcast %max3A_189 : f32 to vector<16xf32>
      %max3A_191 = arith.maximumf %sub3A_188, %max3A_190 : vector<16xf32>
      %abs3A_192 = math.absf %sub3A_155 : vector<16xf32>
      %mul3A_193 = arith.mulf %abs3A_192, %mul3A_184 : vector<16xf32>
      %sub3A_194 = arith.constant 1.000000e-01 : f32
      %sub3A_195 = vector.broadcast %sub3A_194 : f32 to vector<16xf32>
      %sub3A_196 = arith.subf %mul3A_193, %sub3A_195 : vector<16xf32>
      %max3A_197 = arith.constant 0.000000e+00 : f32
      %max3A_198 = vector.broadcast %max3A_197 : f32 to vector<16xf32>
      %max3A_199 = arith.maximumf %sub3A_196, %max3A_198 : vector<16xf32>
      %abs3A_200 = math.absf %sub3A_156 : vector<16xf32>
      %mul3A_201 = arith.mulf %abs3A_200, %mul3A_184 : vector<16xf32>
      %sub3A_202 = arith.constant 1.000000e-01 : f32
      %sub3A_203 = vector.broadcast %sub3A_202 : f32 to vector<16xf32>
      %sub3A_204 = arith.subf %mul3A_201, %sub3A_203 : vector<16xf32>
      %max3A_205 = arith.constant 0.000000e+00 : f32
      %max3A_206 = vector.broadcast %max3A_205 : f32 to vector<16xf32>
      %max3A_207 = arith.maximumf %sub3A_204, %max3A_206 : vector<16xf32>
      %add3A_208 = arith.addf %max3A_199, %max3A_207 : vector<16xf32>
      %add3A_209 = arith.addf %max3A_191, %add3A_208 : vector<16xf32>
      %add3A_210 = arith.addf %scan3A_138, %add3A_209 : vector<16xf32>
      %scan3A_211 = arith.constant 1 : i32
      %scan3A_212 = arith.addi %scan3A_136, %scan3A_211 : i32
      %mul3A_213 = arith.constant 16 : i32
      %mul3A_214 = arith.muli %scan3A_212, %mul3A_213 : i32
      %add3A_215 = vector.broadcast %mul3A_214 : i32 to vector<16xi32>
      %add3A_216 = arith.addi %add3A_215, %iota3A : vector<16xi32>
      %add3A_217 = arith.constant 2048 : i32
      %add3A_218 = vector.broadcast %add3A_217 : i32 to vector<16xi32>
      %add3A_219 = arith.addi %add3A_216, %add3A_218 : vector<16xi32>
      %gather3A_220 = tpu.vector_load_idx %arg7[%add3A_216, %broadcast_in_dim3A_3] : memref<4096x8xf32, #tpu.memory_space<vmem>>[vector<16xi32>, vector<16xi32>], vector<16xf32>,
      %gather3A_221 = tpu.vector_load_idx %arg7[%add3A_219, %broadcast_in_dim3A_3] : memref<4096x8xf32, #tpu.memory_space<vmem>>[vector<16xi32>, vector<16xi32>], vector<16xf32>,
      %gather3A_222 = tpu.vector_load_idx %arg7[%add3A_216, %broadcast_in_dim3A_5] : memref<4096x8xf32, #tpu.memory_space<vmem>>[vector<16xi32>, vector<16xi32>], vector<16xf32>,
      %gather3A_223 = tpu.vector_load_idx %arg7[%add3A_219, %broadcast_in_dim3A_5] : memref<4096x8xf32, #tpu.memory_space<vmem>>[vector<16xi32>, vector<16xi32>], vector<16xf32>,
      %gather3A_224 = tpu.vector_load_idx %arg7[%add3A_216, %broadcast_in_dim3A_7] : memref<4096x8xf32, #tpu.memory_space<vmem>>[vector<16xi32>, vector<16xi32>], vector<16xf32>,
      %gather3A_225 = tpu.vector_load_idx %arg7[%add3A_219, %broadcast_in_dim3A_7] : memref<4096x8xf32, #tpu.memory_space<vmem>>[vector<16xi32>, vector<16xi32>], vector<16xf32>,
      %gather3A_226 = tpu.vector_load_idx %arg7[%add3A_216, %broadcast_in_dim3A_9] : memref<4096x8xf32, #tpu.memory_space<vmem>>[vector<16xi32>, vector<16xi32>], vector<16xf32>,
      %gather3A_227 = tpu.vector_load_idx %arg7[%add3A_219, %broadcast_in_dim3A_9] : memref<4096x8xf32, #tpu.memory_space<vmem>>[vector<16xi32>, vector<16xi32>], vector<16xf32>,
      %gather3A_228 = tpu.vector_load_idx %arg7[%add3A_216, %broadcast_in_dim3A_11] : memref<4096x8xf32, #tpu.memory_space<vmem>>[vector<16xi32>, vector<16xi32>], vector<16xf32>,
      %gather3A_229 = tpu.vector_load_idx %arg7[%add3A_219, %broadcast_in_dim3A_11] : memref<4096x8xf32, #tpu.memory_space<vmem>>[vector<16xi32>, vector<16xi32>], vector<16xf32>,
      %sub3A_230 = arith.subf %gather3A_220, %gather3A_221 : vector<16xf32>
      %sub3A_231 = arith.subf %gather3A_222, %gather3A_223 : vector<16xf32>
      %sub3A_232 = arith.subf %gather3A_224, %gather3A_225 : vector<16xf32>
      %mul3A_233 = arith.mulf %sub3A_230, %sub3A_230 : vector<16xf32>
      %mul3A_234 = arith.mulf %sub3A_231, %sub3A_231 : vector<16xf32>
      %mul3A_235 = arith.mulf %sub3A_232, %sub3A_232 : vector<16xf32>
      %add3A_236 = arith.addf %mul3A_234, %mul3A_235 : vector<16xf32>
      %add3A_237 = arith.addf %mul3A_233, %add3A_236 : vector<16xf32>
      %add3A_238 = arith.addf %add3A_162, %add3A_237 : vector<16xf32>
      %sub3A_239 = arith.subf %gather3A_226, %gather3A_227 : vector<16xf32>
      %sub3A_240 = arith.subf %gather3A_228, %gather3A_229 : vector<16xf32>
      %mul3A_241 = arith.mulf %sub3A_239, %sub3A_239 : vector<16xf32>
      %mul3A_242 = arith.mulf %sub3A_240, %sub3A_240 : vector<16xf32>
      %add3A_243 = arith.addf %mul3A_241, %mul3A_242 : vector<16xf32>
      %max3A_244 = arith.constant 9.99999996E-13 : f32
      %max3A_245 = vector.broadcast %max3A_244 : f32 to vector<16xf32>
      %max3A_246 = arith.maximumf %add3A_243, %max3A_245 : vector<16xf32>
      %bitcast_convert_type3A_247 = tpu.bitcast %max3A_246 : vector<16xf32> -> vector<16xi32>
      %shift_right_arithmetic3A_248 = arith.constant 1 : i32
      %shift_right_arithmetic3A_249 = vector.broadcast %shift_right_arithmetic3A_248 : i32 to vector<16xi32>
      %shift_right_arithmetic3A_250 = arith.shrsi %bitcast_convert_type3A_247, %shift_right_arithmetic3A_249 : vector<16xi32>
      %sub3A_251 = arith.constant 1597463007 : i32
      %sub3A_252 = vector.broadcast %sub3A_251 : i32 to vector<16xi32>
      %sub3A_253 = arith.subi %sub3A_252, %shift_right_arithmetic3A_250 : vector<16xi32>
      %bitcast_convert_type3A_254 = tpu.bitcast %sub3A_253 : vector<16xi32> -> vector<16xf32>
      %mul3A_255 = arith.constant 5.000000e-01 : f32
      %mul3A_256 = vector.broadcast %mul3A_255 : f32 to vector<16xf32>
      %mul3A_257 = arith.mulf %max3A_246, %mul3A_256 : vector<16xf32>
      %mul3A_258 = arith.mulf %mul3A_257, %bitcast_convert_type3A_254 : vector<16xf32>
      %mul3A_259 = arith.mulf %mul3A_258, %bitcast_convert_type3A_254 : vector<16xf32>
      %sub3A_260 = arith.constant 1.500000e+00 : f32
      %sub3A_261 = vector.broadcast %sub3A_260 : f32 to vector<16xf32>
      %sub3A_262 = arith.subf %sub3A_261, %mul3A_259 : vector<16xf32>
      %mul3A_263 = arith.mulf %bitcast_convert_type3A_254, %sub3A_262 : vector<16xf32>
      %abs3A_264 = math.absf %sub3A_230 : vector<16xf32>
      %mul3A_265 = arith.mulf %abs3A_264, %mul3A_263 : vector<16xf32>
      %sub3A_266 = arith.constant 1.000000e-01 : f32
      %sub3A_267 = vector.broadcast %sub3A_266 : f32 to vector<16xf32>
      %sub3A_268 = arith.subf %mul3A_265, %sub3A_267 : vector<16xf32>
      %max3A_269 = arith.constant 0.000000e+00 : f32
      %max3A_270 = vector.broadcast %max3A_269 : f32 to vector<16xf32>
      %max3A_271 = arith.maximumf %sub3A_268, %max3A_270 : vector<16xf32>
      %abs3A_272 = math.absf %sub3A_231 : vector<16xf32>
      %mul3A_273 = arith.mulf %abs3A_272, %mul3A_263 : vector<16xf32>
      %sub3A_274 = arith.constant 1.000000e-01 : f32
      %sub3A_275 = vector.broadcast %sub3A_274 : f32 to vector<16xf32>
      %sub3A_276 = arith.subf %mul3A_273, %sub3A_275 : vector<16xf32>
      %max3A_277 = arith.constant 0.000000e+00 : f32
      %max3A_278 = vector.broadcast %max3A_277 : f32 to vector<16xf32>
      %max3A_279 = arith.maximumf %sub3A_276, %max3A_278 : vector<16xf32>
      %abs3A_280 = math.absf %sub3A_232 : vector<16xf32>
      %mul3A_281 = arith.mulf %abs3A_280, %mul3A_263 : vector<16xf32>
      %sub3A_282 = arith.constant 1.000000e-01 : f32
      %sub3A_283 = vector.broadcast %sub3A_282 : f32 to vector<16xf32>
      %sub3A_284 = arith.subf %mul3A_281, %sub3A_283 : vector<16xf32>
      %max3A_285 = arith.constant 0.000000e+00 : f32
      %max3A_286 = vector.broadcast %max3A_285 : f32 to vector<16xf32>
      %max3A_287 = arith.maximumf %sub3A_284, %max3A_286 : vector<16xf32>
      %add3A_288 = arith.addf %max3A_279, %max3A_287 : vector<16xf32>
      %add3A_289 = arith.addf %max3A_271, %add3A_288 : vector<16xf32>
      %add3A_290 = arith.addf %add3A_210, %add3A_289 : vector<16xf32>
      %scan3A_291 = arith.constant 2 : i32
      %scan3A_292 = arith.addi %scan3A_136, %scan3A_291 : i32
      %mul3A_293 = arith.constant 16 : i32
      %mul3A_294 = arith.muli %scan3A_292, %mul3A_293 : i32
      %add3A_295 = vector.broadcast %mul3A_294 : i32 to vector<16xi32>
      %add3A_296 = arith.addi %add3A_295, %iota3A : vector<16xi32>
      %add3A_297 = arith.constant 2048 : i32
      %add3A_298 = vector.broadcast %add3A_297 : i32 to vector<16xi32>
      %add3A_299 = arith.addi %add3A_296, %add3A_298 : vector<16xi32>
      %gather3A_300 = tpu.vector_load_idx %arg7[%add3A_296, %broadcast_in_dim3A_3] : memref<4096x8xf32, #tpu.memory_space<vmem>>[vector<16xi32>, vector<16xi32>], vector<16xf32>,
      %gather3A_301 = tpu.vector_load_idx %arg7[%add3A_299, %broadcast_in_dim3A_3] : memref<4096x8xf32, #tpu.memory_space<vmem>>[vector<16xi32>, vector<16xi32>], vector<16xf32>,
      %gather3A_302 = tpu.vector_load_idx %arg7[%add3A_296, %broadcast_in_dim3A_5] : memref<4096x8xf32, #tpu.memory_space<vmem>>[vector<16xi32>, vector<16xi32>], vector<16xf32>,
      %gather3A_303 = tpu.vector_load_idx %arg7[%add3A_299, %broadcast_in_dim3A_5] : memref<4096x8xf32, #tpu.memory_space<vmem>>[vector<16xi32>, vector<16xi32>], vector<16xf32>,
      %gather3A_304 = tpu.vector_load_idx %arg7[%add3A_296, %broadcast_in_dim3A_7] : memref<4096x8xf32, #tpu.memory_space<vmem>>[vector<16xi32>, vector<16xi32>], vector<16xf32>,
      %gather3A_305 = tpu.vector_load_idx %arg7[%add3A_299, %broadcast_in_dim3A_7] : memref<4096x8xf32, #tpu.memory_space<vmem>>[vector<16xi32>, vector<16xi32>], vector<16xf32>,
      %gather3A_306 = tpu.vector_load_idx %arg7[%add3A_296, %broadcast_in_dim3A_9] : memref<4096x8xf32, #tpu.memory_space<vmem>>[vector<16xi32>, vector<16xi32>], vector<16xf32>,
      %gather3A_307 = tpu.vector_load_idx %arg7[%add3A_299, %broadcast_in_dim3A_9] : memref<4096x8xf32, #tpu.memory_space<vmem>>[vector<16xi32>, vector<16xi32>], vector<16xf32>,
      %gather3A_308 = tpu.vector_load_idx %arg7[%add3A_296, %broadcast_in_dim3A_11] : memref<4096x8xf32, #tpu.memory_space<vmem>>[vector<16xi32>, vector<16xi32>], vector<16xf32>,
      %gather3A_309 = tpu.vector_load_idx %arg7[%add3A_299, %broadcast_in_dim3A_11] : memref<4096x8xf32, #tpu.memory_space<vmem>>[vector<16xi32>, vector<16xi32>], vector<16xf32>,
      %sub3A_310 = arith.subf %gather3A_300, %gather3A_301 : vector<16xf32>
      %sub3A_311 = arith.subf %gather3A_302, %gather3A_303 : vector<16xf32>
      %sub3A_312 = arith.subf %gather3A_304, %gather3A_305 : vector<16xf32>
      %mul3A_313 = arith.mulf %sub3A_310, %sub3A_310 : vector<16xf32>
      %mul3A_314 = arith.mulf %sub3A_311, %sub3A_311 : vector<16xf32>
      %mul3A_315 = arith.mulf %sub3A_312, %sub3A_312 : vector<16xf32>
      %add3A_316 = arith.addf %mul3A_314, %mul3A_315 : vector<16xf32>
      %add3A_317 = arith.addf %mul3A_313, %add3A_316 : vector<16xf32>
      %add3A_318 = arith.addf %add3A_238, %add3A_317 : vector<16xf32>
      %sub3A_319 = arith.subf %gather3A_306, %gather3A_307 : vector<16xf32>
      %sub3A_320 = arith.subf %gather3A_308, %gather3A_309 : vector<16xf32>
      %mul3A_321 = arith.mulf %sub3A_319, %sub3A_319 : vector<16xf32>
      %mul3A_322 = arith.mulf %sub3A_320, %sub3A_320 : vector<16xf32>
      %add3A_323 = arith.addf %mul3A_321, %mul3A_322 : vector<16xf32>
      %max3A_324 = arith.constant 9.99999996E-13 : f32
      %max3A_325 = vector.broadcast %max3A_324 : f32 to vector<16xf32>
      %max3A_326 = arith.maximumf %add3A_323, %max3A_325 : vector<16xf32>
      %bitcast_convert_type3A_327 = tpu.bitcast %max3A_326 : vector<16xf32> -> vector<16xi32>
      %shift_right_arithmetic3A_328 = arith.constant 1 : i32
      %shift_right_arithmetic3A_329 = vector.broadcast %shift_right_arithmetic3A_328 : i32 to vector<16xi32>
      %shift_right_arithmetic3A_330 = arith.shrsi %bitcast_convert_type3A_327, %shift_right_arithmetic3A_329 : vector<16xi32>
      %sub3A_331 = arith.constant 1597463007 : i32
      %sub3A_332 = vector.broadcast %sub3A_331 : i32 to vector<16xi32>
      %sub3A_333 = arith.subi %sub3A_332, %shift_right_arithmetic3A_330 : vector<16xi32>
      %bitcast_convert_type3A_334 = tpu.bitcast %sub3A_333 : vector<16xi32> -> vector<16xf32>
      %mul3A_335 = arith.constant 5.000000e-01 : f32
      %mul3A_336 = vector.broadcast %mul3A_335 : f32 to vector<16xf32>
      %mul3A_337 = arith.mulf %max3A_326, %mul3A_336 : vector<16xf32>
      %mul3A_338 = arith.mulf %mul3A_337, %bitcast_convert_type3A_334 : vector<16xf32>
      %mul3A_339 = arith.mulf %mul3A_338, %bitcast_convert_type3A_334 : vector<16xf32>
      %sub3A_340 = arith.constant 1.500000e+00 : f32
      %sub3A_341 = vector.broadcast %sub3A_340 : f32 to vector<16xf32>
      %sub3A_342 = arith.subf %sub3A_341, %mul3A_339 : vector<16xf32>
      %mul3A_343 = arith.mulf %bitcast_convert_type3A_334, %sub3A_342 : vector<16xf32>
      %abs3A_344 = math.absf %sub3A_310 : vector<16xf32>
      %mul3A_345 = arith.mulf %abs3A_344, %mul3A_343 : vector<16xf32>
      %sub3A_346 = arith.constant 1.000000e-01 : f32
      %sub3A_347 = vector.broadcast %sub3A_346 : f32 to vector<16xf32>
      %sub3A_348 = arith.subf %mul3A_345, %sub3A_347 : vector<16xf32>
      %max3A_349 = arith.constant 0.000000e+00 : f32
      %max3A_350 = vector.broadcast %max3A_349 : f32 to vector<16xf32>
      %max3A_351 = arith.maximumf %sub3A_348, %max3A_350 : vector<16xf32>
      %abs3A_352 = math.absf %sub3A_311 : vector<16xf32>
      %mul3A_353 = arith.mulf %abs3A_352, %mul3A_343 : vector<16xf32>
      %sub3A_354 = arith.constant 1.000000e-01 : f32
      %sub3A_355 = vector.broadcast %sub3A_354 : f32 to vector<16xf32>
      %sub3A_356 = arith.subf %mul3A_353, %sub3A_355 : vector<16xf32>
      %max3A_357 = arith.constant 0.000000e+00 : f32
      %max3A_358 = vector.broadcast %max3A_357 : f32 to vector<16xf32>
      %max3A_359 = arith.maximumf %sub3A_356, %max3A_358 : vector<16xf32>
      %abs3A_360 = math.absf %sub3A_312 : vector<16xf32>
      %mul3A_361 = arith.mulf %abs3A_360, %mul3A_343 : vector<16xf32>
      %sub3A_362 = arith.constant 1.000000e-01 : f32
      %sub3A_363 = vector.broadcast %sub3A_362 : f32 to vector<16xf32>
      %sub3A_364 = arith.subf %mul3A_361, %sub3A_363 : vector<16xf32>
      %max3A_365 = arith.constant 0.000000e+00 : f32
      %max3A_366 = vector.broadcast %max3A_365 : f32 to vector<16xf32>
      %max3A_367 = arith.maximumf %sub3A_364, %max3A_366 : vector<16xf32>
      %add3A_368 = arith.addf %max3A_359, %max3A_367 : vector<16xf32>
      %add3A_369 = arith.addf %max3A_351, %add3A_368 : vector<16xf32>
      %add3A_370 = arith.addf %add3A_290, %add3A_369 : vector<16xf32>
      %scan3A_371 = arith.constant 3 : i32
      %scan3A_372 = arith.addi %scan3A_136, %scan3A_371 : i32
      %mul3A_373 = arith.constant 16 : i32
      %mul3A_374 = arith.muli %scan3A_372, %mul3A_373 : i32
      %add3A_375 = vector.broadcast %mul3A_374 : i32 to vector<16xi32>
      %add3A_376 = arith.addi %add3A_375, %iota3A : vector<16xi32>
      %add3A_377 = arith.constant 2048 : i32
      %add3A_378 = vector.broadcast %add3A_377 : i32 to vector<16xi32>
      %add3A_379 = arith.addi %add3A_376, %add3A_378 : vector<16xi32>
      %gather3A_380 = tpu.vector_load_idx %arg7[%add3A_376, %broadcast_in_dim3A_3] : memref<4096x8xf32, #tpu.memory_space<vmem>>[vector<16xi32>, vector<16xi32>], vector<16xf32>,
      %gather3A_381 = tpu.vector_load_idx %arg7[%add3A_379, %broadcast_in_dim3A_3] : memref<4096x8xf32, #tpu.memory_space<vmem>>[vector<16xi32>, vector<16xi32>], vector<16xf32>,
      %gather3A_382 = tpu.vector_load_idx %arg7[%add3A_376, %broadcast_in_dim3A_5] : memref<4096x8xf32, #tpu.memory_space<vmem>>[vector<16xi32>, vector<16xi32>], vector<16xf32>,
      %gather3A_383 = tpu.vector_load_idx %arg7[%add3A_379, %broadcast_in_dim3A_5] : memref<4096x8xf32, #tpu.memory_space<vmem>>[vector<16xi32>, vector<16xi32>], vector<16xf32>,
      %gather3A_384 = tpu.vector_load_idx %arg7[%add3A_376, %broadcast_in_dim3A_7] : memref<4096x8xf32, #tpu.memory_space<vmem>>[vector<16xi32>, vector<16xi32>], vector<16xf32>,
      %gather3A_385 = tpu.vector_load_idx %arg7[%add3A_379, %broadcast_in_dim3A_7] : memref<4096x8xf32, #tpu.memory_space<vmem>>[vector<16xi32>, vector<16xi32>], vector<16xf32>,
      %gather3A_386 = tpu.vector_load_idx %arg7[%add3A_376, %broadcast_in_dim3A_9] : memref<4096x8xf32, #tpu.memory_space<vmem>>[vector<16xi32>, vector<16xi32>], vector<16xf32>,
      %gather3A_387 = tpu.vector_load_idx %arg7[%add3A_379, %broadcast_in_dim3A_9] : memref<4096x8xf32, #tpu.memory_space<vmem>>[vector<16xi32>, vector<16xi32>], vector<16xf32>,
      %gather3A_388 = tpu.vector_load_idx %arg7[%add3A_376, %broadcast_in_dim3A_11] : memref<4096x8xf32, #tpu.memory_space<vmem>>[vector<16xi32>, vector<16xi32>], vector<16xf32>,
      %gather3A_389 = tpu.vector_load_idx %arg7[%add3A_379, %broadcast_in_dim3A_11] : memref<4096x8xf32, #tpu.memory_space<vmem>>[vector<16xi32>, vector<16xi32>], vector<16xf32>,
      %sub3A_390 = arith.subf %gather3A_380, %gather3A_381 : vector<16xf32>
      %sub3A_391 = arith.subf %gather3A_382, %gather3A_383 : vector<16xf32>
      %sub3A_392 = arith.subf %gather3A_384, %gather3A_385 : vector<16xf32>
      %mul3A_393 = arith.mulf %sub3A_390, %sub3A_390 : vector<16xf32>
      %mul3A_394 = arith.mulf %sub3A_391, %sub3A_391 : vector<16xf32>
      %mul3A_395 = arith.mulf %sub3A_392, %sub3A_392 : vector<16xf32>
      %add3A_396 = arith.addf %mul3A_394, %mul3A_395 : vector<16xf32>
      %add3A_397 = arith.addf %mul3A_393, %add3A_396 : vector<16xf32>
      %add3A_398 = arith.addf %add3A_318, %add3A_397 : vector<16xf32>
      %sub3A_399 = arith.subf %gather3A_386, %gather3A_387 : vector<16xf32>
      %sub3A_400 = arith.subf %gather3A_388, %gather3A_389 : vector<16xf32>
      %mul3A_401 = arith.mulf %sub3A_399, %sub3A_399 : vector<16xf32>
      %mul3A_402 = arith.mulf %sub3A_400, %sub3A_400 : vector<16xf32>
      %add3A_403 = arith.addf %mul3A_401, %mul3A_402 : vector<16xf32>
      %max3A_404 = arith.constant 9.99999996E-13 : f32
      %max3A_405 = vector.broadcast %max3A_404 : f32 to vector<16xf32>
      %max3A_406 = arith.maximumf %add3A_403, %max3A_405 : vector<16xf32>
      %bitcast_convert_type3A_407 = tpu.bitcast %max3A_406 : vector<16xf32> -> vector<16xi32>
      %shift_right_arithmetic3A_408 = arith.constant 1 : i32
      %shift_right_arithmetic3A_409 = vector.broadcast %shift_right_arithmetic3A_408 : i32 to vector<16xi32>
      %shift_right_arithmetic3A_410 = arith.shrsi %bitcast_convert_type3A_407, %shift_right_arithmetic3A_409 : vector<16xi32>
      %sub3A_411 = arith.constant 1597463007 : i32
      %sub3A_412 = vector.broadcast %sub3A_411 : i32 to vector<16xi32>
      %sub3A_413 = arith.subi %sub3A_412, %shift_right_arithmetic3A_410 : vector<16xi32>
      %bitcast_convert_type3A_414 = tpu.bitcast %sub3A_413 : vector<16xi32> -> vector<16xf32>
      %mul3A_415 = arith.constant 5.000000e-01 : f32
      %mul3A_416 = vector.broadcast %mul3A_415 : f32 to vector<16xf32>
      %mul3A_417 = arith.mulf %max3A_406, %mul3A_416 : vector<16xf32>
      %mul3A_418 = arith.mulf %mul3A_417, %bitcast_convert_type3A_414 : vector<16xf32>
      %mul3A_419 = arith.mulf %mul3A_418, %bitcast_convert_type3A_414 : vector<16xf32>
      %sub3A_420 = arith.constant 1.500000e+00 : f32
      %sub3A_421 = vector.broadcast %sub3A_420 : f32 to vector<16xf32>
      %sub3A_422 = arith.subf %sub3A_421, %mul3A_419 : vector<16xf32>
      %mul3A_423 = arith.mulf %bitcast_convert_type3A_414, %sub3A_422 : vector<16xf32>
      %abs3A_424 = math.absf %sub3A_390 : vector<16xf32>
      %mul3A_425 = arith.mulf %abs3A_424, %mul3A_423 : vector<16xf32>
      %sub3A_426 = arith.constant 1.000000e-01 : f32
      %sub3A_427 = vector.broadcast %sub3A_426 : f32 to vector<16xf32>
      %sub3A_428 = arith.subf %mul3A_425, %sub3A_427 : vector<16xf32>
      %max3A_429 = arith.constant 0.000000e+00 : f32
      %max3A_430 = vector.broadcast %max3A_429 : f32 to vector<16xf32>
      %max3A_431 = arith.maximumf %sub3A_428, %max3A_430 : vector<16xf32>
      %abs3A_432 = math.absf %sub3A_391 : vector<16xf32>
      %mul3A_433 = arith.mulf %abs3A_432, %mul3A_423 : vector<16xf32>
      %sub3A_434 = arith.constant 1.000000e-01 : f32
      %sub3A_435 = vector.broadcast %sub3A_434 : f32 to vector<16xf32>
      %sub3A_436 = arith.subf %mul3A_433, %sub3A_435 : vector<16xf32>
      %max3A_437 = arith.constant 0.000000e+00 : f32
      %max3A_438 = vector.broadcast %max3A_437 : f32 to vector<16xf32>
      %max3A_439 = arith.maximumf %sub3A_436, %max3A_438 : vector<16xf32>
      %abs3A_440 = math.absf %sub3A_392 : vector<16xf32>
      %mul3A_441 = arith.mulf %abs3A_440, %mul3A_423 : vector<16xf32>
      %sub3A_442 = arith.constant 1.000000e-01 : f32
      %sub3A_443 = vector.broadcast %sub3A_442 : f32 to vector<16xf32>
      %sub3A_444 = arith.subf %mul3A_441, %sub3A_443 : vector<16xf32>
      %max3A_445 = arith.constant 0.000000e+00 : f32
      %max3A_446 = vector.broadcast %max3A_445 : f32 to vector<16xf32>
      %max3A_447 = arith.maximumf %sub3A_444, %max3A_446 : vector<16xf32>
      %add3A_448 = arith.addf %max3A_439, %max3A_447 : vector<16xf32>
      %add3A_449 = arith.addf %max3A_431, %add3A_448 : vector<16xf32>
      %add3A_450 = arith.addf %add3A_370, %add3A_449 : vector<16xf32>
      scf.yield %add3A_398, %add3A_450 : vector<16xf32>, vector<16xf32>
    }
    %scan3A_119 = arith.constant 128 : i32
    %dma_wait3A_120 = arith.constant 0 : i32
    %dma_wait3A_121 = arith.constant 0 : i32
    %dma_wait3A_122 = tpu.memref_slice %arg12[%dma_wait3A_120, %dma_wait3A_121] : memref<100000x8xf32, #tpu.memory_space<vmem_shared>> -> memref<100000x8xf32, #tpu.memory_space<vmem_shared>>
    tpu.wait_indirect_dma semaphore(%arg16 : memref<!tpu.dma_semaphore, #tpu.memory_space<semaphore_mem>>) src(%dma_wait3A_122 : memref<100000x8xf32, #tpu.memory_space<vmem_shared>>) dst(%arg9 : memref<4096x8xf32, #tpu.memory_space<vmem>>)
    %scan3A_123 = arith.constant 0 : i32
    %scan3A_124 = arith.constant 128 : i32
    %scan3A_125 = arith.addi %scan3A_123, %scan3A_124 : i32
    %scan3A_126 = arith.constant 4 : i32
    %scan3A_127:2 = scf.for %scan3A_136 = %scan3A_123 to %scan3A_125 step %scan3A_126 iter_args(%scan3A_137 = %scan3A_118#0, %scan3A_138 = %scan3A_118#1) -> (vector<16xf32>, vector<16xf32>)  : i32 {
      %mul3A_139 = arith.constant 16 : i32
      %mul3A_140 = arith.muli %scan3A_136, %mul3A_139 : i32
      %add3A_141 = vector.broadcast %mul3A_140 : i32 to vector<16xi32>
      %add3A_142 = arith.addi %add3A_141, %iota3A : vector<16xi32>
      %add3A_143 = arith.constant 2048 : i32
      %add3A_144 = vector.broadcast %add3A_143 : i32 to vector<16xi32>
      %add3A_145 = arith.addi %add3A_142, %add3A_144 : vector<16xi32>
      %gather3A = tpu.vector_load_idx %arg9[%add3A_142, %broadcast_in_dim3A_3] : memref<4096x8xf32, #tpu.memory_space<vmem>>[vector<16xi32>, vector<16xi32>], vector<16xf32>,
      %gather3A_146 = tpu.vector_load_idx %arg9[%add3A_145, %broadcast_in_dim3A_3] : memref<4096x8xf32, #tpu.memory_space<vmem>>[vector<16xi32>, vector<16xi32>], vector<16xf32>,
      %gather3A_147 = tpu.vector_load_idx %arg9[%add3A_142, %broadcast_in_dim3A_5] : memref<4096x8xf32, #tpu.memory_space<vmem>>[vector<16xi32>, vector<16xi32>], vector<16xf32>,
      %gather3A_148 = tpu.vector_load_idx %arg9[%add3A_145, %broadcast_in_dim3A_5] : memref<4096x8xf32, #tpu.memory_space<vmem>>[vector<16xi32>, vector<16xi32>], vector<16xf32>,
      %gather3A_149 = tpu.vector_load_idx %arg9[%add3A_142, %broadcast_in_dim3A_7] : memref<4096x8xf32, #tpu.memory_space<vmem>>[vector<16xi32>, vector<16xi32>], vector<16xf32>,
      %gather3A_150 = tpu.vector_load_idx %arg9[%add3A_145, %broadcast_in_dim3A_7] : memref<4096x8xf32, #tpu.memory_space<vmem>>[vector<16xi32>, vector<16xi32>], vector<16xf32>,
      %gather3A_151 = tpu.vector_load_idx %arg9[%add3A_142, %broadcast_in_dim3A_9] : memref<4096x8xf32, #tpu.memory_space<vmem>>[vector<16xi32>, vector<16xi32>], vector<16xf32>,
      %gather3A_152 = tpu.vector_load_idx %arg9[%add3A_145, %broadcast_in_dim3A_9] : memref<4096x8xf32, #tpu.memory_space<vmem>>[vector<16xi32>, vector<16xi32>], vector<16xf32>,
      %gather3A_153 = tpu.vector_load_idx %arg9[%add3A_142, %broadcast_in_dim3A_11] : memref<4096x8xf32, #tpu.memory_space<vmem>>[vector<16xi32>, vector<16xi32>], vector<16xf32>,
      %gather3A_154 = tpu.vector_load_idx %arg9[%add3A_145, %broadcast_in_dim3A_11] : memref<4096x8xf32, #tpu.memory_space<vmem>>[vector<16xi32>, vector<16xi32>], vector<16xf32>,
      %sub3A = arith.subf %gather3A, %gather3A_146 : vector<16xf32>
      %sub3A_155 = arith.subf %gather3A_147, %gather3A_148 : vector<16xf32>
      %sub3A_156 = arith.subf %gather3A_149, %gather3A_150 : vector<16xf32>
      %mul3A_157 = arith.mulf %sub3A, %sub3A : vector<16xf32>
      %mul3A_158 = arith.mulf %sub3A_155, %sub3A_155 : vector<16xf32>
      %mul3A_159 = arith.mulf %sub3A_156, %sub3A_156 : vector<16xf32>
      %add3A_160 = arith.addf %mul3A_158, %mul3A_159 : vector<16xf32>
      %add3A_161 = arith.addf %mul3A_157, %add3A_160 : vector<16xf32>
      %add3A_162 = arith.addf %scan3A_137, %add3A_161 : vector<16xf32>
      %sub3A_163 = arith.subf %gather3A_151, %gather3A_152 : vector<16xf32>
      %sub3A_164 = arith.subf %gather3A_153, %gather3A_154 : vector<16xf32>
      %mul3A_165 = arith.mulf %sub3A_163, %sub3A_163 : vector<16xf32>
      %mul3A_166 = arith.mulf %sub3A_164, %sub3A_164 : vector<16xf32>
      %add3A_167 = arith.addf %mul3A_165, %mul3A_166 : vector<16xf32>
      %max3A = arith.constant 9.99999996E-13 : f32
      %max3A_168 = vector.broadcast %max3A : f32 to vector<16xf32>
      %max3A_169 = arith.maximumf %add3A_167, %max3A_168 : vector<16xf32>
      %bitcast_convert_type3A = tpu.bitcast %max3A_169 : vector<16xf32> -> vector<16xi32>
      %shift_right_arithmetic3A = arith.constant 1 : i32
      %shift_right_arithmetic3A_170 = vector.broadcast %shift_right_arithmetic3A : i32 to vector<16xi32>
      %shift_right_arithmetic3A_171 = arith.shrsi %bitcast_convert_type3A, %shift_right_arithmetic3A_170 : vector<16xi32>
      %sub3A_172 = arith.constant 1597463007 : i32
      %sub3A_173 = vector.broadcast %sub3A_172 : i32 to vector<16xi32>
      %sub3A_174 = arith.subi %sub3A_173, %shift_right_arithmetic3A_171 : vector<16xi32>
      %bitcast_convert_type3A_175 = tpu.bitcast %sub3A_174 : vector<16xi32> -> vector<16xf32>
      %mul3A_176 = arith.constant 5.000000e-01 : f32
      %mul3A_177 = vector.broadcast %mul3A_176 : f32 to vector<16xf32>
      %mul3A_178 = arith.mulf %max3A_169, %mul3A_177 : vector<16xf32>
      %mul3A_179 = arith.mulf %mul3A_178, %bitcast_convert_type3A_175 : vector<16xf32>
      %mul3A_180 = arith.mulf %mul3A_179, %bitcast_convert_type3A_175 : vector<16xf32>
      %sub3A_181 = arith.constant 1.500000e+00 : f32
      %sub3A_182 = vector.broadcast %sub3A_181 : f32 to vector<16xf32>
      %sub3A_183 = arith.subf %sub3A_182, %mul3A_180 : vector<16xf32>
      %mul3A_184 = arith.mulf %bitcast_convert_type3A_175, %sub3A_183 : vector<16xf32>
      %abs3A = math.absf %sub3A : vector<16xf32>
      %mul3A_185 = arith.mulf %abs3A, %mul3A_184 : vector<16xf32>
      %sub3A_186 = arith.constant 1.000000e-01 : f32
      %sub3A_187 = vector.broadcast %sub3A_186 : f32 to vector<16xf32>
      %sub3A_188 = arith.subf %mul3A_185, %sub3A_187 : vector<16xf32>
      %max3A_189 = arith.constant 0.000000e+00 : f32
      %max3A_190 = vector.broadcast %max3A_189 : f32 to vector<16xf32>
      %max3A_191 = arith.maximumf %sub3A_188, %max3A_190 : vector<16xf32>
      %abs3A_192 = math.absf %sub3A_155 : vector<16xf32>
      %mul3A_193 = arith.mulf %abs3A_192, %mul3A_184 : vector<16xf32>
      %sub3A_194 = arith.constant 1.000000e-01 : f32
      %sub3A_195 = vector.broadcast %sub3A_194 : f32 to vector<16xf32>
      %sub3A_196 = arith.subf %mul3A_193, %sub3A_195 : vector<16xf32>
      %max3A_197 = arith.constant 0.000000e+00 : f32
      %max3A_198 = vector.broadcast %max3A_197 : f32 to vector<16xf32>
      %max3A_199 = arith.maximumf %sub3A_196, %max3A_198 : vector<16xf32>
      %abs3A_200 = math.absf %sub3A_156 : vector<16xf32>
      %mul3A_201 = arith.mulf %abs3A_200, %mul3A_184 : vector<16xf32>
      %sub3A_202 = arith.constant 1.000000e-01 : f32
      %sub3A_203 = vector.broadcast %sub3A_202 : f32 to vector<16xf32>
      %sub3A_204 = arith.subf %mul3A_201, %sub3A_203 : vector<16xf32>
      %max3A_205 = arith.constant 0.000000e+00 : f32
      %max3A_206 = vector.broadcast %max3A_205 : f32 to vector<16xf32>
      %max3A_207 = arith.maximumf %sub3A_204, %max3A_206 : vector<16xf32>
      %add3A_208 = arith.addf %max3A_199, %max3A_207 : vector<16xf32>
      %add3A_209 = arith.addf %max3A_191, %add3A_208 : vector<16xf32>
      %add3A_210 = arith.addf %scan3A_138, %add3A_209 : vector<16xf32>
      %scan3A_211 = arith.constant 1 : i32
      %scan3A_212 = arith.addi %scan3A_136, %scan3A_211 : i32
      %mul3A_213 = arith.constant 16 : i32
      %mul3A_214 = arith.muli %scan3A_212, %mul3A_213 : i32
      %add3A_215 = vector.broadcast %mul3A_214 : i32 to vector<16xi32>
      %add3A_216 = arith.addi %add3A_215, %iota3A : vector<16xi32>
      %add3A_217 = arith.constant 2048 : i32
      %add3A_218 = vector.broadcast %add3A_217 : i32 to vector<16xi32>
      %add3A_219 = arith.addi %add3A_216, %add3A_218 : vector<16xi32>
      %gather3A_220 = tpu.vector_load_idx %arg9[%add3A_216, %broadcast_in_dim3A_3] : memref<4096x8xf32, #tpu.memory_space<vmem>>[vector<16xi32>, vector<16xi32>], vector<16xf32>,
      %gather3A_221 = tpu.vector_load_idx %arg9[%add3A_219, %broadcast_in_dim3A_3] : memref<4096x8xf32, #tpu.memory_space<vmem>>[vector<16xi32>, vector<16xi32>], vector<16xf32>,
      %gather3A_222 = tpu.vector_load_idx %arg9[%add3A_216, %broadcast_in_dim3A_5] : memref<4096x8xf32, #tpu.memory_space<vmem>>[vector<16xi32>, vector<16xi32>], vector<16xf32>,
      %gather3A_223 = tpu.vector_load_idx %arg9[%add3A_219, %broadcast_in_dim3A_5] : memref<4096x8xf32, #tpu.memory_space<vmem>>[vector<16xi32>, vector<16xi32>], vector<16xf32>,
      %gather3A_224 = tpu.vector_load_idx %arg9[%add3A_216, %broadcast_in_dim3A_7] : memref<4096x8xf32, #tpu.memory_space<vmem>>[vector<16xi32>, vector<16xi32>], vector<16xf32>,
      %gather3A_225 = tpu.vector_load_idx %arg9[%add3A_219, %broadcast_in_dim3A_7] : memref<4096x8xf32, #tpu.memory_space<vmem>>[vector<16xi32>, vector<16xi32>], vector<16xf32>,
      %gather3A_226 = tpu.vector_load_idx %arg9[%add3A_216, %broadcast_in_dim3A_9] : memref<4096x8xf32, #tpu.memory_space<vmem>>[vector<16xi32>, vector<16xi32>], vector<16xf32>,
      %gather3A_227 = tpu.vector_load_idx %arg9[%add3A_219, %broadcast_in_dim3A_9] : memref<4096x8xf32, #tpu.memory_space<vmem>>[vector<16xi32>, vector<16xi32>], vector<16xf32>,
      %gather3A_228 = tpu.vector_load_idx %arg9[%add3A_216, %broadcast_in_dim3A_11] : memref<4096x8xf32, #tpu.memory_space<vmem>>[vector<16xi32>, vector<16xi32>], vector<16xf32>,
      %gather3A_229 = tpu.vector_load_idx %arg9[%add3A_219, %broadcast_in_dim3A_11] : memref<4096x8xf32, #tpu.memory_space<vmem>>[vector<16xi32>, vector<16xi32>], vector<16xf32>,
      %sub3A_230 = arith.subf %gather3A_220, %gather3A_221 : vector<16xf32>
      %sub3A_231 = arith.subf %gather3A_222, %gather3A_223 : vector<16xf32>
      %sub3A_232 = arith.subf %gather3A_224, %gather3A_225 : vector<16xf32>
      %mul3A_233 = arith.mulf %sub3A_230, %sub3A_230 : vector<16xf32>
      %mul3A_234 = arith.mulf %sub3A_231, %sub3A_231 : vector<16xf32>
      %mul3A_235 = arith.mulf %sub3A_232, %sub3A_232 : vector<16xf32>
      %add3A_236 = arith.addf %mul3A_234, %mul3A_235 : vector<16xf32>
      %add3A_237 = arith.addf %mul3A_233, %add3A_236 : vector<16xf32>
      %add3A_238 = arith.addf %add3A_162, %add3A_237 : vector<16xf32>
      %sub3A_239 = arith.subf %gather3A_226, %gather3A_227 : vector<16xf32>
      %sub3A_240 = arith.subf %gather3A_228, %gather3A_229 : vector<16xf32>
      %mul3A_241 = arith.mulf %sub3A_239, %sub3A_239 : vector<16xf32>
      %mul3A_242 = arith.mulf %sub3A_240, %sub3A_240 : vector<16xf32>
      %add3A_243 = arith.addf %mul3A_241, %mul3A_242 : vector<16xf32>
      %max3A_244 = arith.constant 9.99999996E-13 : f32
      %max3A_245 = vector.broadcast %max3A_244 : f32 to vector<16xf32>
      %max3A_246 = arith.maximumf %add3A_243, %max3A_245 : vector<16xf32>
      %bitcast_convert_type3A_247 = tpu.bitcast %max3A_246 : vector<16xf32> -> vector<16xi32>
      %shift_right_arithmetic3A_248 = arith.constant 1 : i32
      %shift_right_arithmetic3A_249 = vector.broadcast %shift_right_arithmetic3A_248 : i32 to vector<16xi32>
      %shift_right_arithmetic3A_250 = arith.shrsi %bitcast_convert_type3A_247, %shift_right_arithmetic3A_249 : vector<16xi32>
      %sub3A_251 = arith.constant 1597463007 : i32
      %sub3A_252 = vector.broadcast %sub3A_251 : i32 to vector<16xi32>
      %sub3A_253 = arith.subi %sub3A_252, %shift_right_arithmetic3A_250 : vector<16xi32>
      %bitcast_convert_type3A_254 = tpu.bitcast %sub3A_253 : vector<16xi32> -> vector<16xf32>
      %mul3A_255 = arith.constant 5.000000e-01 : f32
      %mul3A_256 = vector.broadcast %mul3A_255 : f32 to vector<16xf32>
      %mul3A_257 = arith.mulf %max3A_246, %mul3A_256 : vector<16xf32>
      %mul3A_258 = arith.mulf %mul3A_257, %bitcast_convert_type3A_254 : vector<16xf32>
      %mul3A_259 = arith.mulf %mul3A_258, %bitcast_convert_type3A_254 : vector<16xf32>
      %sub3A_260 = arith.constant 1.500000e+00 : f32
      %sub3A_261 = vector.broadcast %sub3A_260 : f32 to vector<16xf32>
      %sub3A_262 = arith.subf %sub3A_261, %mul3A_259 : vector<16xf32>
      %mul3A_263 = arith.mulf %bitcast_convert_type3A_254, %sub3A_262 : vector<16xf32>
      %abs3A_264 = math.absf %sub3A_230 : vector<16xf32>
      %mul3A_265 = arith.mulf %abs3A_264, %mul3A_263 : vector<16xf32>
      %sub3A_266 = arith.constant 1.000000e-01 : f32
      %sub3A_267 = vector.broadcast %sub3A_266 : f32 to vector<16xf32>
      %sub3A_268 = arith.subf %mul3A_265, %sub3A_267 : vector<16xf32>
      %max3A_269 = arith.constant 0.000000e+00 : f32
      %max3A_270 = vector.broadcast %max3A_269 : f32 to vector<16xf32>
      %max3A_271 = arith.maximumf %sub3A_268, %max3A_270 : vector<16xf32>
      %abs3A_272 = math.absf %sub3A_231 : vector<16xf32>
      %mul3A_273 = arith.mulf %abs3A_272, %mul3A_263 : vector<16xf32>
      %sub3A_274 = arith.constant 1.000000e-01 : f32
      %sub3A_275 = vector.broadcast %sub3A_274 : f32 to vector<16xf32>
      %sub3A_276 = arith.subf %mul3A_273, %sub3A_275 : vector<16xf32>
      %max3A_277 = arith.constant 0.000000e+00 : f32
      %max3A_278 = vector.broadcast %max3A_277 : f32 to vector<16xf32>
      %max3A_279 = arith.maximumf %sub3A_276, %max3A_278 : vector<16xf32>
      %abs3A_280 = math.absf %sub3A_232 : vector<16xf32>
      %mul3A_281 = arith.mulf %abs3A_280, %mul3A_263 : vector<16xf32>
      %sub3A_282 = arith.constant 1.000000e-01 : f32
      %sub3A_283 = vector.broadcast %sub3A_282 : f32 to vector<16xf32>
      %sub3A_284 = arith.subf %mul3A_281, %sub3A_283 : vector<16xf32>
      %max3A_285 = arith.constant 0.000000e+00 : f32
      %max3A_286 = vector.broadcast %max3A_285 : f32 to vector<16xf32>
      %max3A_287 = arith.maximumf %sub3A_284, %max3A_286 : vector<16xf32>
      %add3A_288 = arith.addf %max3A_279, %max3A_287 : vector<16xf32>
      %add3A_289 = arith.addf %max3A_271, %add3A_288 : vector<16xf32>
      %add3A_290 = arith.addf %add3A_210, %add3A_289 : vector<16xf32>
      %scan3A_291 = arith.constant 2 : i32
      %scan3A_292 = arith.addi %scan3A_136, %scan3A_291 : i32
      %mul3A_293 = arith.constant 16 : i32
      %mul3A_294 = arith.muli %scan3A_292, %mul3A_293 : i32
      %add3A_295 = vector.broadcast %mul3A_294 : i32 to vector<16xi32>
      %add3A_296 = arith.addi %add3A_295, %iota3A : vector<16xi32>
      %add3A_297 = arith.constant 2048 : i32
      %add3A_298 = vector.broadcast %add3A_297 : i32 to vector<16xi32>
      %add3A_299 = arith.addi %add3A_296, %add3A_298 : vector<16xi32>
      %gather3A_300 = tpu.vector_load_idx %arg9[%add3A_296, %broadcast_in_dim3A_3] : memref<4096x8xf32, #tpu.memory_space<vmem>>[vector<16xi32>, vector<16xi32>], vector<16xf32>,
      %gather3A_301 = tpu.vector_load_idx %arg9[%add3A_299, %broadcast_in_dim3A_3] : memref<4096x8xf32, #tpu.memory_space<vmem>>[vector<16xi32>, vector<16xi32>], vector<16xf32>,
      %gather3A_302 = tpu.vector_load_idx %arg9[%add3A_296, %broadcast_in_dim3A_5] : memref<4096x8xf32, #tpu.memory_space<vmem>>[vector<16xi32>, vector<16xi32>], vector<16xf32>,
      %gather3A_303 = tpu.vector_load_idx %arg9[%add3A_299, %broadcast_in_dim3A_5] : memref<4096x8xf32, #tpu.memory_space<vmem>>[vector<16xi32>, vector<16xi32>], vector<16xf32>,
      %gather3A_304 = tpu.vector_load_idx %arg9[%add3A_296, %broadcast_in_dim3A_7] : memref<4096x8xf32, #tpu.memory_space<vmem>>[vector<16xi32>, vector<16xi32>], vector<16xf32>,
      %gather3A_305 = tpu.vector_load_idx %arg9[%add3A_299, %broadcast_in_dim3A_7] : memref<4096x8xf32, #tpu.memory_space<vmem>>[vector<16xi32>, vector<16xi32>], vector<16xf32>,
      %gather3A_306 = tpu.vector_load_idx %arg9[%add3A_296, %broadcast_in_dim3A_9] : memref<4096x8xf32, #tpu.memory_space<vmem>>[vector<16xi32>, vector<16xi32>], vector<16xf32>,
      %gather3A_307 = tpu.vector_load_idx %arg9[%add3A_299, %broadcast_in_dim3A_9] : memref<4096x8xf32, #tpu.memory_space<vmem>>[vector<16xi32>, vector<16xi32>], vector<16xf32>,
      %gather3A_308 = tpu.vector_load_idx %arg9[%add3A_296, %broadcast_in_dim3A_11] : memref<4096x8xf32, #tpu.memory_space<vmem>>[vector<16xi32>, vector<16xi32>], vector<16xf32>,
      %gather3A_309 = tpu.vector_load_idx %arg9[%add3A_299, %broadcast_in_dim3A_11] : memref<4096x8xf32, #tpu.memory_space<vmem>>[vector<16xi32>, vector<16xi32>], vector<16xf32>,
      %sub3A_310 = arith.subf %gather3A_300, %gather3A_301 : vector<16xf32>
      %sub3A_311 = arith.subf %gather3A_302, %gather3A_303 : vector<16xf32>
      %sub3A_312 = arith.subf %gather3A_304, %gather3A_305 : vector<16xf32>
      %mul3A_313 = arith.mulf %sub3A_310, %sub3A_310 : vector<16xf32>
      %mul3A_314 = arith.mulf %sub3A_311, %sub3A_311 : vector<16xf32>
      %mul3A_315 = arith.mulf %sub3A_312, %sub3A_312 : vector<16xf32>
      %add3A_316 = arith.addf %mul3A_314, %mul3A_315 : vector<16xf32>
      %add3A_317 = arith.addf %mul3A_313, %add3A_316 : vector<16xf32>
      %add3A_318 = arith.addf %add3A_238, %add3A_317 : vector<16xf32>
      %sub3A_319 = arith.subf %gather3A_306, %gather3A_307 : vector<16xf32>
      %sub3A_320 = arith.subf %gather3A_308, %gather3A_309 : vector<16xf32>
      %mul3A_321 = arith.mulf %sub3A_319, %sub3A_319 : vector<16xf32>
      %mul3A_322 = arith.mulf %sub3A_320, %sub3A_320 : vector<16xf32>
      %add3A_323 = arith.addf %mul3A_321, %mul3A_322 : vector<16xf32>
      %max3A_324 = arith.constant 9.99999996E-13 : f32
      %max3A_325 = vector.broadcast %max3A_324 : f32 to vector<16xf32>
      %max3A_326 = arith.maximumf %add3A_323, %max3A_325 : vector<16xf32>
      %bitcast_convert_type3A_327 = tpu.bitcast %max3A_326 : vector<16xf32> -> vector<16xi32>
      %shift_right_arithmetic3A_328 = arith.constant 1 : i32
      %shift_right_arithmetic3A_329 = vector.broadcast %shift_right_arithmetic3A_328 : i32 to vector<16xi32>
      %shift_right_arithmetic3A_330 = arith.shrsi %bitcast_convert_type3A_327, %shift_right_arithmetic3A_329 : vector<16xi32>
      %sub3A_331 = arith.constant 1597463007 : i32
      %sub3A_332 = vector.broadcast %sub3A_331 : i32 to vector<16xi32>
      %sub3A_333 = arith.subi %sub3A_332, %shift_right_arithmetic3A_330 : vector<16xi32>
      %bitcast_convert_type3A_334 = tpu.bitcast %sub3A_333 : vector<16xi32> -> vector<16xf32>
      %mul3A_335 = arith.constant 5.000000e-01 : f32
      %mul3A_336 = vector.broadcast %mul3A_335 : f32 to vector<16xf32>
      %mul3A_337 = arith.mulf %max3A_326, %mul3A_336 : vector<16xf32>
      %mul3A_338 = arith.mulf %mul3A_337, %bitcast_convert_type3A_334 : vector<16xf32>
      %mul3A_339 = arith.mulf %mul3A_338, %bitcast_convert_type3A_334 : vector<16xf32>
      %sub3A_340 = arith.constant 1.500000e+00 : f32
      %sub3A_341 = vector.broadcast %sub3A_340 : f32 to vector<16xf32>
      %sub3A_342 = arith.subf %sub3A_341, %mul3A_339 : vector<16xf32>
      %mul3A_343 = arith.mulf %bitcast_convert_type3A_334, %sub3A_342 : vector<16xf32>
      %abs3A_344 = math.absf %sub3A_310 : vector<16xf32>
      %mul3A_345 = arith.mulf %abs3A_344, %mul3A_343 : vector<16xf32>
      %sub3A_346 = arith.constant 1.000000e-01 : f32
      %sub3A_347 = vector.broadcast %sub3A_346 : f32 to vector<16xf32>
      %sub3A_348 = arith.subf %mul3A_345, %sub3A_347 : vector<16xf32>
      %max3A_349 = arith.constant 0.000000e+00 : f32
      %max3A_350 = vector.broadcast %max3A_349 : f32 to vector<16xf32>
      %max3A_351 = arith.maximumf %sub3A_348, %max3A_350 : vector<16xf32>
      %abs3A_352 = math.absf %sub3A_311 : vector<16xf32>
      %mul3A_353 = arith.mulf %abs3A_352, %mul3A_343 : vector<16xf32>
      %sub3A_354 = arith.constant 1.000000e-01 : f32
      %sub3A_355 = vector.broadcast %sub3A_354 : f32 to vector<16xf32>
      %sub3A_356 = arith.subf %mul3A_353, %sub3A_355 : vector<16xf32>
      %max3A_357 = arith.constant 0.000000e+00 : f32
      %max3A_358 = vector.broadcast %max3A_357 : f32 to vector<16xf32>
      %max3A_359 = arith.maximumf %sub3A_356, %max3A_358 : vector<16xf32>
      %abs3A_360 = math.absf %sub3A_312 : vector<16xf32>
      %mul3A_361 = arith.mulf %abs3A_360, %mul3A_343 : vector<16xf32>
      %sub3A_362 = arith.constant 1.000000e-01 : f32
      %sub3A_363 = vector.broadcast %sub3A_362 : f32 to vector<16xf32>
      %sub3A_364 = arith.subf %mul3A_361, %sub3A_363 : vector<16xf32>
      %max3A_365 = arith.constant 0.000000e+00 : f32
      %max3A_366 = vector.broadcast %max3A_365 : f32 to vector<16xf32>
      %max3A_367 = arith.maximumf %sub3A_364, %max3A_366 : vector<16xf32>
      %add3A_368 = arith.addf %max3A_359, %max3A_367 : vector<16xf32>
      %add3A_369 = arith.addf %max3A_351, %add3A_368 : vector<16xf32>
      %add3A_370 = arith.addf %add3A_290, %add3A_369 : vector<16xf32>
      %scan3A_371 = arith.constant 3 : i32
      %scan3A_372 = arith.addi %scan3A_136, %scan3A_371 : i32
      %mul3A_373 = arith.constant 16 : i32
      %mul3A_374 = arith.muli %scan3A_372, %mul3A_373 : i32
      %add3A_375 = vector.broadcast %mul3A_374 : i32 to vector<16xi32>
      %add3A_376 = arith.addi %add3A_375, %iota3A : vector<16xi32>
      %add3A_377 = arith.constant 2048 : i32
      %add3A_378 = vector.broadcast %add3A_377 : i32 to vector<16xi32>
      %add3A_379 = arith.addi %add3A_376, %add3A_378 : vector<16xi32>
      %gather3A_380 = tpu.vector_load_idx %arg9[%add3A_376, %broadcast_in_dim3A_3] : memref<4096x8xf32, #tpu.memory_space<vmem>>[vector<16xi32>, vector<16xi32>], vector<16xf32>,
      %gather3A_381 = tpu.vector_load_idx %arg9[%add3A_379, %broadcast_in_dim3A_3] : memref<4096x8xf32, #tpu.memory_space<vmem>>[vector<16xi32>, vector<16xi32>], vector<16xf32>,
      %gather3A_382 = tpu.vector_load_idx %arg9[%add3A_376, %broadcast_in_dim3A_5] : memref<4096x8xf32, #tpu.memory_space<vmem>>[vector<16xi32>, vector<16xi32>], vector<16xf32>,
      %gather3A_383 = tpu.vector_load_idx %arg9[%add3A_379, %broadcast_in_dim3A_5] : memref<4096x8xf32, #tpu.memory_space<vmem>>[vector<16xi32>, vector<16xi32>], vector<16xf32>,
      %gather3A_384 = tpu.vector_load_idx %arg9[%add3A_376, %broadcast_in_dim3A_7] : memref<4096x8xf32, #tpu.memory_space<vmem>>[vector<16xi32>, vector<16xi32>], vector<16xf32>,
      %gather3A_385 = tpu.vector_load_idx %arg9[%add3A_379, %broadcast_in_dim3A_7] : memref<4096x8xf32, #tpu.memory_space<vmem>>[vector<16xi32>, vector<16xi32>], vector<16xf32>,
      %gather3A_386 = tpu.vector_load_idx %arg9[%add3A_376, %broadcast_in_dim3A_9] : memref<4096x8xf32, #tpu.memory_space<vmem>>[vector<16xi32>, vector<16xi32>], vector<16xf32>,
      %gather3A_387 = tpu.vector_load_idx %arg9[%add3A_379, %broadcast_in_dim3A_9] : memref<4096x8xf32, #tpu.memory_space<vmem>>[vector<16xi32>, vector<16xi32>], vector<16xf32>,
      %gather3A_388 = tpu.vector_load_idx %arg9[%add3A_376, %broadcast_in_dim3A_11] : memref<4096x8xf32, #tpu.memory_space<vmem>>[vector<16xi32>, vector<16xi32>], vector<16xf32>,
      %gather3A_389 = tpu.vector_load_idx %arg9[%add3A_379, %broadcast_in_dim3A_11] : memref<4096x8xf32, #tpu.memory_space<vmem>>[vector<16xi32>, vector<16xi32>], vector<16xf32>,
      %sub3A_390 = arith.subf %gather3A_380, %gather3A_381 : vector<16xf32>
      %sub3A_391 = arith.subf %gather3A_382, %gather3A_383 : vector<16xf32>
      %sub3A_392 = arith.subf %gather3A_384, %gather3A_385 : vector<16xf32>
      %mul3A_393 = arith.mulf %sub3A_390, %sub3A_390 : vector<16xf32>
      %mul3A_394 = arith.mulf %sub3A_391, %sub3A_391 : vector<16xf32>
      %mul3A_395 = arith.mulf %sub3A_392, %sub3A_392 : vector<16xf32>
      %add3A_396 = arith.addf %mul3A_394, %mul3A_395 : vector<16xf32>
      %add3A_397 = arith.addf %mul3A_393, %add3A_396 : vector<16xf32>
      %add3A_398 = arith.addf %add3A_318, %add3A_397 : vector<16xf32>
      %sub3A_399 = arith.subf %gather3A_386, %gather3A_387 : vector<16xf32>
      %sub3A_400 = arith.subf %gather3A_388, %gather3A_389 : vector<16xf32>
      %mul3A_401 = arith.mulf %sub3A_399, %sub3A_399 : vector<16xf32>
      %mul3A_402 = arith.mulf %sub3A_400, %sub3A_400 : vector<16xf32>
      %add3A_403 = arith.addf %mul3A_401, %mul3A_402 : vector<16xf32>
      %max3A_404 = arith.constant 9.99999996E-13 : f32
      %max3A_405 = vector.broadcast %max3A_404 : f32 to vector<16xf32>
      %max3A_406 = arith.maximumf %add3A_403, %max3A_405 : vector<16xf32>
      %bitcast_convert_type3A_407 = tpu.bitcast %max3A_406 : vector<16xf32> -> vector<16xi32>
      %shift_right_arithmetic3A_408 = arith.constant 1 : i32
      %shift_right_arithmetic3A_409 = vector.broadcast %shift_right_arithmetic3A_408 : i32 to vector<16xi32>
      %shift_right_arithmetic3A_410 = arith.shrsi %bitcast_convert_type3A_407, %shift_right_arithmetic3A_409 : vector<16xi32>
      %sub3A_411 = arith.constant 1597463007 : i32
      %sub3A_412 = vector.broadcast %sub3A_411 : i32 to vector<16xi32>
      %sub3A_413 = arith.subi %sub3A_412, %shift_right_arithmetic3A_410 : vector<16xi32>
      %bitcast_convert_type3A_414 = tpu.bitcast %sub3A_413 : vector<16xi32> -> vector<16xf32>
      %mul3A_415 = arith.constant 5.000000e-01 : f32
      %mul3A_416 = vector.broadcast %mul3A_415 : f32 to vector<16xf32>
      %mul3A_417 = arith.mulf %max3A_406, %mul3A_416 : vector<16xf32>
      %mul3A_418 = arith.mulf %mul3A_417, %bitcast_convert_type3A_414 : vector<16xf32>
      %mul3A_419 = arith.mulf %mul3A_418, %bitcast_convert_type3A_414 : vector<16xf32>
      %sub3A_420 = arith.constant 1.500000e+00 : f32
      %sub3A_421 = vector.broadcast %sub3A_420 : f32 to vector<16xf32>
      %sub3A_422 = arith.subf %sub3A_421, %mul3A_419 : vector<16xf32>
      %mul3A_423 = arith.mulf %bitcast_convert_type3A_414, %sub3A_422 : vector<16xf32>
      %abs3A_424 = math.absf %sub3A_390 : vector<16xf32>
      %mul3A_425 = arith.mulf %abs3A_424, %mul3A_423 : vector<16xf32>
      %sub3A_426 = arith.constant 1.000000e-01 : f32
      %sub3A_427 = vector.broadcast %sub3A_426 : f32 to vector<16xf32>
      %sub3A_428 = arith.subf %mul3A_425, %sub3A_427 : vector<16xf32>
      %max3A_429 = arith.constant 0.000000e+00 : f32
      %max3A_430 = vector.broadcast %max3A_429 : f32 to vector<16xf32>
      %max3A_431 = arith.maximumf %sub3A_428, %max3A_430 : vector<16xf32>
      %abs3A_432 = math.absf %sub3A_391 : vector<16xf32>
      %mul3A_433 = arith.mulf %abs3A_432, %mul3A_423 : vector<16xf32>
      %sub3A_434 = arith.constant 1.000000e-01 : f32
      %sub3A_435 = vector.broadcast %sub3A_434 : f32 to vector<16xf32>
      %sub3A_436 = arith.subf %mul3A_433, %sub3A_435 : vector<16xf32>
      %max3A_437 = arith.constant 0.000000e+00 : f32
      %max3A_438 = vector.broadcast %max3A_437 : f32 to vector<16xf32>
      %max3A_439 = arith.maximumf %sub3A_436, %max3A_438 : vector<16xf32>
      %abs3A_440 = math.absf %sub3A_392 : vector<16xf32>
      %mul3A_441 = arith.mulf %abs3A_440, %mul3A_423 : vector<16xf32>
      %sub3A_442 = arith.constant 1.000000e-01 : f32
      %sub3A_443 = vector.broadcast %sub3A_442 : f32 to vector<16xf32>
      %sub3A_444 = arith.subf %mul3A_441, %sub3A_443 : vector<16xf32>
      %max3A_445 = arith.constant 0.000000e+00 : f32
      %max3A_446 = vector.broadcast %max3A_445 : f32 to vector<16xf32>
      %max3A_447 = arith.maximumf %sub3A_444, %max3A_446 : vector<16xf32>
      %add3A_448 = arith.addf %max3A_439, %max3A_447 : vector<16xf32>
      %add3A_449 = arith.addf %max3A_431, %add3A_448 : vector<16xf32>
      %add3A_450 = arith.addf %add3A_370, %add3A_449 : vector<16xf32>
      scf.yield %add3A_398, %add3A_450 : vector<16xf32>, vector<16xf32>
    }
    %scan3A_128 = arith.constant 128 : i32
    %add3A_129 = arith.constant 3104 : i32
    %add3A_130 = arith.addi %add3A, %add3A_129 : i32
    %lt3A = arith.constant 3125 : i32
    %lt3A_131 = arith.cmpi slt, %add3A_130, %lt3A : i32
    %select_n3A = arith.select %lt3A_131, %scan3A_127#0, %scan3A_118#0 : vector<16xf32>
    %select_n3A_132 = arith.select %lt3A_131, %scan3A_127#1, %scan3A_118#1 : vector<16xf32>
    %swap3A = arith.constant 0 : index
    %swap3A_133 = tpu.vector_load %arg10[%swap3A] {strides = array<i32>} : memref<16xf32, #tpu.memory_space<vmem>>, vector<16xf32>,
    tpu.vector_store %arg10[%swap3A], %select_n3A {strides = array<i32>} : memref<16xf32, #tpu.memory_space<vmem>>, vector<16xf32>,
    %swap3A_134 = arith.constant 0 : index
    %swap3A_135 = tpu.vector_load %arg11[%swap3A_134] {strides = array<i32>} : memref<16xf32, #tpu.memory_space<vmem>>, vector<16xf32>,
    tpu.vector_store %arg11[%swap3A_134], %select_n3A_132 {strides = array<i32>} : memref<16xf32, #tpu.memory_space<vmem>>, vector<16xf32>,
    "tpu.region"() ({
      %run_scoped3A = tpu.sem_alloc : memref<!tpu.dma_semaphore, #tpu.memory_space<semaphore_mem>>
      %dma_start3A_136 = arith.constant 0 : i32
      %dma_start3A_137 = tpu.memref_slice %arg4[%add3A, %dma_start3A_136] : memref<32x16xf32, #tpu.memory_space<hbm>> -> memref<1x16xf32, #tpu.memory_space<hbm>>
      %dma_start3A_138 = tpu.memref_squeeze %dma_start3A_137 : memref<1x16xf32, #tpu.memory_space<hbm>> -> memref<16xf32, #tpu.memory_space<hbm>>
      %dma_start3A_139 = arith.constant 0 : i32
      %dma_start3A_140 = tpu.memref_slice %arg4[%add3A, %dma_start3A_139] : memref<32x16xf32, #tpu.memory_space<hbm>> -> memref<1x16xf32, #tpu.memory_space<hbm>>
      %dma_start3A_141 = tpu.memref_squeeze %dma_start3A_140 : memref<1x16xf32, #tpu.memory_space<hbm>> -> memref<16xf32, #tpu.memory_space<hbm>>
      tpu.enqueue_dma source(%arg10 : memref<16xf32, #tpu.memory_space<vmem>>) target(%dma_start3A_141 : memref<16xf32, #tpu.memory_space<hbm>>) target_semaphore(%run_scoped3A : memref<!tpu.dma_semaphore, #tpu.memory_space<semaphore_mem>>)
      %dma_wait3A_142 = arith.constant 0 : i32
      %dma_wait3A_143 = tpu.memref_slice %arg4[%add3A, %dma_wait3A_142] : memref<32x16xf32, #tpu.memory_space<hbm>> -> memref<1x16xf32, #tpu.memory_space<hbm>>
      %dma_wait3A_144 = tpu.memref_squeeze %dma_wait3A_143 : memref<1x16xf32, #tpu.memory_space<hbm>> -> memref<16xf32, #tpu.memory_space<hbm>>
      %dma_wait3A_145 = arith.constant 0 : i32
      %dma_wait3A_146 = tpu.memref_slice %arg4[%add3A, %dma_wait3A_145] : memref<32x16xf32, #tpu.memory_space<hbm>> -> memref<1x16xf32, #tpu.memory_space<hbm>>
      %dma_wait3A_147 = tpu.memref_squeeze %dma_wait3A_146 : memref<1x16xf32, #tpu.memory_space<hbm>> -> memref<16xf32, #tpu.memory_space<hbm>>
      tpu.wait_dma2 semaphore(%run_scoped3A : memref<!tpu.dma_semaphore, #tpu.memory_space<semaphore_mem>>) src(%arg10 : memref<16xf32, #tpu.memory_space<vmem>>) dst(%dma_wait3A_147 : memref<16xf32, #tpu.memory_space<hbm>>)
      tpu.yield
    }) : () -> ()
    "tpu.region"() ({
      %run_scoped3A = tpu.sem_alloc : memref<!tpu.dma_semaphore, #tpu.memory_space<semaphore_mem>>
      %dma_start3A_136 = arith.constant 0 : i32
      %dma_start3A_137 = tpu.memref_slice %arg5[%add3A, %dma_start3A_136] : memref<32x16xf32, #tpu.memory_space<hbm>> -> memref<1x16xf32, #tpu.memory_space<hbm>>
      %dma_start3A_138 = tpu.memref_squeeze %dma_start3A_137 : memref<1x16xf32, #tpu.memory_space<hbm>> -> memref<16xf32, #tpu.memory_space<hbm>>
      %dma_start3A_139 = arith.constant 0 : i32
      %dma_start3A_140 = tpu.memref_slice %arg5[%add3A, %dma_start3A_139] : memref<32x16xf32, #tpu.memory_space<hbm>> -> memref<1x16xf32, #tpu.memory_space<hbm>>
      %dma_start3A_141 = tpu.memref_squeeze %dma_start3A_140 : memref<1x16xf32, #tpu.memory_space<hbm>> -> memref<16xf32, #tpu.memory_space<hbm>>
      tpu.enqueue_dma source(%arg11 : memref<16xf32, #tpu.memory_space<vmem>>) target(%dma_start3A_141 : memref<16xf32, #tpu.memory_space<hbm>>) target_semaphore(%run_scoped3A : memref<!tpu.dma_semaphore, #tpu.memory_space<semaphore_mem>>)
      %dma_wait3A_142 = arith.constant 0 : i32
      %dma_wait3A_143 = tpu.memref_slice %arg5[%add3A, %dma_wait3A_142] : memref<32x16xf32, #tpu.memory_space<hbm>> -> memref<1x16xf32, #tpu.memory_space<hbm>>
      %dma_wait3A_144 = tpu.memref_squeeze %dma_wait3A_143 : memref<1x16xf32, #tpu.memory_space<hbm>> -> memref<16xf32, #tpu.memory_space<hbm>>
      %dma_wait3A_145 = arith.constant 0 : i32
      %dma_wait3A_146 = tpu.memref_slice %arg5[%add3A, %dma_wait3A_145] : memref<32x16xf32, #tpu.memory_space<hbm>> -> memref<1x16xf32, #tpu.memory_space<hbm>>
      %dma_wait3A_147 = tpu.memref_squeeze %dma_wait3A_146 : memref<1x16xf32, #tpu.memory_space<hbm>> -> memref<16xf32, #tpu.memory_space<hbm>>
      tpu.wait_dma2 semaphore(%run_scoped3A : memref<!tpu.dma_semaphore, #tpu.memory_space<semaphore_mem>>) src(%arg11 : memref<16xf32, #tpu.memory_space<vmem>>) dst(%dma_wait3A_147 : memref<16xf32, #tpu.memory_space<hbm>>)
      tpu.yield
    }) : () -> ()
    return
  }
}

module attributes {stable_mosaic.version = 14 : i64} {
  func.func @_combine_tc(%arg0: memref<3x100000xf32, #tpu.memory_space<vmem>>, %arg1: memref<3x100000xf32, #tpu.memory_space<vmem>>, %arg2: memref<32x16xf32, #tpu.memory_space<vmem>>, %arg3: memref<32x16xf32, #tpu.memory_space<vmem>>, %arg4: memref<1x1xf32, #tpu.memory_space<vmem>>) attributes {dimension_semantics = [], scalar_prefetch = 0 : i64, scratch_operands = 0 : i64, tpu.core_type = #tpu.core_type<tc>} {
    %get3A = arith.constant 0 : index
    %get3A_0 = arith.constant 0 : index
    %get3A_1 = vector.load %arg0[%get3A, %get3A_0] : memref<3x100000xf32, #tpu.memory_space<vmem>>, vector<3x100000xf32>
    %get3A_2 = arith.constant 0 : index
    %get3A_3 = arith.constant 0 : index
    %get3A_4 = vector.load %arg1[%get3A_2, %get3A_3] : memref<3x100000xf32, #tpu.memory_space<vmem>>, vector<3x100000xf32>
    %sub3A = arith.subf %get3A_1, %get3A_4 : vector<3x100000xf32>
    %mul3A = arith.mulf %sub3A, %sub3A : vector<3x100000xf32>
    %reduce_sum3A = vector.shape_cast %mul3A : vector<3x100000xf32> to vector<1x3x100000xf32>
    %reduce_sum3A_5 = arith.constant dense<0.000000e+00> : vector<1xf32>
    %reduce_sum3A_6 = vector.multi_reduction <add>, %reduce_sum3A, %reduce_sum3A_5 [1, 2] : vector<1x3x100000xf32> to vector<1xf32>
    %reduce_sum3A_7 = vector.shape_cast %reduce_sum3A_6 : vector<1xf32> to vector<1x1x1xf32>
    %reduce_sum3A_8 = vector.extract %reduce_sum3A_7[0, 0, 0] : f32 from vector<1x1x1xf32>
    %mul3A_9 = arith.constant 3.33333332E-6 : f32
    %mul3A_10 = arith.mulf %reduce_sum3A_8, %mul3A_9 : f32
    %slice3A = vector.extract_strided_slice %get3A_1 {offsets = [0, 0], sizes = [1, 100000], strides = [1, 1]} : vector<3x100000xf32> to vector<1x100000xf32>
    %squeeze3A = vector.shape_cast %slice3A : vector<1x100000xf32> to vector<100000xf32>
    %slice3A_11 = vector.extract_strided_slice %get3A_1 {offsets = [1, 0], sizes = [1, 100000], strides = [1, 1]} : vector<3x100000xf32> to vector<1x100000xf32>
    %squeeze3A_12 = vector.shape_cast %slice3A_11 : vector<1x100000xf32> to vector<100000xf32>
    %slice3A_13 = vector.extract_strided_slice %get3A_1 {offsets = [2, 0], sizes = [1, 100000], strides = [1, 1]} : vector<3x100000xf32> to vector<1x100000xf32>
    %squeeze3A_14 = vector.shape_cast %slice3A_13 : vector<1x100000xf32> to vector<100000xf32>
    %neg3A = arith.constant 0.000000e+00 : f32
    %neg3A_15 = vector.broadcast %neg3A : f32 to vector<100000xf32>
    %neg3A_16 = arith.subf %neg3A_15, %squeeze3A : vector<100000xf32>
    %max3A = arith.constant 0.000000e+00 : f32
    %max3A_17 = vector.broadcast %max3A : f32 to vector<100000xf32>
    %max3A_18 = arith.maximumf %neg3A_16, %max3A_17 : vector<100000xf32>
    %reduce_sum3A_19 = vector.shape_cast %max3A_18 : vector<100000xf32> to vector<1x100000xf32>
    %reduce_sum3A_20 = arith.constant dense<0.000000e+00> : vector<1xf32>
    %reduce_sum3A_21 = vector.multi_reduction <add>, %reduce_sum3A_19, %reduce_sum3A_20 [1] : vector<1x100000xf32> to vector<1xf32>
    %reduce_sum3A_22 = vector.shape_cast %reduce_sum3A_21 : vector<1xf32> to vector<1x1xf32>
    %reduce_sum3A_23 = vector.extract %reduce_sum3A_22[0, 0] : f32 from vector<1x1xf32>
    %sub3A_24 = arith.subf %squeeze3A_12, %squeeze3A_14 : vector<100000xf32>
    %add3A = arith.constant 1.000000e-01 : f32
    %add3A_25 = vector.broadcast %add3A : f32 to vector<100000xf32>
    %add3A_26 = arith.addf %sub3A_24, %add3A_25 : vector<100000xf32>
    %max3A_27 = arith.constant 0.000000e+00 : f32
    %max3A_28 = vector.broadcast %max3A_27 : f32 to vector<100000xf32>
    %max3A_29 = arith.maximumf %add3A_26, %max3A_28 : vector<100000xf32>
    %reduce_sum3A_30 = vector.shape_cast %max3A_29 : vector<100000xf32> to vector<1x100000xf32>
    %reduce_sum3A_31 = arith.constant dense<0.000000e+00> : vector<1xf32>
    %reduce_sum3A_32 = vector.multi_reduction <add>, %reduce_sum3A_30, %reduce_sum3A_31 [1] : vector<1x100000xf32> to vector<1xf32>
    %reduce_sum3A_33 = vector.shape_cast %reduce_sum3A_32 : vector<1xf32> to vector<1x1xf32>
    %reduce_sum3A_34 = vector.extract %reduce_sum3A_33[0, 0] : f32 from vector<1x1xf32>
    %add3A_35 = arith.addf %reduce_sum3A_23, %reduce_sum3A_34 : f32
    %sub3A_36 = arith.subf %squeeze3A_14, %squeeze3A_12 : vector<100000xf32>
    %sub3A_37 = arith.subf %squeeze3A, %sub3A_36 : vector<100000xf32>
    %integer_pow3A = arith.mulf %sub3A_37, %sub3A_37 : vector<100000xf32>
    %reduce_sum3A_38 = vector.shape_cast %integer_pow3A : vector<100000xf32> to vector<1x100000xf32>
    %reduce_sum3A_39 = arith.constant dense<0.000000e+00> : vector<1xf32>
    %reduce_sum3A_40 = vector.multi_reduction <add>, %reduce_sum3A_38, %reduce_sum3A_39 [1] : vector<1x100000xf32> to vector<1xf32>
    %reduce_sum3A_41 = vector.shape_cast %reduce_sum3A_40 : vector<1xf32> to vector<1x1xf32>
    %reduce_sum3A_42 = vector.extract %reduce_sum3A_41[0, 0] : f32 from vector<1x1xf32>
    %add3A_43 = arith.addf %add3A_35, %reduce_sum3A_42 : f32
    %sub3A_44 = arith.constant 2.000000e+01 : f32
    %sub3A_45 = vector.broadcast %sub3A_44 : f32 to vector<100000xf32>
    %sub3A_46 = arith.subf %squeeze3A, %sub3A_45 : vector<100000xf32>
    %max3A_47 = arith.constant 0.000000e+00 : f32
    %max3A_48 = vector.broadcast %max3A_47 : f32 to vector<100000xf32>
    %max3A_49 = arith.maximumf %sub3A_46, %max3A_48 : vector<100000xf32>
    %reduce_sum3A_50 = vector.shape_cast %max3A_49 : vector<100000xf32> to vector<1x100000xf32>
    %reduce_sum3A_51 = arith.constant dense<0.000000e+00> : vector<1xf32>
    %reduce_sum3A_52 = vector.multi_reduction <add>, %reduce_sum3A_50, %reduce_sum3A_51 [1] : vector<1x100000xf32> to vector<1xf32>
    %reduce_sum3A_53 = vector.shape_cast %reduce_sum3A_52 : vector<1xf32> to vector<1x1xf32>
    %reduce_sum3A_54 = vector.extract %reduce_sum3A_53[0, 0] : f32 from vector<1x1xf32>
    %add3A_55 = arith.addf %add3A_43, %reduce_sum3A_54 : f32
    %mul3A_56 = arith.constant 9.99999974E-6 : f32
    %mul3A_57 = arith.mulf %add3A_55, %mul3A_56 : f32
    %get3A_58 = arith.constant 0 : index
    %get3A_59 = arith.constant 0 : index
    %get3A_60 = vector.load %arg2[%get3A_58, %get3A_59] : memref<32x16xf32, #tpu.memory_space<vmem>>, vector<32x16xf32>
    %reduce_sum3A_61 = vector.shape_cast %get3A_60 : vector<32x16xf32> to vector<1x32x16xf32>
    %reduce_sum3A_62 = arith.constant dense<0.000000e+00> : vector<1xf32>
    %reduce_sum3A_63 = vector.multi_reduction <add>, %reduce_sum3A_61, %reduce_sum3A_62 [1, 2] : vector<1x32x16xf32> to vector<1xf32>
    %reduce_sum3A_64 = vector.shape_cast %reduce_sum3A_63 : vector<1xf32> to vector<1x1x1xf32>
    %reduce_sum3A_65 = vector.extract %reduce_sum3A_64[0, 0, 0] : f32 from vector<1x1x1xf32>
    %mul3A_66 = arith.constant 5.20833332E-8 : f32
    %mul3A_67 = arith.mulf %reduce_sum3A_65, %mul3A_66 : f32
    %get3A_68 = arith.constant 0 : index
    %get3A_69 = arith.constant 0 : index
    %get3A_70 = vector.load %arg3[%get3A_68, %get3A_69] : memref<32x16xf32, #tpu.memory_space<vmem>>, vector<32x16xf32>
    %reduce_sum3A_71 = vector.shape_cast %get3A_70 : vector<32x16xf32> to vector<1x32x16xf32>
    %reduce_sum3A_72 = arith.constant dense<0.000000e+00> : vector<1xf32>
    %reduce_sum3A_73 = vector.multi_reduction <add>, %reduce_sum3A_71, %reduce_sum3A_72 [1, 2] : vector<1x32x16xf32> to vector<1xf32>
    %reduce_sum3A_74 = vector.shape_cast %reduce_sum3A_73 : vector<1xf32> to vector<1x1x1xf32>
    %reduce_sum3A_75 = vector.extract %reduce_sum3A_74[0, 0, 0] : f32 from vector<1x1x1xf32>
    %mul3A_76 = arith.constant 5.20833332E-8 : f32
    %mul3A_77 = arith.mulf %reduce_sum3A_75, %mul3A_76 : f32
    %mul3A_78 = arith.constant 1.000000e-01 : f32
    %mul3A_79 = arith.mulf %mul3A_78, %mul3A_67 : f32
    %add3A_80 = arith.addf %mul3A_10, %mul3A_79 : f32
    %mul3A_81 = arith.constant 1.000000e-01 : f32
    %mul3A_82 = arith.mulf %mul3A_81, %mul3A_57 : f32
    %add3A_83 = arith.addf %add3A_80, %mul3A_82 : f32
    %mul3A_84 = arith.constant 5.000000e-02 : f32
    %mul3A_85 = arith.mulf %mul3A_84, %mul3A_77 : f32
    %add3A_86 = arith.addf %add3A_83, %mul3A_85 : f32
    %broadcast_in_dim3A = vector.broadcast %add3A_86 : f32 to vector<1x1xf32>
    %swap3A = arith.constant 0 : index
    %swap3A_87 = arith.constant 0 : index
    %swap3A_88 = vector.load %arg4[%swap3A, %swap3A_87] : memref<1x1xf32, #tpu.memory_space<vmem>>, vector<1x1xf32>
    tpu.vector_store %arg4[%swap3A, %swap3A_87], %broadcast_in_dim3A {strides = array<i32>} : memref<1x1xf32, #tpu.memory_space<vmem>>, vector<1x1xf32>,
    return
  }
}

</mosaic_0001>

<sc_bundles>
// kernel: kernel.4.cloned.1.call-start
scs
__scs_entry_jumppad:
0x0: {  	(pc) =	sbr.rel $0x88, $3  }
0x1: {  	(tag) =	ssettag $0x0;
	lr =	simm.s32 $0x1  }
0x2: {  	[smem:$0x3F9D] =	sst lr;
	_ =	strace $0xD0000000  }
0x3: {  	_ = 	snop  }
0x4: {  	_ = 	snop  }
0x5: {  	_ = 	snop  }
0x6: {  	_ = 	snop  }
0x7: {  	_ = 	snop  }
__scs_overlays_trampoline_lowered:
0x8: {  	[smem:$0x3FAC] =	sst s0  }
0x9: {  	[smem:$0x3FAD] =	sst s1  }
0xa: {  	[smem:$0x3FAE] =	sst s2  }
0xb: {  	[smem:$0x3FAF] =	sst s3  }
0xc: {  	[smem:$0x3FB0] =	sst s4  }
0xd: {  	[smem:$0x3FB1] =	sst s5  }
0xe: {  	[smem:$0x3FB2] =	sst s6  }
0xf: {  	[smem:$0x3FB3] =	sst s7  }
0x10: {  	[smem:$0x3FB4] =	sst s8  }
0x11: {  	[smem:$0x3FB5] =	sst s9;
	s0 =	simm.s32 @!p0 $0x0  }
0x12: {  	s1 =	sld [smem:$0x3F9B];
	s0 =	simm.s32 @p0 $0x1  }
0x13: {  	[smem:$0x3FB6] =	sst s0;
	s0 =	simm.s32 @!p1 $0x0  }
0x14: {  	s2 =	sld [smem:$0x3F9A];
	s0 =	simm.s32 @p1 $0x1  }
0x15: {  	[smem:$0x3FB7] =	sst s0;
	s0 =	simm.s32 @!p2 $0x0  }
0x16: {  	s3 =	sld [smem:$0x3FDB];
	s0 =	simm.s32 @p2 $0x1  }
0x17: {  	s4 =	simm.s32 $0x1BF5;
	[smem:$0x3FB9] =	sst s0  }
0x18: {  	s0 =	sld [smem:$0x3F9C];
	_ =	swait.ge [sflag:s4], $0x0  }
0x19: {  	s7 =	sld [smem:$0x3F9D]  }
0x1a: {  	s8 =	sadd.s32 $0xFFFFE003, lr  }
0x1b: {  	s9 =	sadd.s32 $0xFFFFFEF7, lr;
	s5 =	simm.s32 $0xFFFFFFFF;
	p2 =	slt.u32 s8, $0xFFFFF086  }
0x1c: {  	p1 =	slt.u32 s9, $0xF7A;
	s5 =	simm.s32 @!p2 $0x0  }
0x1d: {  	s5 =	simm.s32 @p1 $0x1;
	p0 =	seq.s32 s7, s2  }
0x1e: {  	s7 =	smul.u32 @!p0 $0xF7A, s2;
	p2 =	seq.s32 @!p0 s5, $0x0  }
0x1f: {  	s9 =	smul.u32 $0xF7A, s1;
	s8 =	simm.s32 @!p0 $0x1BF5;
	p2 =	por !p2, p0  }
0x20: {  	[sflag:s8] =	ssyncset.s32 @!p0 $0xFFFFF086;
	s6 =	sadd.s32 @!p0 s3, s7;
	s7 =	simm.s32 @!p0 $0x108  }
0x21: {  	s3 =	sadd.s32 s3, s9;
	s6 =	sadd.s32 @!p0 $0x88, s6;
	s7 =	simm.s32 @p2 $0x1082  }
0x22: {  	[simem:s7], [sflag:s8] =	dma.local @!p0 [hbm:s6], $0xF7A  }
0x23: {  	s9 =	sor.u32 $0xD0000000, s2;
	s6 =	simm.s32 $0x108;
	_ =	swait.ge @!p0 [sflag:s8], $0x0  }
0x24: {  	s3 =	sadd.s32 $0x88, s3;
	s6 =	simm.s32 @!p1 $0x1082;
	[sflag:s4] =	ssyncset.s32 $0xFFFFF086  }
0x25: {  	[simem:s6], [sflag:s4] =	dma.local [hbm:s3], $0xF7A  }
0x26: {  	[smem:$0x3F9D] =	sst s1;
	(tag) =	ssettag s2;
	_ =	strace s9  }
0x27: {  	s1 =	sld [smem:$0x3FAD]  }
0x28: {  	s2 =	sld [smem:$0x3FAE]  }
0x29: {  	s4 =	sld [smem:$0x3FB0]  }
0x2a: {  	p0 =	seq.s32 s5, $0x0;
	s5 =	sld [smem:$0x3FB1]  }
0x2b: {  	s6 =	sld [smem:$0x3FB2]  }
0x2c: {  	s7 =	sld [smem:$0x3FB3]  }
0x2d: {  	s3 =	simm.s32 $0x108;
	s8 =	sld [smem:$0x3FB4]  }
0x2e: {  	s3 =	simm.s32 @!p0 $0x1082;
	s9 =	sld [smem:$0x3FB5]  }
0x2f: {  	lr =	sadd.s32 s0, s3;
	s0 =	sld [smem:$0x3FAC]  }
0x30: {  	s3 =	sld [smem:$0x3FAF]  }
0x31: {  	[smem:$0x3FB8] =	sst s10  }
0x32: {  	s10 =	sld [smem:$0x3FB6];
	_ =	sdelay $0x3  }
0x33: {  	p0 =	seq.s32 s10, $0x1;
	s10 =	sld [smem:$0x3FB8];
	_ =	sdelay $0x3  }
0x34: {  	[smem:$0x3FB8] =	sst s10  }
0x35: {  	s10 =	sld [smem:$0x3FB7];
	_ =	sdelay $0x3  }
0x36: {  	p1 =	seq.s32 s10, $0x1;
	s10 =	sld [smem:$0x3FB8];
	_ =	sdelay $0x3  }
0x37: {  	[smem:$0x3FB8] =	sst s10  }
0x38: {  	s10 =	sld [smem:$0x3FB9]  }
0x39: {  	_ = 	snop;
	(pc) =	sbr.ind lr, $3  }
0x3a: {  	_ = 	snop  }
0x3b: {  	_ = 	snop  }
0x3c: {  	p2 =	seq.s32 s10, $0x1;
	s10 =	sld [smem:$0x3FB8]  }
0x3d: {  	_ =	shalt  }
0x3e: {  	_ =	shalt  }
0x3f: {  	_ =	shalt  }
0x40: {  	_ =	shalt  }
0x41: {  	_ =	shalt  }
0x42: {  	_ =	shalt  }
0x43: {  	_ =	shalt  }
0x44: {  	_ =	shalt  }
0x45: {  	_ =	shalt  }
0x46: {  	_ =	shalt  }
0x47: {  	_ =	shalt  }
0x48: {  	_ =	shalt  }
0x49: {  	_ =	shalt  }
0x4a: {  	_ =	shalt  }
0x4b: {  	_ =	shalt  }
0x4c: {  	_ =	shalt  }
0x4d: {  	_ =	shalt  }
0x4e: {  	_ =	shalt  }
0x4f: {  	_ =	shalt  }
0x50: {  	_ =	shalt  }
0x51: {  	_ =	shalt  }
0x52: {  	_ =	shalt  }
0x53: {  	_ =	shalt  }
0x54: {  	_ =	shalt  }
0x55: {  	_ =	shalt  }
0x56: {  	_ =	shalt  }
0x57: {  	_ =	shalt  }
0x58: {  	_ =	shalt  }
0x59: {  	_ =	shalt  }
0x5a: {  	_ =	shalt  }
0x5b: {  	_ =	shalt  }
0x5c: {  	_ =	shalt  }
0x5d: {  	_ =	shalt  }
0x5e: {  	_ =	shalt  }
0x5f: {  	_ =	shalt  }
0x60: {  	_ =	shalt  }
0x61: {  	_ =	shalt  }
0x62: {  	_ =	shalt  }
0x63: {  	_ =	shalt  }
0x64: {  	_ =	shalt  }
0x65: {  	_ =	shalt  }
0x66: {  	_ =	shalt  }
0x67: {  	_ =	shalt  }
0x68: {  	_ =	shalt  }
0x69: {  	_ =	shalt  }
0x6a: {  	_ =	shalt  }
0x6b: {  	_ =	shalt  }
0x6c: {  	_ =	shalt  }
0x6d: {  	_ =	shalt  }
0x6e: {  	_ =	shalt  }
0x6f: {  	_ =	shalt  }
0x70: {  	_ =	shalt  }
0x71: {  	_ =	shalt  }
0x72: {  	_ =	shalt  }
0x73: {  	_ =	shalt  }
0x74: {  	_ =	shalt  }
0x75: {  	_ =	shalt  }
0x76: {  	_ =	shalt  }
0x77: {  	_ =	shalt  }
0x78: {  	_ =	shalt  }
0x79: {  	_ =	shalt  }
0x7a: {  	_ =	shalt  }
0x7b: {  	_ =	shalt  }
0x7c: {  	_ =	shalt  }
0x7d: {  	_ =	shalt  }
0x7e: {  	_ =	shalt  }
0x7f: {  	_ =	shalt  }
0x80: {  	_ =	shalt  }
0x81: {  	_ =	shalt  }
0x82: {  	_ =	shalt  }
0x83: {  	_ =	shalt  }
0x84: {  	_ =	shalt  }
0x85: {  	_ =	shalt  }
0x86: {  	_ =	shalt  }
0x87: {  	_ =	shalt  }
.Lfunc_end0:
.L_simem_size_0:
called_computation.1_lowered:
.L_overlay_start_0:
0x88: {  	s2 =	sld [smem:$0x3FD9]  }
0x89: {  	s3 =	sld [smem:$0x3FFE];
	_ =	sdelay $0x1  }
0x8a: {  	s1 =	srdreg.scid  }
0x8b: {  	s0 =	sand.u32 $0x1, s1  }
0x8c: {  	s16 =	sshll.u32 s0, $0xA;
	s2 =	sadd.s32 s3, s2  }
0x8d: {  	s2 =	sadd.s32 s2, s16  }
0x8e: {  	[smem:$0x3FC4] =	sst s2  }
0x8f: {  	_ = 	snop  }
0x90: {  	(tm) =	ssettm $0x1  }
0x91: {  	s17 =	sld [smem:$0x3FFB];
	_ =	sdelay $0x3  }
0x92: {  	_ =	strace s17  }
0x93: {  	s2 =	sld [smem:$0x3FFC];
	_ =	sdelay $0x3  }
0x94: {  	_ =	strace s2  }
0x95: {  	s2 =	sld [smem:$0x3FFD];
	_ =	sdelay $0x3  }
0x96: {  	_ =	strace s2  }
0x97: {  	_ =	strace $0x8FFFFFFF  }
0x98: {  	s18 =	sld [smem:$0x3FDB];
	_ =	sdelay $0x1  }
0x99: {  	s19 =	simm.s32 $_scs_section_size  }
0x9a: {  	s4 =	simm.s32 $_size__tile_overlayer_lowered;
	s5 =	simm.s32 $_tile_overlayer_lowered  }
0x9b: {  	s22 =	simm.s32 $0x1BFF;
	s21 =	sshll.u32 s5, $0x1;
	s2 =	sadd.s32 s19, s18  }
0x9c: {  	s6 =	simm.s32 $0x0;
	s20 =	sshll.u32 s4, $0x1;
	s4 =	sadd.s32 s21, s2  }
0x9d: {  	[timem:s6], [sflag:s22] =	dma.local [hbm:s4], s20  }
0x9e: {  	_ =	swait.ge [sflag:s22], s20  }
0x9f: {  	s3 =	ssub.s32 $0x0, s20;
	[sflag:s22] =	ssyncset.done $0x0  }
0xa0: {  	[sflag:s22] =	ssyncadd.s32 s3;
	_ =	sdelay $0x1  }
0xa1: {  	s23 =	simm.s32 $0x1B8B  }
0xa2: {  	_ =	swait.ge [sflag:s23], $0x1  }
0xa3: {  	[sflag:s23] =	ssyncset.done $0x0  }
0xa4: {  	s25 =	simm.s32 $0x1B8E;
	s24 =	sld [smem:$0x3FFE];
	[sflag:s23] =	ssyncadd.s32 $0xFFFFFFFF  }
0xa5: {  	s26 =	simm.s32 $execute0_lowered;
	[smem:$0x3FD2] =	sst s25  }
0xa6: {  	s4 =	sshll.u32 s26, $0x1;
	_ =	strace $0x80000049;
	[dreg:$0x1] =	wrdreg $0xFFFFFFFF  }
0xa7: {  	s28 =	simm.s32 $_size_execute0_lowered;
	s2 =	sadd.s32 s2, s4;
	[dreg:$0x0] =	wrdreg $0x0  }
0xa8: {  	s4 =	sshll.u32 s28, $0x1;
	[dreg:$0x2] =	wrdreg s2  }
0xa9: {  	[dreg:$0x3] =	wrdreg s4  }
0xaa: {  	[dreg:$0x4] =	wrdreg $0xC0  }
0xab: {  	_ =	task [dreg:s6], $0x5FFFF  }
0xac: {  	[dreg:$0x1] =	wrdreg $0xFFFFFFFF  }
0xad: {  	[dreg:$0x0] =	wrdreg $0x60  }
0xae: {  	[dreg:$0x2] =	wrdreg s24  }
0xaf: {  	[dreg:$0x3] =	wrdreg $0x120200  }
0xb0: {  	[dreg:$0x4] =	wrdreg $0x9  }
0xb1: {  	_ =	task.clear_ibuf [dreg:s6], $0x5FFFF;
	_ =	strace $0x90000049  }
0xb2: {  	s29 =	simm.s32 $0x9;
	_ =	strace $0x8000004B  }
0xb3: {  	_ =	swait.ge [sflag:s29], $0x1  }
0xb4: {  	[sflag:s29] =	ssyncadd.s32 $0xFFFFFFFF  }
0xb5: {  	_ =	strace $0x9000004B  }
0xb6: {  	_ =	sfence  }
0xb7: {  	s30 =	sld [smem:$0x0];
	_ =	sdelay $0x2  }
0xb8: {  	s31 =	sshll.u32 s1, $0xD;
	s1 =	sshrl.u32 s1, $0x2  }
0xb9: {  	s3 =	sand.u32 $0x4000, s31;
	s1 =	sadd.s32 s1, s30  }
0xba: {  	s0 =	sor.u32 s3, s0;
	s1 =	sshll.u32 s1, $0x11  }
0xbb: {  	s0 =	sor.u32 s1, s0  }
0xbc: {  	s0 =	sadd.s32 $0x8F2B, s0  }
0xbd: {  	[sflag:s0] =	ssyncadd.remote.s32 $0x1  }
0xbe: {  	_ =	sfence.sel $0xFFFF  }
0xbf: {  	[dreg:$0x0] =	wrdreg $0xFFFFFFFF;
	(pc) =	sbr.abs _section_cstart, $3  }
0xc0: {  	[dreg:$0x1] =	wrdreg $0xFFFFFFFF  }
0xc1: {  	_ =	task.clear_ibuf [dreg:s6], $0x2FFFF;
	_ =	strace $0x9FFFFFFF  }
0xc2: {  	(tm) =	ssettm $0x7FFFFFFF  }
0xc3: {  	_ =	shalt  }
tec
execute0_lowered:
.L_overlay_start_1:
0x0: {  	(tag) =	ssettag $0x1  }
0x1: {  	s0 =	rddreg [dreg:$0x0]  }
0x2: {  	s1 =	rddreg [dreg:$0x1];
	s2 =	simm.s32 $0x0;
	s3 =	srdreg.scid  }
0x3: {  	s12 =	stileid.u32;
	s15 =	simm.s32 $0x800;
	s16 =	simm.s32 $0x1  }
0x4: {  	s17 =	simm.s32 $0x1000;
	s18 =	simm.s32 $0x9000;
	s20 =	simm.s32 $0x9800  }
0x5: {  	s21 =	simm.s32 $0x3;
	s22 =	simm.s32 $0x2;
	s23 =	simm.s32 $0xA000  }
0x6: {  	s24 =	simm.s32 $0x4;
	s26 =	simm.s32 $0x5;
	s29 =	simm.s32 $0x0  }
0x7: {  	[smem:$0x7FF] =	sst s2;
	s4 =	sand.u32 $0x1, s3;
	s5 =	sshll.u32 s12, $0x1  }
0x8: {  	s3 =	sadd.s32 $0x30E800, s0;
	p0 =	sne.s32 s12, $0x0;
	_ =	strace $0x8000004A  }
0x9: {  	s25 =	sor.u32 s4, s5;
	s30 =	ssub.s32 $0x2, s4;
	s4 =	sadd.s32 $0x1400, s0  }
0xa: {  	s6 =	sshll.u32 s25, $0x1;
	s7 =	sshrl.u32 s30, $0x1;
	s14 =	sshll.u32 s25, $0x8  }
0xb: {  	s8 =	sor.u32 $0x40, s25;
	s9 =	sor.u32 $0x60, s25;
	p1 =	slt.u32 s25, $0x15  }
0xc: {  	v0 =	vlaneseq.u32;
	s11 =	sadd.s32 s6, s0;
	s13 =	ssub.s32 s30, s7;
	s31 =	sor.u32 $0x2000, s14  }
0xd: {  	v0 =	vmul.u32 $0x8, v0;
	s5 =	sadd.s32 s4, s14;
	s6 =	sadd.s32 $0xC4900, s0;
	s7 =	sadd.s32 s4, s31  }
0xe: {  	s10 =	sadd.s32 $0x188000, s11;
	s11 =	sadd.s32 $0x187E00, s11;
	s12 =	smax.u32 s13, $0x1  }
0xf: {  	v1 =	vor.u32 $0x4000, v0;
	s13 =	sshrl.u32 @!p0 s1, $0x3;
	s14 =	sadd.s32 s14, s6;
	s19 =	sadd.s32 s31, s6  }
.LBB2_1:
0x10: {  	s0 =	simm.s32 @!p0 $0x1C05  }
0x11: {  	[spmem:s13], [sflag:s0] =	dma.local @!p0 [hbm:s3], $0x186A0  }
0x12: {  	s0 =	simm.s32 @!p0 $0x5  }
0x13: {  	_ =	swait.ge @!p0 [sflag:s0], $0x186A0  }
0x14: {  	[sflag:s0] =	ssyncset.done @!p0 $0x0  }
0x15: {  	[sflag:s0] =	ssyncadd.s32 @!p0 $0xFFFE7960  }
0x16: {  	[bflag:$0x0] =	sbarrier.arrive $0xFFFF  }
0x17: {  	[tilespmem:s2], [sflag:$0x1] =	stream.linear.gather [hbm4b:s5+s2], $0x800, $0x38;
	[tilespmem:$0x1E370] =	vst v63  }
0x18: {  	_ = 	snop  }
0x19: {  	[tilespmem:s15], [sflag:$0x1] =	stream.linear.gather [hbm4b:s14+s2], $0x800, $0x38;
	[tilespmem:$0x1E370] =	vst v63  }
0x1a: {  	_ =	swait.ge [sflag:s16], $0x1000  }
0x1b: {  	[sflag:s16] =	ssyncset.done $0x0  }
0x1c: {  	[sflag:s16] =	ssyncadd.s32 $0xFFFFF000  }
0x1d: {  	[tilespmem:s17], [sflag:$0x3] =	stream.indirect.gather [spmem:s1], $0x8, s2, s17, $0xb8;
	[tilespmem:$0x1E370] =	vst v63  }
0x1e: {  	_ = 	snop  }
0x1f: {  	[tilespmem:s18], [sflag:$0x2] =	stream.linear.gather [hbm4b:s7+s2], $0x800, $0x38;
	[tilespmem:$0x1E370] =	vst v63  }
0x20: {  	s30 =	simm.s32 $0x0  }
0x21: {  	v2 =	vimm.f32 $0.0e+00;
	v3 =	vimm.f32 $0.0e+00;
	[tilespmem:s20], [sflag:$0x2] =	stream.linear.gather [hbm4b:s19+s2], $0x800, $0x38;
	[tilespmem:$0x1E370] =	vst v63  }
.LBB2_2:
0x22: {  	_ =	swait.ge [sflag:s21], $0x8000  }
0x23: {  	[sflag:s21] =	ssyncset.done $0x0  }
0x24: {  	[sflag:s21] =	ssyncadd.s32 $0xFFFF8000  }
0x25: {  	s31 =	sshll.u32 s30, $0x6;
	s0 =	simm.s32 $0x0;
	_ =	swait.ge [sflag:s22], $0x1000  }
0x26: {  	v4 =	vmov s0;
	s28 =	sadd.s32 s8, s31;
	[sflag:s22] =	ssyncset.done $0x0  }
0x27: {  	v4 =	vshll.u32 v4, $0x3;
	s0 =	sshll.u32 s28, $0x8;
	[sflag:s22] =	ssyncadd.s32 $0xFFFFF000  }
0x28: {  	v5 =	vor.u32 v0, v4;
	[tilespmem:s23], [sflag:$0x4] =	stream.indirect.gather [spmem:s1], $0x8, s18, s17, $0xb8;
	[tilespmem:$0x1E370] =	vst v63  }
0x29: {  	s25 =	sadd.s32 s4, s0;
	v4 =	vor.u32 v1, v4  }
0x2a: {  	v6 =	vor.u32 $0x3, v5;
	[tilespmem:s2], [sflag:$0x1] =	stream.linear.gather [hbm4b:s25+s2], $0x800, $0x38;
	[tilespmem:$0x1E370] =	vst v63  }
0x2b: {  	s0 =	sadd.s32 s6, s0;
	v7 =	vor.u32 $0x1, v5  }
0x2c: {  	v8 =	vor.u32 $0x1, v4;
	[tilespmem:s15], [sflag:$0x1] =	stream.linear.gather [hbm4b:s0+s2], $0x800, $0x38;
	[tilespmem:$0x1E370] =	vst v63  }
0x2d: {  	v9 =	vor.u32 $0x2, v4;
	v10 =	vld.idx.msk [tilespmem:v5+s17+$0x0], $0xffff  }
0x2e: {  	v12 =	vor.u32 $0x4, v5;
	s25 =	simm.s32 $0x10;
	v11 =	vld.idx.msk [tilespmem:v4+s17+$0x0], $0xffff  }
0x2f: {  	v15 =	vor.u32 $0x4, v4;
	v13 =	vmov s25;
	v6 =	vld.idx.msk [tilespmem:v6+s17+$0x0], $0xffff  }
0x30: {  	v13 =	vshll.u32 v13, $0x3;
	v5 =	vor.u32 $0x2, v5;
	v7 =	vld.idx.msk [tilespmem:v7+s17+$0x0], $0xffff  }
0x31: {  	v14 =	vor.u32 v1, v13;
	v8 =	vld.idx.msk [tilespmem:v8+s17+$0x0], $0xffff  }
0x32: {  	v13 =	vor.u32 v0, v13;
	v9 =	vld.idx.msk [tilespmem:v9+s17+$0x0], $0xffff  }
0x33: {  	v4 =	vor.u32 $0x3, v4;
	v12 =	vld.idx.msk [tilespmem:v12+s17+$0x0], $0xffff  }
0x34: {  	v15 =	vld.idx.msk [tilespmem:v15+s17+$0x0], $0xffff;
	v16 =	vor.u32 $0x1, v14  }
0x35: {  	v17 =	vor.u32 $0x1, v13;
	v5 =	vld.idx.msk [tilespmem:v5+s17+$0x0], $0xffff  }
0x36: {  	v19 =	vor.u32 $0x2, v13;
	v18 =	vld.idx.msk [tilespmem:v14+s17+$0x0], $0xffff  }
0x37: {  	v21 =	vor.u32 $0x2, v14;
	v20 =	vld.idx.msk [tilespmem:v13+s17+$0x0], $0xffff  }
0x38: {  	v22 =	vor.u32 $0x3, v14;
	v4 =	vld.idx.msk [tilespmem:v4+s17+$0x0], $0xffff  }
0x39: {  	s28 =	simm.s32 $0x20;
	s0 =	simm.s32 $0x30;
	v23 =	vsub.f32 v7, v8;
	v8 =	vor.u32 $0x3, v13;
	v16 =	vld.idx.msk [tilespmem:v16+s17+$0x0], $0xffff  }
0x3a: {  	v30 =	vmov s0;
	v7 =	vmov s28;
	v13 =	vor.u32 $0x4, v13;
	v17 =	vld.idx.msk [tilespmem:v17+s17+$0x0], $0xffff  }
0x3b: {  	v14 =	vor.u32 $0x4, v14;
	v12 =	vsub.f32 v12, v15;
	v7 =	vshll.u32 v7, $0x3;
	v19 =	vld.idx.msk [tilespmem:v19+s17+$0x0], $0xffff  }
0x3c: {  	v26 =	vsub.f32 v10, v11;
	v11 =	vld.idx.msk [tilespmem:v21+s17+$0x0], $0xffff;
	v24 =	vor.u32 v0, v7;
	v5 =	vsub.f32 v5, v9  }
0x3d: {  	v21 =	vld.idx.msk [tilespmem:v22+s17+$0x0], $0xffff;
	v7 =	vor.u32 v1, v7;
	v12 =	vmul.f32 v12, v12;
	v4 =	vsub.f32 v6, v4  }
0x3e: {  	v15 =	vor.u32 $0x3, v24;
	v9 =	vmul.f32 v23, v23;
	v8 =	vld.idx.msk [tilespmem:v8+s17+$0x0], $0xffff;
	v10 =	vmul.f32 v5, v5  }
0x3f: {  	v25 =	vor.u32 $0x2, v24;
	v22 =	vor.u32 $0x3, v7;
	v4 =	vmul.f32 v4, v4  }
0x40: {  	v27 =	vor.u32 $0x1, v24;
	v6 =	vmul.f32 v26, v26;
	v9 =	vadd.f32 v10, v9  }
0x41: {  	v28 =	vor.u32 $0x2, v7;
	v13 =	vld.idx.msk [tilespmem:v13+s17+$0x0], $0xffff;
	v10 =	vor.u32 $0x4, v7;
	v4 =	vadd.f32 v12, v4  }
0x42: {  	v6 =	vadd.f32 v9, v6;
	v9 =	vld.idx.msk [tilespmem:v14+s17+$0x0], $0xffff;
	v14 =	vsub.f32 v17, v16;
	v16 =	vor.u32 $0x4, v24  }
0x43: {  	v15 =	vld.idx.msk [tilespmem:v15+s17+$0x0], $0xffff;
	v21 =	vsub.f32 v8, v21;
	v17 =	vsub.f32 v19, v11;
	v19 =	vor.u32 $0x1, v7  }
0x44: {  	v22 =	vld.idx.msk [tilespmem:v22+s17+$0x0], $0xffff;
	v31 =	vmax.f32 v4, $9.999999960e-13;
	v11 =	vsub.f32 v20, v18;
	v18 =	vshll.u32 v30, $0x3  }
0x45: {  	v29 =	vld.idx.msk [tilespmem:v7+s17+$0x0], $0xffff;
	v7 =	vshra.s32 v31, $0x1;
	v12 =	vmul.f32 v14, v14;
	v4 =	vmul.f32 v17, v17  }
0x46: {  	v30 =	vor.u32 v0, v18;
	v8 =	vadd.f32 v6, v3;
	v3 =	vand.u32 $0x7FFFFFFF, v23;
	v20 =	vld.idx.msk [tilespmem:v10+s17+$0x0], $0xffff  }
0x47: {  	v33 =	vor.u32 $0x3, v30;
	v6 =	vsub.f32 v13, v9;
	v32 =	vld.idx.msk [tilespmem:v16+s17+$0x0], $0xffff;
	v16 =	vadd.f32 v4, v12  }
0x48: {  	v34 =	vld.idx.msk [tilespmem:v25+s17+$0x0], $0xffff;
	v9 =	vmul.f32 v21, v21;
	v12 =	vor.u32 v1, v18;
	v4 =	vand.u32 $0x7FFFFFFF, v5  }
0x49: {  	v36 =	vld.idx.msk [tilespmem:v28+s17+$0x0], $0xffff;
	v5 =	vsub.f32 v15, v22;
	v15 =	vor.u32 $0x4, v12;
	v6 =	vmul.f32 v6, v6  }
0x4a: {  	v24 =	vld.idx.msk [tilespmem:v24+s17+$0x0], $0xffff;
	v10 =	vand.u32 $0x7FFFFFFF, v17;
	v17 =	vor.u32 $0x4, v30;
	v18 =	vor.u32 $0x3, v12  }
0x4b: {  	v21 =	vmul.f32 v11, v11;
	v13 =	vld.idx.msk [tilespmem:v19+s17+$0x0], $0xffff;
	v35 =	vor.u32 $0x1, v12;
	v6 =	vadd.f32 v6, v9  }
0x4c: {  	v22 =	vmul.f32 v5, v5;
	v5 =	vand.u32 $0x7FFFFFFF, v26;
	v26 =	vld.idx.msk [tilespmem:v27+s17+$0x0], $0xffff;
	v19 =	vsub.f32 v32, v20  }
0x4d: {  	v16 =	vadd.f32 v16, v21;
	v21 =	vor.u32 $0x2, v12;
	v9 =	vld.idx.msk [tilespmem:v30+s17+$0x0], $0xffff;
	v6 =	vmax.f32 v6, $9.999999960e-13  }
0x4e: {  	v25 =	vld.idx.msk [tilespmem:v15+s17+$0x0], $0xffff;
	v20 =	vshra.s32 v6, $0x1;
	v27 =	vmul.f32 $5.000000000e-01, v6;
	v28 =	vmul.f32 v19, v19  }
0x4f: {  	v19 =	vld.idx.msk [tilespmem:v18+s17+$0x0], $0xffff;
	v6 =	vsub.f32 v24, v29;
	v24 =	vor.u32 $0x1, v30;
	v23 =	vsub.s32 $0x5F3759DF, v20  }
0x50: {  	v20 =	vand.u32 $0x7FFFFFFF, v14;
	v14 =	vmul.f32 v23, v27;
	v29 =	vadd.f32 v28, v22;
	v27 =	vld.idx.msk [tilespmem:v17+s17+$0x0], $0xffff  }
0x51: {  	v15 =	vsub.f32 v34, v36;
	v18 =	vor.u32 $0x2, v30;
	v17 =	vmul.f32 $5.000000000e-01, v31;
	v28 =	vld.idx.msk [tilespmem:v33+s17+$0x0], $0xffff  }
0x52: {  	s25 =	simm.s32 $0x0;
	v22 =	vmul.f32 v6, v6;
	v30 =	vmul.f32 v23, v14;
	v29 =	vmax.f32 v29, $9.999999960e-13;
	v14 =	vld.idx.msk [tilespmem:v35+s17+$0x0], $0xffff  }
.LBB2_3:
0x53: {  	s25 =	sadd.s32 $0x4, s25;
	v11 =	vand.u32 $0x7FFFFFFF, v11;
	v13 =	vsub.f32 v26, v13;
	v21 =	vld.idx.msk [tilespmem:v21+s17+$0x0], $0xffff;
	s0 =	sadd.s32 $0x40, s0  }
0x54: {  	p2 =	slt.u32 s25, $0x7C;
	v26 =	vsub.f32 $1.500000000e+00, v30;
	v30 =	vmul.f32 v15, v15;
	v12 =	vld.idx.msk [tilespmem:v12+s17+$0x0], $0xffff  }
0x55: {  	v7 =	vsub.s32 $0x5F3759DF, v7;
	v32 =	vmul.f32 $5.000000000e-01, v29;
	v31 =	vmul.f32 v13, v13;
	v24 =	vld.idx.msk [tilespmem:v24+s17+$0x0], $0xffff  }
0x56: {  	v8 =	vadd.f32 v16, v8;
	v16 =	vmul.f32 v23, v26;
	v23 =	vsub.f32 v27, v25  }
0x57: {  	v26 =	vshra.s32 v29, $0x1;
	v19 =	vsub.f32 v28, v19;
	v25 =	vadd.f32 v30, v31  }
0x58: {  	v26 =	vsub.s32 $0x5F3759DF, v26;
	v20 =	vmul.f32 v16, v20;
	v23 =	vmul.f32 v23, v23  }
0x59: {  	v11 =	vmul.f32 v16, v11;
	v19 =	vmul.f32 v19, v19;
	v22 =	vadd.f32 v25, v22  }
0x5a: {  	v10 =	vmul.f32 v16, v10;
	v16 =	vmul.f32 v26, v32;
	v20 =	vadd.f32 $-1.000000010e-01, v20;
	v18 =	vld.idx.msk [tilespmem:v18+s17+$0x0], $0xffff  }
0x5b: {  	v17 =	vmul.f32 v7, v17;
	v9 =	vsub.f32 v9, v12;
	v11 =	vadd.f32 $-1.000000010e-01, v11  }
0x5c: {  	v16 =	vmul.f32 v26, v16;
	v19 =	vadd.f32 v23, v19;
	v12 =	vmax.f32 v20, $0.0e+00  }
0x5d: {  	v10 =	vadd.f32 $-1.000000010e-01, v10;
	v8 =	vadd.f32 v22, v8;
	v11 =	vmax.f32 v11, $0.0e+00  }
0x5e: {  	v15 =	vand.u32 $0x7FFFFFFF, v15;
	v13 =	vand.u32 $0x7FFFFFFF, v13;
	v19 =	vmax.f32 v19, $9.999999960e-13  }
0x5f: {  	v14 =	vsub.f32 v24, v14;
	v16 =	vsub.f32 $1.500000000e+00, v16;
	v20 =	vmul.f32 $5.000000000e-01, v19  }
0x60: {  	v10 =	vmax.f32 v10, $0.0e+00;
	v19 =	vshra.s32 v19, $0x1;
	v18 =	vsub.f32 v18, v21  }
0x61: {  	v6 =	vand.u32 $0x7FFFFFFF, v6;
	v16 =	vmul.f32 v26, v16;
	v19 =	vsub.s32 $0x5F3759DF, v19  }
0x62: {  	v10 =	vadd.f32 v10, v12;
	v12 =	vmul.f32 v14, v14;
	v21 =	vmul.f32 v18, v18  }
0x63: {  	v20 =	vmul.f32 v19, v20;
	v13 =	vmul.f32 v16, v13  }
0x64: {  	v10 =	vadd.f32 v10, v11;
	v11 =	vmul.f32 v16, v6;
	v15 =	vmul.f32 v16, v15  }
0x65: {  	v6 =	vmul.f32 v7, v17;
	v16 =	vmul.f32 v19, v20;
	v13 =	vadd.f32 $-1.000000010e-01, v13  }
0x66: {  	v17 =	vmul.f32 v9, v9;
	v12 =	vadd.f32 v21, v12  }
0x67: {  	v6 =	vsub.f32 $1.500000000e+00, v6;
	v16 =	vsub.f32 $1.500000000e+00, v16;
	v13 =	vmax.f32 v13, $0.0e+00  }
0x68: {  	v14 =	vand.u32 $0x7FFFFFFF, v14;
	v12 =	vadd.f32 v12, v17  }
0x69: {  	v7 =	vmul.f32 v7, v6;
	v16 =	vmul.f32 v19, v16  }
0x6a: {  	v6 =	vadd.f32 v12, v8;
	v8 =	vand.u32 $0x7FFFFFFF, v9  }
0x6b: {  	v3 =	vmul.f32 v7, v3;
	v9 =	vadd.f32 $-1.000000010e-01, v15;
	v12 =	vmul.f32 v16, v14  }
0x6c: {  	v5 =	vmul.f32 v7, v5;
	v4 =	vmul.f32 v7, v4;
	v7 =	vadd.f32 $-1.000000010e-01, v11  }
0x6d: {  	v3 =	vadd.f32 $-1.000000010e-01, v3;
	v9 =	vmax.f32 v9, $0.0e+00;
	v11 =	vadd.f32 $-1.000000010e-01, v12  }
0x6e: {  	s28 =	sadd.s32 $0xFFFFFFD0, s0;
	v4 =	vadd.f32 $-1.000000010e-01, v4;
	v12 =	vand.u32 $0x7FFFFFFF, v18;
	v9 =	vadd.f32 v9, v13  }
0x6f: {  	v5 =	vadd.f32 $-1.000000010e-01, v5;
	v13 =	vmov s28;
	v12 =	vmul.f32 v16, v12  }
0x70: {  	v3 =	vmax.f32 v3, $0.0e+00;
	v4 =	vmax.f32 v4, $0.0e+00;
	v13 =	vshll.u32 v13, $0x3  }
0x71: {  	v8 =	vmul.f32 v16, v8;
	v14 =	vor.u32 v0, v13;
	v13 =	vor.u32 v1, v13  }
0x72: {  	v5 =	vmax.f32 v5, $0.0e+00;
	v15 =	vor.u32 $0x3, v14;
	v16 =	vor.u32 $0x3, v13  }
0x73: {  	v3 =	vadd.f32 v4, v3;
	v17 =	vor.u32 $0x1, v14;
	v18 =	vor.u32 $0x4, v13  }
0x74: {  	v8 =	vadd.f32 $-1.000000010e-01, v8;
	v4 =	vor.u32 $0x2, v14;
	v19 =	vor.u32 $0x2, v13  }
0x75: {  	v20 =	vor.u32 $0x1, v13;
	v3 =	vadd.f32 v3, v5;
	v5 =	vmax.f32 v7, $0.0e+00  }
0x76: {  	s28 =	sadd.s32 $0xFFFFFFE0, s0;
	v5 =	vadd.f32 v9, v5;
	v9 =	vmax.f32 v11, $0.0e+00;
	v11 =	vadd.f32 $-1.000000010e-01, v12;
	v7 =	vld.idx.msk [tilespmem:v14+s17+$0x0], $0xffff  }
0x77: {  	v2 =	vadd.f32 v3, v2;
	v12 =	vld.idx.msk [tilespmem:v13+s17+$0x0], $0xffff;
	v13 =	vor.u32 $0x4, v14;
	v14 =	vmov s28  }
0x78: {  	v8 =	vmax.f32 v8, $0.0e+00;
	v11 =	vmax.f32 v11, $0.0e+00;
	v3 =	vld.idx.msk [tilespmem:v15+s17+$0x0], $0xffff;
	v14 =	vshll.u32 v14, $0x3  }
0x79: {  	v2 =	vadd.f32 v10, v2;
	v15 =	vld.idx.msk [tilespmem:v17+s17+$0x0], $0xffff;
	v17 =	vor.u32 v0, v14;
	v14 =	vor.u32 v1, v14  }
0x7a: {  	v9 =	vadd.f32 v11, v9;
	v10 =	vld.idx.msk [tilespmem:v20+s17+$0x0], $0xffff;
	v20 =	vor.u32 $0x3, v17;
	v21 =	vor.u32 $0x3, v14  }
0x7b: {  	v22 =	vor.u32 $0x1, v14;
	v23 =	vor.u32 $0x4, v17;
	v11 =	vld.idx.msk [tilespmem:v19+s17+$0x0], $0xffff;
	v19 =	vor.u32 $0x1, v17  }
0x7c: {  	v2 =	vadd.f32 v5, v2;
	v24 =	vor.u32 $0x2, v17;
	v25 =	vor.u32 $0x2, v14;
	v13 =	vld.idx.msk [tilespmem:v13+s17+$0x0], $0xffff  }
0x7d: {  	v5 =	vadd.f32 v9, v8;
	v4 =	vld.idx.msk [tilespmem:v4+s17+$0x0], $0xffff  }
0x7e: {  	v8 =	vld.idx.msk [tilespmem:v14+s17+$0x0], $0xffff  }
0x7f: {  	v2 =	vadd.f32 v5, v2;
	v9 =	vld.idx.msk [tilespmem:v17+s17+$0x0], $0xffff  }
0x80: {  	s28 =	sadd.s32 $0xFFFFFFF0, s0;
	v5 =	vld.idx.msk [tilespmem:v18+s17+$0x0], $0xffff  }
0x81: {  	v10 =	vsub.f32 v15, v10;
	v17 =	vmov s28;
	v15 =	vld.idx.msk [tilespmem:v22+s17+$0x0], $0xffff  }
0x82: {  	v17 =	vshll.u32 v17, $0x3;
	v16 =	vld.idx.msk [tilespmem:v16+s17+$0x0], $0xffff  }
0x83: {  	v4 =	vsub.f32 v4, v11;
	v11 =	vmul.f32 v10, v10;
	v18 =	vld.idx.msk [tilespmem:v19+s17+$0x0], $0xffff;
	v19 =	vor.u32 v0, v17  }
0x84: {  	v14 =	vor.u32 $0x4, v14;
	v17 =	vor.u32 v1, v17;
	v22 =	vld.idx.msk [tilespmem:v24+s17+$0x0], $0xffff;
	v24 =	vor.u32 $0x2, v19  }
0x85: {  	v26 =	vsub.f32 v7, v12;
	v7 =	vmul.f32 v4, v4;
	v12 =	vld.idx.msk [tilespmem:v21+s17+$0x0], $0xffff;
	v21 =	vor.u32 $0x1, v19  }
0x86: {  	v5 =	vsub.f32 v13, v5;
	v13 =	vld.idx.msk [tilespmem:v25+s17+$0x0], $0xffff;
	v25 =	vor.u32 $0x3, v19  }
0x87: {  	v27 =	vmul.f32 v26, v26;
	v7 =	vadd.f32 v7, v11;
	v11 =	vor.u32 $0x4, v17;
	v23 =	vld.idx.msk [tilespmem:v23+s17+$0x0], $0xffff  }
0x88: {  	v28 =	vor.u32 $0x3, v17;
	v3 =	vsub.f32 v3, v16;
	v16 =	vld.idx.msk [tilespmem:v20+s17+$0x0], $0xffff;
	v20 =	vor.u32 $0x2, v17  }
0x89: {  	v30 =	vor.u32 $0x4, v19;
	v27 =	vadd.f32 v7, v27;
	v29 =	vld.idx.msk [tilespmem:v17+s17+$0x0], $0xffff;
	v17 =	vor.u32 $0x1, v17  }
0x8a: {  	v5 =	vmul.f32 v5, v5;
	v15 =	vsub.f32 v18, v15;
	v3 =	vmul.f32 v3, v3;
	v14 =	vld.idx.msk [tilespmem:v14+s17+$0x0], $0xffff  }
0x8b: {  	v18 =	vld.idx.msk [tilespmem:v25+s17+$0x0], $0xffff  }
0x8c: {  	v3 =	vadd.f32 v5, v3;
	v5 =	vsub.f32 v22, v13;
	v22 =	vmul.f32 v15, v15;
	v25 =	vld.idx.msk [tilespmem:v11+s17+$0x0], $0xffff  }
0x8d: {  	v13 =	vmov s0;
	v31 =	vld.idx.msk [tilespmem:v19+s17+$0x0], $0xffff  }
0x8e: {  	v32 =	vmax.f32 v3, $9.999999960e-13;
	v19 =	vmul.f32 v5, v5;
	v12 =	vsub.f32 v16, v12;
	v16 =	vld.idx.msk [tilespmem:v28+s17+$0x0], $0xffff  }
0x8f: {  	v11 =	vsub.f32 v9, v8;
	v9 =	vshll.u32 v13, $0x3;
	v7 =	vshra.s32 v32, $0x1;
	v28 =	vld.idx.msk [tilespmem:v30+s17+$0x0], $0xffff  }
0x90: {  	v8 =	vadd.f32 v27, v6;
	v6 =	vsub.f32 v23, v14;
	v14 =	vor.u32 v0, v9;
	v13 =	vld.idx.msk [tilespmem:v17+s17+$0x0], $0xffff  }
0x91: {  	v3 =	vand.u32 $0x7FFFFFFF, v10;
	v10 =	vmul.f32 v12, v12;
	v17 =	vadd.f32 v19, v22  }
0x92: {  	v12 =	vor.u32 v1, v9;
	v19 =	vmul.f32 v11, v11;
	v6 =	vmul.f32 v6, v6  }
0x93: {  	v4 =	vand.u32 $0x7FFFFFFF, v4;
	v30 =	vor.u32 $0x3, v14;
	v22 =	vor.u32 $0x3, v12  }
0x94: {  	v34 =	vor.u32 $0x1, v12;
	v18 =	vsub.f32 v18, v16;
	v33 =	vld.idx.msk [tilespmem:v24+s17+$0x0], $0xffff;
	v24 =	vor.u32 $0x4, v12  }
0x95: {  	v27 =	vor.u32 $0x4, v14;
	v6 =	vadd.f32 v6, v10;
	v10 =	vand.u32 $0x7FFFFFFF, v5;
	v9 =	vld.idx.msk [tilespmem:v14+s17+$0x0], $0xffff  }
0x96: {  	v16 =	vadd.f32 v17, v19;
	v17 =	vsub.f32 v28, v25;
	v18 =	vmul.f32 v18, v18;
	v35 =	vld.idx.msk [tilespmem:v20+s17+$0x0], $0xffff  }
0x97: {  	v5 =	vand.u32 $0x7FFFFFFF, v26;
	v6 =	vmax.f32 v6, $9.999999960e-13;
	v26 =	vld.idx.msk [tilespmem:v21+s17+$0x0], $0xffff;
	v21 =	vor.u32 $0x2, v12  }
.Ltmp0:
0x98: {  	v20 =	vshra.s32 v6, $0x1;
	v28 =	vmul.f32 $5.000000000e-01, v6;
	v17 =	vmul.f32 v17, v17;
	v19 =	vld.idx.msk [tilespmem:v22+s17+$0x0], $0xffff;
	(pc) =	sbr.rel @p2 .LBB2_3-.Ltmp0, $4  }
0x99: {  	v6 =	vsub.f32 v31, v29;
	v23 =	vsub.s32 $0x5F3759DF, v20;
	v20 =	vand.u32 $0x7FFFFFFF, v15;
	v25 =	vld.idx.msk [tilespmem:v24+s17+$0x0], $0xffff  }
0x9a: {  	v15 =	vmul.f32 v23, v28;
	v29 =	vadd.f32 v17, v18;
	v24 =	vor.u32 $0x1, v14;
	v27 =	vld.idx.msk [tilespmem:v27+s17+$0x0], $0xffff  }
0x9b: {  	v17 =	vmul.f32 $5.000000000e-01, v32;
	v22 =	vmul.f32 v6, v6;
	v18 =	vor.u32 $0x2, v14;
	v28 =	vld.idx.msk [tilespmem:v30+s17+$0x0], $0xffff  }
0x9c: {  	v29 =	vmax.f32 v29, $9.999999960e-13;
	v30 =	vmul.f32 v23, v15;
	v15 =	vsub.f32 v33, v35;
	v14 =	vld.idx.msk [tilespmem:v34+s17+$0x0], $0xffff  }
0x9d: {  	_ =	sdelay $0x3  }
0x9e: {  	v13 =	vsub.f32 v26, v13;
	v11 =	vand.u32 $0x7FFFFFFF, v11;
	v7 =	vsub.s32 $0x5F3759DF, v7;
	v12 =	vld.idx.msk [tilespmem:v12+s17+$0x0], $0xffff  }
0x9f: {  	v32 =	vmul.f32 $5.000000000e-01, v29;
	v8 =	vadd.f32 v16, v8;
	v21 =	vld.idx.msk [tilespmem:v21+s17+$0x0], $0xffff;
	v26 =	vsub.f32 $1.500000000e+00, v30  }
0xa0: {  	v18 =	vld.idx.msk [tilespmem:v18+s17+$0x0], $0xffff;
	v6 =	vand.u32 $0x7FFFFFFF, v6;
	v30 =	vmul.f32 v15, v15;
	v17 =	vmul.f32 v7, v17  }
0xa1: {  	v15 =	vand.u32 $0x7FFFFFFF, v15;
	v16 =	vmul.f32 v23, v26;
	v23 =	vsub.f32 v27, v25  }
0xa2: {  	v31 =	vmul.f32 v13, v13;
	v19 =	vsub.f32 v28, v19;
	v17 =	vmul.f32 v7, v17  }
0xa3: {  	v26 =	vshra.s32 v29, $0x1;
	v20 =	vmul.f32 v16, v20;
	v23 =	vmul.f32 v23, v23  }
0xa4: {  	v25 =	vadd.f32 v30, v31;
	v11 =	vmul.f32 v16, v11;
	v19 =	vmul.f32 v19, v19  }
0xa5: {  	v10 =	vmul.f32 v16, v10;
	v16 =	vld.idx.msk [tilespmem:v24+s17+$0x0], $0xffff;
	v9 =	vsub.f32 v9, v12;
	v18 =	vsub.f32 v18, v21  }
0xa6: {  	v26 =	vsub.s32 $0x5F3759DF, v26;
	v22 =	vadd.f32 v25, v22;
	v20 =	vadd.f32 $-1.000000010e-01, v20  }
0xa7: {  	v24 =	vmul.f32 v26, v32;
	v19 =	vadd.f32 v23, v19;
	v10 =	vadd.f32 $-1.000000010e-01, v10  }
0xa8: {  	v11 =	vadd.f32 $-1.000000010e-01, v11;
	v8 =	vadd.f32 v22, v8;
	v12 =	vmax.f32 v20, $0.0e+00  }
0xa9: {  	v20 =	vmul.f32 v26, v24;
	v19 =	vmax.f32 v19, $9.999999960e-13;
	v10 =	vmax.f32 v10, $0.0e+00  }
0xaa: {  	v22 =	vmul.f32 $5.000000000e-01, v19;
	v19 =	vshra.s32 v19, $0x1;
	v14 =	vsub.f32 v16, v14  }
0xab: {  	v10 =	vadd.f32 v10, v12;
	v20 =	vsub.f32 $1.500000000e+00, v20;
	v16 =	vsub.s32 $0x5F3759DF, v19  }
0xac: {  	v21 =	vmul.f32 v18, v18;
	v11 =	vmax.f32 v11, $0.0e+00;
	v19 =	vmul.f32 v16, v22  }
0xad: {  	v10 =	vadd.f32 v10, v11;
	v11 =	vsub.f32 $1.500000000e+00, v17;
	v20 =	vmul.f32 v26, v20  }
0xae: {  	v13 =	vand.u32 $0x7FFFFFFF, v13;
	v12 =	vmul.f32 v14, v14;
	v19 =	vmul.f32 v16, v19  }
0xaf: {  	v14 =	vand.u32 $0x7FFFFFFF, v14;
	v7 =	vmul.f32 v7, v11;
	v13 =	vmul.f32 v20, v13  }
0xb0: {  	_ =	swait.ge [sflag:s24], $0x8000;
	v12 =	vadd.f32 v21, v12;
	v6 =	vmul.f32 v20, v6;
	v15 =	vmul.f32 v20, v15  }
0xb1: {  	s25 =	sadd.s32 s9, s31;
	[sflag:s24] =	ssyncset.done $0x0;
	v17 =	vsub.f32 $1.500000000e+00, v19;
	v19 =	vmul.f32 v9, v9;
	v3 =	vmul.f32 v7, v3  }
0xb2: {  	s0 =	simm.s32 $0x0;
	s28 =	smin.u32 s25, $0xC34;
	[sflag:s24] =	ssyncadd.s32 $0xFFFF8000;
	v9 =	vand.u32 $0x7FFFFFFF, v9;
	v5 =	vmul.f32 v7, v5;
	v4 =	vmul.f32 v7, v4  }
0xb3: {  	_ =	swait.ge [sflag:s16], $0x1000;
	v7 =	vmov s0;
	s0 =	sshll.u32 s28, $0x8;
	s28 =	simm.s32 $0x10;
	v13 =	vadd.f32 $-1.000000010e-01, v13;
	v15 =	vadd.f32 $-1.000000010e-01, v15  }
0xb4: {  	[sflag:s16] =	ssyncset.done $0x0;
	v6 =	vadd.f32 $-1.000000010e-01, v6;
	v7 =	vshll.u32 v7, $0x3;
	v23 =	vmov s28  }
0xb5: {  	[sflag:s16] =	ssyncadd.s32 $0xFFFFF000;
	v11 =	vmul.f32 v16, v17;
	v3 =	vadd.f32 $-1.000000010e-01, v3;
	v16 =	vor.u32 v0, v7  }
0xb6: {  	[tilespmem:s17], [sflag:$0x3] =	stream.indirect.gather [spmem:s1], $0x8, s2, s17, $0xb8;
	v4 =	vadd.f32 $-1.000000010e-01, v4;
	v17 =	vand.u32 $0x7FFFFFFF, v18;
	v7 =	vor.u32 v1, v7;
	[tilespmem:$0x1E370] =	vst v63  }
0xb7: {  	s31 =	sadd.s32 s4, s0;
	v5 =	vadd.f32 $-1.000000010e-01, v5;
	v13 =	vmax.f32 v13, $0.0e+00;
	v15 =	vmax.f32 v15, $0.0e+00  }
0xb8: {  	[tilespmem:s18], [sflag:$0x2] =	stream.linear.gather [hbm4b:s31+s2], $0x800, $0x38;
	v18 =	vor.u32 $0x1, v16;
	v14 =	vmul.f32 v11, v14;
	v13 =	vadd.f32 v15, v13;
	[tilespmem:$0x1E370] =	vst v63  }
0xb9: {  	s0 =	sadd.s32 s6, s0;
	v15 =	vor.u32 $0x3, v16;
	v17 =	vmul.f32 v11, v17;
	v3 =	vmax.f32 v3, $0.0e+00  }
0xba: {  	v4 =	vmax.f32 v4, $0.0e+00;
	v9 =	vmul.f32 v11, v9;
	[tilespmem:s20], [sflag:$0x2] =	stream.linear.gather [hbm4b:s0+s2], $0x800, $0x38;
	v11 =	vor.u32 $0x1, v7;
	[tilespmem:$0x1E370] =	vst v63  }
0xbb: {  	v22 =	vor.u32 $0x4, v16;
	v3 =	vadd.f32 v4, v3;
	v4 =	vor.u32 $0x2, v7;
	v20 =	vld.idx.msk [tilespmem:v16+s23+$0x0], $0xffff  }
0xbc: {  	v6 =	vmax.f32 v6, $0.0e+00;
	v5 =	vmax.f32 v5, $0.0e+00;
	v14 =	vadd.f32 $-1.000000010e-01, v14;
	v21 =	vld.idx.msk [tilespmem:v7+s23+$0x0], $0xffff  }
0xbd: {  	v3 =	vadd.f32 v3, v5;
	v5 =	vor.u32 $0x2, v16;
	v16 =	vshll.u32 v23, $0x3;
	v18 =	vld.idx.msk [tilespmem:v18+s23+$0x0], $0xffff  }
0xbe: {  	v9 =	vadd.f32 $-1.000000010e-01, v9;
	v17 =	vadd.f32 $-1.000000010e-01, v17;
	v23 =	vor.u32 v1, v16;
	v15 =	vld.idx.msk [tilespmem:v15+s23+$0x0], $0xffff  }
0xbf: {  	v6 =	vadd.f32 v13, v6;
	v2 =	vadd.f32 v3, v2;
	v3 =	vor.u32 v0, v16;
	v11 =	vld.idx.msk [tilespmem:v11+s23+$0x0], $0xffff  }
0xc0: {  	v13 =	vmax.f32 v14, $0.0e+00;
	v14 =	vmax.f32 v17, $0.0e+00;
	v16 =	vor.u32 $0x4, v7;
	v4 =	vld.idx.msk [tilespmem:v4+s23+$0x0], $0xffff  }
0xc1: {  	v7 =	vor.u32 $0x3, v7;
	v2 =	vadd.f32 v10, v2;
	v10 =	vadd.f32 v14, v13;
	v13 =	vld.idx.msk [tilespmem:v22+s23+$0x0], $0xffff  }
0xc2: {  	v12 =	vadd.f32 v12, v19;
	v9 =	vmax.f32 v9, $0.0e+00;
	v17 =	vor.u32 $0x2, v3;
	v5 =	vld.idx.msk [tilespmem:v5+s23+$0x0], $0xffff  }
0xc3: {  	v14 =	vor.u32 $0x1, v23;
	v2 =	vadd.f32 v6, v2;
	v6 =	vadd.f32 v10, v9;
	v10 =	vld.idx.msk [tilespmem:v23+s23+$0x0], $0xffff  }
0xc4: {  	s0 =	simm.s32 $0x30;
	v22 =	vor.u32 $0x3, v3;
	v19 =	vld.idx.msk [tilespmem:v3+s23+$0x0], $0xffff  }
0xc5: {  	v8 =	vadd.f32 v12, v8;
	v29 =	vmov s0;
	v9 =	vor.u32 $0x1, v3;
	v12 =	vld.idx.msk [tilespmem:v16+s23+$0x0], $0xffff  }
0xc6: {  	s31 =	simm.s32 $0x20;
	v20 =	vsub.f32 v20, v21;
	v16 =	vor.u32 $0x3, v23;
	v18 =	vsub.f32 v18, v11;
	v7 =	vld.idx.msk [tilespmem:v7+s23+$0x0], $0xffff  }
0xc7: {  	v11 =	vmov s31;
	v2 =	vadd.f32 v6, v2;
	v6 =	vor.u32 $0x2, v23;
	v17 =	vld.idx.msk [tilespmem:v17+s23+$0x0], $0xffff  }
0xc8: {  	v3 =	vor.u32 $0x4, v3;
	v11 =	vshll.u32 v11, $0x3;
	v14 =	vld.idx.msk [tilespmem:v14+s23+$0x0], $0xffff;
	v4 =	vsub.f32 v5, v4  }
0xc9: {  	v23 =	vor.u32 $0x4, v23;
	v24 =	vor.u32 v0, v11;
	v11 =	vor.u32 v1, v11;
	v22 =	vld.idx.msk [tilespmem:v22+s23+$0x0], $0xffff  }
0xca: {  	v5 =	vmul.f32 v18, v18;
	v25 =	vor.u32 $0x2, v24;
	v9 =	vld.idx.msk [tilespmem:v9+s23+$0x0], $0xffff;
	v21 =	vmul.f32 v4, v4  }
0xcb: {  	v16 =	vld.idx.msk [tilespmem:v16+s23+$0x0], $0xffff;
	v12 =	vsub.f32 v13, v12;
	v13 =	vor.u32 $0x3, v24;
	v7 =	vsub.f32 v15, v7  }
0xcc: {  	v27 =	vor.u32 $0x3, v11;
	v15 =	vmul.f32 v20, v20;
	v6 =	vld.idx.msk [tilespmem:v6+s23+$0x0], $0xffff;
	v5 =	vadd.f32 v21, v5  }
0xcd: {  	v26 =	vor.u32 $0x1, v24;
	v3 =	vld.idx.msk [tilespmem:v3+s23+$0x0], $0xffff;
	v7 =	vmul.f32 v7, v7;
	v12 =	vmul.f32 v12, v12  }
0xce: {  	v28 =	vor.u32 $0x2, v11;
	v21 =	vor.u32 $0x4, v11;
	v5 =	vadd.f32 v5, v15;
	v15 =	vld.idx.msk [tilespmem:v23+s23+$0x0], $0xffff  }
0xcf: {  	v14 =	vsub.f32 v9, v14;
	v9 =	vor.u32 $0x4, v24;
	v7 =	vadd.f32 v12, v7  }
0xd0: {  	v4 =	vand.u32 $0x7FFFFFFF, v4;
	v23 =	vor.u32 $0x1, v11;
	v30 =	vld.idx.msk [tilespmem:v13+s23+$0x0], $0xffff;
	v16 =	vsub.f32 v22, v16  }
0xd1: {  	v22 =	vld.idx.msk [tilespmem:v27+s23+$0x0], $0xffff;
	v6 =	vsub.f32 v17, v6;
	v12 =	vmul.f32 v14, v14;
	v31 =	vmax.f32 v7, $9.999999960e-13  }
0xd2: {  	v17 =	vld.idx.msk [tilespmem:v11+s23+$0x0], $0xffff;
	v11 =	vsub.f32 v19, v10;
	v10 =	vshll.u32 v29, $0x3;
	v8 =	vadd.f32 v5, v8  }
0xd3: {  	v7 =	vshra.s32 v31, $0x1;
	v19 =	vld.idx.msk [tilespmem:v21+s23+$0x0], $0xffff;
	v13 =	vmul.f32 v6, v6;
	v5 =	vsub.f32 v3, v15  }
0xd4: {  	v15 =	vor.u32 v0, v10;
	v21 =	vld.idx.msk [tilespmem:v9+s23+$0x0], $0xffff;
	v3 =	vand.u32 $0x7FFFFFFF, v18;
	v9 =	vmul.f32 v16, v16  }
0xd5: {  	v63 =	vld.idx.msk [tilespmem:v25+s23+$0x0], $0xffff;
	v16 =	vmul.f32 v11, v11;
	v18 =	vadd.f32 v13, v12;
	v12 =	vor.u32 v1, v10  }
0xd6: {  	v13 =	vld.idx.msk [tilespmem:v23+s23+$0x0], $0xffff;
	v29 =	vor.u32 $0x3, v15;
	v5 =	vmul.f32 v5, v5;
	v23 =	vor.u32 $0x3, v12  }
0xd7: {  	v24 =	vld.idx.msk [tilespmem:v24+s23+$0x0], $0xffff;
	v22 =	vsub.f32 v30, v22;
	v10 =	vand.u32 $0x7FFFFFFF, v6;
	v25 =	vor.u32 $0x4, v12  }
0xd8: {  	v34 =	vld.idx.msk [tilespmem:v28+s23+$0x0], $0xffff;
	v30 =	vor.u32 $0x4, v15;
	v33 =	vor.u32 $0x1, v12;
	v27 =	vadd.f32 v5, v9  }
0xd9: {  	v26 =	vld.idx.msk [tilespmem:v26+s23+$0x0], $0xffff;
	v16 =	vadd.f32 v18, v16;
	v18 =	vmul.f32 v22, v22;
	v6 =	vsub.f32 v21, v19  }
0xda: {  	v5 =	vand.u32 $0x7FFFFFFF, v20;
	v20 =	vor.u32 $0x2, v12;
	v9 =	vld.idx.msk [tilespmem:v15+s23+$0x0], $0xffff;
	v19 =	vmax.f32 v27, $9.999999960e-13  }
0xdb: {  	v21 =	vshra.s32 v19, $0x1;
	v22 =	vmul.f32 $5.000000000e-01, v19;
	v27 =	vmul.f32 v6, v6;
	v19 =	vld.idx.msk [tilespmem:v23+s23+$0x0], $0xffff  }
0xdc: {  	v6 =	vsub.f32 v24, v17;
	v24 =	vld.idx.msk [tilespmem:v25+s23+$0x0], $0xffff;
	v25 =	vor.u32 $0x1, v15;
	v23 =	vsub.s32 $0x5F3759DF, v21  }
0xdd: {  	v28 =	vld.idx.msk [tilespmem:v29+s23+$0x0], $0xffff;
	v21 =	vand.u32 $0x7FFFFFFF, v14;
	v14 =	vmul.f32 v23, v22;
	v35 =	vadd.f32 v27, v18  }
0xde: {  	v17 =	vmul.f32 $5.000000000e-01, v31;
	v27 =	vld.idx.msk [tilespmem:v30+s23+$0x0], $0xffff;
	v22 =	vmul.f32 v6, v6;
	v18 =	vor.u32 $0x2, v15  }
0xdf: {  	s25 =	simm.s32 $0x0;
	v15 =	vsub.f32 v63, v34;
	v30 =	vmul.f32 v23, v14;
	v29 =	vmax.f32 v35, $9.999999960e-13;
	v14 =	vld.idx.msk [tilespmem:v33+s23+$0x0], $0xffff  }
.LBB2_5:
0xe0: {  	s25 =	sadd.s32 $0x4, s25;
	v11 =	vand.u32 $0x7FFFFFFF, v11;
	v13 =	vsub.f32 v26, v13;
	v20 =	vld.idx.msk [tilespmem:v20+s23+$0x0], $0xffff;
	s0 =	sadd.s32 $0x40, s0  }
0xe1: {  	p2 =	slt.u32 s25, $0x7C;
	v26 =	vsub.f32 $1.500000000e+00, v30;
	v30 =	vmul.f32 v15, v15;
	v12 =	vld.idx.msk [tilespmem:v12+s23+$0x0], $0xffff  }
0xe2: {  	v7 =	vsub.s32 $0x5F3759DF, v7;
	v32 =	vmul.f32 $5.000000000e-01, v29;
	v31 =	vmul.f32 v13, v13;
	v25 =	vld.idx.msk [tilespmem:v25+s23+$0x0], $0xffff  }
0xe3: {  	v8 =	vadd.f32 v16, v8;
	v16 =	vmul.f32 v23, v26;
	v23 =	vsub.f32 v27, v24  }
0xe4: {  	v26 =	vshra.s32 v29, $0x1;
	v19 =	vsub.f32 v28, v19;
	v24 =	vadd.f32 v30, v31  }
0xe5: {  	v26 =	vsub.s32 $0x5F3759DF, v26;
	v21 =	vmul.f32 v16, v21;
	v23 =	vmul.f32 v23, v23  }
0xe6: {  	v11 =	vmul.f32 v16, v11;
	v19 =	vmul.f32 v19, v19;
	v22 =	vadd.f32 v24, v22  }
0xe7: {  	v10 =	vmul.f32 v16, v10;
	v16 =	vmul.f32 v26, v32;
	v21 =	vadd.f32 $-1.000000010e-01, v21;
	v18 =	vld.idx.msk [tilespmem:v18+s23+$0x0], $0xffff  }
0xe8: {  	v17 =	vmul.f32 v7, v17;
	v9 =	vsub.f32 v9, v12;
	v11 =	vadd.f32 $-1.000000010e-01, v11  }
0xe9: {  	v16 =	vmul.f32 v26, v16;
	v19 =	vadd.f32 v23, v19;
	v12 =	vmax.f32 v21, $0.0e+00  }
0xea: {  	v10 =	vadd.f32 $-1.000000010e-01, v10;
	v8 =	vadd.f32 v22, v8;
	v11 =	vmax.f32 v11, $0.0e+00  }
0xeb: {  	v15 =	vand.u32 $0x7FFFFFFF, v15;
	v13 =	vand.u32 $0x7FFFFFFF, v13;
	v19 =	vmax.f32 v19, $9.999999960e-13  }
0xec: {  	v14 =	vsub.f32 v25, v14;
	v16 =	vsub.f32 $1.500000000e+00, v16;
	v21 =	vmul.f32 $5.000000000e-01, v19  }
0xed: {  	v10 =	vmax.f32 v10, $0.0e+00;
	v19 =	vshra.s32 v19, $0x1;
	v18 =	vsub.f32 v18, v20  }
0xee: {  	v6 =	vand.u32 $0x7FFFFFFF, v6;
	v16 =	vmul.f32 v26, v16;
	v19 =	vsub.s32 $0x5F3759DF, v19  }
0xef: {  	v10 =	vadd.f32 v10, v12;
	v12 =	vmul.f32 v14, v14;
	v20 =	vmul.f32 v18, v18  }
0xf0: {  	v21 =	vmul.f32 v19, v21;
	v13 =	vmul.f32 v16, v13  }
0xf1: {  	v10 =	vadd.f32 v10, v11;
	v11 =	vmul.f32 v16, v6;
	v15 =	vmul.f32 v16, v15  }
0xf2: {  	v6 =	vmul.f32 v7, v17;
	v16 =	vmul.f32 v19, v21;
	v13 =	vadd.f32 $-1.000000010e-01, v13  }
0xf3: {  	v17 =	vmul.f32 v9, v9;
	v12 =	vadd.f32 v20, v12  }
0xf4: {  	v6 =	vsub.f32 $1.500000000e+00, v6;
	v16 =	vsub.f32 $1.500000000e+00, v16;
	v13 =	vmax.f32 v13, $0.0e+00  }
0xf5: {  	v14 =	vand.u32 $0x7FFFFFFF, v14;
	v12 =	vadd.f32 v12, v17  }
0xf6: {  	v7 =	vmul.f32 v7, v6;
	v16 =	vmul.f32 v19, v16  }
0xf7: {  	v6 =	vadd.f32 v12, v8;
	v8 =	vand.u32 $0x7FFFFFFF, v9  }
0xf8: {  	v3 =	vmul.f32 v7, v3;
	v9 =	vadd.f32 $-1.000000010e-01, v15;
	v12 =	vmul.f32 v16, v14  }
0xf9: {  	v5 =	vmul.f32 v7, v5;
	v4 =	vmul.f32 v7, v4;
	v7 =	vadd.f32 $-1.000000010e-01, v11  }
0xfa: {  	v3 =	vadd.f32 $-1.000000010e-01, v3;
	v9 =	vmax.f32 v9, $0.0e+00;
	v11 =	vadd.f32 $-1.000000010e-01, v12  }
0xfb: {  	s28 =	sadd.s32 $0xFFFFFFD0, s0;
	v4 =	vadd.f32 $-1.000000010e-01, v4;
	v12 =	vand.u32 $0x7FFFFFFF, v18;
	v9 =	vadd.f32 v9, v13  }
0xfc: {  	v5 =	vadd.f32 $-1.000000010e-01, v5;
	v13 =	vmov s28;
	v12 =	vmul.f32 v16, v12  }
0xfd: {  	v3 =	vmax.f32 v3, $0.0e+00;
	v4 =	vmax.f32 v4, $0.0e+00;
	v13 =	vshll.u32 v13, $0x3  }
0xfe: {  	v8 =	vmul.f32 v16, v8;
	v14 =	vor.u32 v0, v13;
	v13 =	vor.u32 v1, v13  }
0xff: {  	v5 =	vmax.f32 v5, $0.0e+00;
	v15 =	vor.u32 $0x3, v14;
	v16 =	vor.u32 $0x3, v13  }
0x100: {  	v3 =	vadd.f32 v4, v3;
	v17 =	vor.u32 $0x1, v14;
	v18 =	vor.u32 $0x4, v13  }
0x101: {  	v8 =	vadd.f32 $-1.000000010e-01, v8;
	v4 =	vor.u32 $0x2, v14;
	v19 =	vor.u32 $0x2, v13  }
0x102: {  	v20 =	vor.u32 $0x1, v13;
	v3 =	vadd.f32 v3, v5;
	v5 =	vmax.f32 v7, $0.0e+00  }
0x103: {  	s28 =	sadd.s32 $0xFFFFFFE0, s0;
	v5 =	vadd.f32 v9, v5;
	v9 =	vmax.f32 v11, $0.0e+00;
	v11 =	vadd.f32 $-1.000000010e-01, v12;
	v7 =	vld.idx.msk [tilespmem:v14+s23+$0x0], $0xffff  }
0x104: {  	v2 =	vadd.f32 v3, v2;
	v12 =	vld.idx.msk [tilespmem:v13+s23+$0x0], $0xffff;
	v13 =	vor.u32 $0x4, v14;
	v14 =	vmov s28  }
0x105: {  	v8 =	vmax.f32 v8, $0.0e+00;
	v11 =	vmax.f32 v11, $0.0e+00;
	v3 =	vld.idx.msk [tilespmem:v15+s23+$0x0], $0xffff;
	v14 =	vshll.u32 v14, $0x3  }
0x106: {  	v2 =	vadd.f32 v10, v2;
	v15 =	vld.idx.msk [tilespmem:v17+s23+$0x0], $0xffff;
	v17 =	vor.u32 v0, v14;
	v14 =	vor.u32 v1, v14  }
0x107: {  	v9 =	vadd.f32 v11, v9;
	v10 =	vld.idx.msk [tilespmem:v20+s23+$0x0], $0xffff;
	v20 =	vor.u32 $0x3, v17;
	v21 =	vor.u32 $0x3, v14  }
0x108: {  	v22 =	vor.u32 $0x1, v14;
	v23 =	vor.u32 $0x4, v17;
	v11 =	vld.idx.msk [tilespmem:v19+s23+$0x0], $0xffff;
	v19 =	vor.u32 $0x1, v17  }
0x109: {  	v2 =	vadd.f32 v5, v2;
	v24 =	vor.u32 $0x2, v17;
	v25 =	vor.u32 $0x2, v14;
	v13 =	vld.idx.msk [tilespmem:v13+s23+$0x0], $0xffff  }
0x10a: {  	v5 =	vadd.f32 v9, v8;
	v4 =	vld.idx.msk [tilespmem:v4+s23+$0x0], $0xffff  }
0x10b: {  	v8 =	vld.idx.msk [tilespmem:v14+s23+$0x0], $0xffff  }
0x10c: {  	v2 =	vadd.f32 v5, v2;
	v9 =	vld.idx.msk [tilespmem:v17+s23+$0x0], $0xffff  }
0x10d: {  	s28 =	sadd.s32 $0xFFFFFFF0, s0;
	v5 =	vld.idx.msk [tilespmem:v18+s23+$0x0], $0xffff  }
0x10e: {  	v10 =	vsub.f32 v15, v10;
	v17 =	vmov s28;
	v15 =	vld.idx.msk [tilespmem:v22+s23+$0x0], $0xffff  }
0x10f: {  	v17 =	vshll.u32 v17, $0x3;
	v16 =	vld.idx.msk [tilespmem:v16+s23+$0x0], $0xffff  }
0x110: {  	v4 =	vsub.f32 v4, v11;
	v11 =	vmul.f32 v10, v10;
	v18 =	vld.idx.msk [tilespmem:v19+s23+$0x0], $0xffff;
	v19 =	vor.u32 v0, v17  }
0x111: {  	v14 =	vor.u32 $0x4, v14;
	v17 =	vor.u32 v1, v17;
	v22 =	vld.idx.msk [tilespmem:v24+s23+$0x0], $0xffff;
	v24 =	vor.u32 $0x2, v19  }
0x112: {  	v26 =	vsub.f32 v7, v12;
	v7 =	vmul.f32 v4, v4;
	v12 =	vld.idx.msk [tilespmem:v21+s23+$0x0], $0xffff;
	v21 =	vor.u32 $0x1, v19  }
0x113: {  	v5 =	vsub.f32 v13, v5;
	v13 =	vld.idx.msk [tilespmem:v25+s23+$0x0], $0xffff;
	v25 =	vor.u32 $0x3, v19  }
0x114: {  	v27 =	vmul.f32 v26, v26;
	v7 =	vadd.f32 v7, v11;
	v11 =	vor.u32 $0x4, v17;
	v23 =	vld.idx.msk [tilespmem:v23+s23+$0x0], $0xffff  }
0x115: {  	v28 =	vor.u32 $0x3, v17;
	v3 =	vsub.f32 v3, v16;
	v16 =	vld.idx.msk [tilespmem:v20+s23+$0x0], $0xffff;
	v20 =	vor.u32 $0x2, v17  }
0x116: {  	v30 =	vor.u32 $0x4, v19;
	v27 =	vadd.f32 v7, v27;
	v29 =	vld.idx.msk [tilespmem:v17+s23+$0x0], $0xffff;
	v17 =	vor.u32 $0x1, v17  }
0x117: {  	v5 =	vmul.f32 v5, v5;
	v15 =	vsub.f32 v18, v15;
	v3 =	vmul.f32 v3, v3;
	v14 =	vld.idx.msk [tilespmem:v14+s23+$0x0], $0xffff  }
0x118: {  	v18 =	vld.idx.msk [tilespmem:v25+s23+$0x0], $0xffff  }
0x119: {  	v3 =	vadd.f32 v5, v3;
	v5 =	vsub.f32 v22, v13;
	v22 =	vmul.f32 v15, v15;
	v25 =	vld.idx.msk [tilespmem:v11+s23+$0x0], $0xffff  }
0x11a: {  	v13 =	vmov s0;
	v31 =	vld.idx.msk [tilespmem:v19+s23+$0x0], $0xffff  }
0x11b: {  	v32 =	vmax.f32 v3, $9.999999960e-13;
	v19 =	vmul.f32 v5, v5;
	v12 =	vsub.f32 v16, v12;
	v16 =	vld.idx.msk [tilespmem:v28+s23+$0x0], $0xffff  }
0x11c: {  	v11 =	vsub.f32 v9, v8;
	v9 =	vshll.u32 v13, $0x3;
	v7 =	vshra.s32 v32, $0x1;
	v28 =	vld.idx.msk [tilespmem:v30+s23+$0x0], $0xffff  }
0x11d: {  	v8 =	vadd.f32 v27, v6;
	v6 =	vsub.f32 v23, v14;
	v14 =	vor.u32 v0, v9;
	v13 =	vld.idx.msk [tilespmem:v17+s23+$0x0], $0xffff  }
0x11e: {  	v3 =	vand.u32 $0x7FFFFFFF, v10;
	v10 =	vmul.f32 v12, v12;
	v17 =	vadd.f32 v19, v22  }
0x11f: {  	v12 =	vor.u32 v1, v9;
	v19 =	vmul.f32 v11, v11;
	v6 =	vmul.f32 v6, v6  }
0x120: {  	v4 =	vand.u32 $0x7FFFFFFF, v4;
	v30 =	vor.u32 $0x3, v14;
	v22 =	vor.u32 $0x3, v12  }
0x121: {  	v34 =	vor.u32 $0x1, v12;
	v18 =	vsub.f32 v18, v16;
	v33 =	vld.idx.msk [tilespmem:v24+s23+$0x0], $0xffff;
	v24 =	vor.u32 $0x4, v12  }
0x122: {  	v27 =	vor.u32 $0x4, v14;
	v6 =	vadd.f32 v6, v10;
	v10 =	vand.u32 $0x7FFFFFFF, v5;
	v9 =	vld.idx.msk [tilespmem:v14+s23+$0x0], $0xffff  }
0x123: {  	v16 =	vadd.f32 v17, v19;
	v17 =	vsub.f32 v28, v25;
	v18 =	vmul.f32 v18, v18;
	v35 =	vld.idx.msk [tilespmem:v20+s23+$0x0], $0xffff  }
0x124: {  	v5 =	vand.u32 $0x7FFFFFFF, v26;
	v6 =	vmax.f32 v6, $9.999999960e-13;
	v20 =	vor.u32 $0x2, v12;
	v26 =	vld.idx.msk [tilespmem:v21+s23+$0x0], $0xffff  }
.Ltmp1:
0x125: {  	v25 =	vmul.f32 $5.000000000e-01, v6;
	v17 =	vmul.f32 v17, v17;
	v21 =	vshra.s32 v6, $0x1;
	v19 =	vld.idx.msk [tilespmem:v22+s23+$0x0], $0xffff;
	(pc) =	sbr.rel @p2 .LBB2_5-.Ltmp1, $4  }
0x126: {  	v6 =	vsub.f32 v31, v29;
	v23 =	vsub.s32 $0x5F3759DF, v21;
	v21 =	vand.u32 $0x7FFFFFFF, v15;
	v24 =	vld.idx.msk [tilespmem:v24+s23+$0x0], $0xffff  }
0x127: {  	v29 =	vadd.f32 v17, v18;
	v15 =	vmul.f32 v23, v25;
	v25 =	vor.u32 $0x1, v14;
	v27 =	vld.idx.msk [tilespmem:v27+s23+$0x0], $0xffff  }
0x128: {  	v17 =	vmul.f32 $5.000000000e-01, v32;
	v18 =	vor.u32 $0x2, v14;
	v22 =	vmul.f32 v6, v6;
	v28 =	vld.idx.msk [tilespmem:v30+s23+$0x0], $0xffff  }
0x129: {  	v29 =	vmax.f32 v29, $9.999999960e-13;
	v30 =	vmul.f32 v23, v15;
	v15 =	vsub.f32 v33, v35;
	v14 =	vld.idx.msk [tilespmem:v34+s23+$0x0], $0xffff  }
0x12a: {  	_ =	sdelay $0x3  }
0x12b: {  	v13 =	vsub.f32 v26, v13;
	v11 =	vand.u32 $0x7FFFFFFF, v11;
	v12 =	vld.idx.msk [tilespmem:v12+s23+$0x0], $0xffff  }
0x12c: {  	v7 =	vsub.s32 $0x5F3759DF, v7;
	v8 =	vadd.f32 v16, v8;
	v46 =	vmul.f32 $5.000000000e-01, v29;
	v25 =	vld.idx.msk [tilespmem:v25+s23+$0x0], $0xffff  }
0x12d: {  	v48 =	vshra.s32 v29, $0x1;
	v20 =	vld.idx.msk [tilespmem:v20+s23+$0x0], $0xffff;
	v6 =	vand.u32 $0x7FFFFFFF, v6;
	v43 =	vsub.f32 $1.500000000e+00, v30  }
0x12e: {  	v18 =	vld.idx.msk [tilespmem:v18+s23+$0x0], $0xffff;
	v44 =	vmul.f32 v15, v15;
	v17 =	vmul.f32 v7, v17;
	v51 =	vand.u32 $0x7FFFFFFF, v15  }
0x12f: {  	v31 =	vmul.f32 v13, v13;
	v24 =	vsub.f32 v27, v24;
	v27 =	vsub.s32 $0x5F3759DF, v48  }
0x130: {  	v45 =	vmul.f32 v23, v43;
	v19 =	vsub.f32 v28, v19;
	v49 =	vmul.f32 v27, v46  }
0x131: {  	v17 =	vmul.f32 v7, v17;
	v47 =	vadd.f32 v44, v31;
	v24 =	vmul.f32 v24, v24  }
0x132: {  	v21 =	vmul.f32 v45, v21;
	v11 =	vmul.f32 v45, v11;
	v9 =	vsub.f32 v9, v12  }
0x133: {  	v19 =	vmul.f32 v19, v19;
	v14 =	vsub.f32 v25, v14;
	v18 =	vsub.f32 v18, v20  }
0x134: {  	v10 =	vmul.f32 v45, v10;
	v17 =	vsub.f32 $1.500000000e+00, v17;
	v22 =	vadd.f32 v47, v22  }
0x135: {  	v16 =	vmul.f32 v27, v49;
	v21 =	vadd.f32 $-1.000000010e-01, v21;
	v11 =	vadd.f32 $-1.000000010e-01, v11  }
0x136: {  	v13 =	vand.u32 $0x7FFFFFFF, v13;
	v19 =	vadd.f32 v24, v19;
	v10 =	vadd.f32 $-1.000000010e-01, v10  }
0x137: {  	v16 =	vsub.f32 $1.500000000e+00, v16;
	v54 =	vmul.f32 v14, v14;
	v55 =	vmul.f32 v18, v18  }
0x138: {  	v7 =	vmul.f32 v7, v17;
	v14 =	vand.u32 $0x7FFFFFFF, v14;
	v58 =	vand.u32 $0x7FFFFFFF, v9  }
0x139: {  	v59 =	vand.u32 $0x7FFFFFFF, v18;
	v50 =	vmax.f32 v21, $0.0e+00;
	v19 =	vmax.f32 v19, $9.999999960e-13  }
0x13a: {  	v11 =	vmax.f32 v11, $0.0e+00;
	v52 =	vmul.f32 $5.000000000e-01, v19;
	v19 =	vshra.s32 v19, $0x1  }
0x13b: {  	v10 =	vmax.f32 v10, $0.0e+00;
	v16 =	vmul.f32 v27, v16;
	v19 =	vsub.s32 $0x5F3759DF, v19  }
0x13c: {  	v57 =	vadd.f32 v55, v54;
	v3 =	vmul.f32 v7, v3;
	v53 =	vmul.f32 v19, v52  }
0x13d: {  	v4 =	vmul.f32 v7, v4;
	v5 =	vmul.f32 v7, v5;
	v10 =	vadd.f32 v10, v50  }
0x13e: {  	v13 =	vmul.f32 v16, v13;
	v3 =	vadd.f32 $-1.000000010e-01, v3;
	v12 =	vmul.f32 v19, v53  }
0x13f: {  	v56 =	vmul.f32 v16, v51;
	v4 =	vadd.f32 $-1.000000010e-01, v4;
	v5 =	vadd.f32 $-1.000000010e-01, v5  }
0x140: {  	v6 =	vmul.f32 v16, v6;
	v10 =	vadd.f32 v10, v11;
	v12 =	vsub.f32 $1.500000000e+00, v12  }
0x141: {  	v13 =	vadd.f32 $-1.000000010e-01, v13;
	v11 =	vadd.f32 $-1.000000010e-01, v56;
	v3 =	vmax.f32 v3, $0.0e+00  }
0x142: {  	v4 =	vmax.f32 v4, $0.0e+00;
	v6 =	vadd.f32 $-1.000000010e-01, v6;
	v12 =	vmul.f32 v19, v12  }
0x143: {  	v5 =	vmax.f32 v5, $0.0e+00;
	v3 =	vadd.f32 v4, v3;
	v13 =	vmax.f32 v13, $0.0e+00  }
0x144: {  	v4 =	vmax.f32 v11, $0.0e+00;
	v14 =	vmul.f32 v12, v14;
	v60 =	vmul.f32 v12, v59  }
0x145: {  	v6 =	vmax.f32 v6, $0.0e+00;
	v3 =	vadd.f32 v3, v5;
	v4 =	vadd.f32 v4, v13  }
0x146: {  	v7 =	vmul.f32 v12, v58;
	v14 =	vadd.f32 $-1.000000010e-01, v14;
	v61 =	vadd.f32 $-1.000000010e-01, v60  }
0x147: {  	s30 =	sadd.s32 $0x1, s30;
	v5 =	vmul.f32 v9, v9;
	v2 =	vadd.f32 v3, v2;
	v3 =	vadd.f32 v4, v6  }
0x148: {  	p2 =	sne.s32 s30, $0x30;
	v7 =	vadd.f32 $-1.000000010e-01, v7;
	v4 =	vmax.f32 v14, $0.0e+00;
	v62 =	vmax.f32 v61, $0.0e+00  }
.Ltmp2:
0x149: {  	v2 =	vadd.f32 v10, v2;
	v4 =	vadd.f32 v62, v4;
	(pc) =	sbr.rel @p2 .LBB2_2-.Ltmp2, $3  }
0x14a: {  	v63 =	vadd.f32 v22, v8;
	v5 =	vadd.f32 v57, v5;
	v7 =	vmax.f32 v7, $0.0e+00  }
0x14b: {  	v2 =	vadd.f32 v3, v2;
	v4 =	vadd.f32 v4, v7;
	_ =	sdelay $0x1  }
0x14c: {  	v3 =	vadd.f32 v5, v63;
	v2 =	vadd.f32 v4, v2  }
0x14d: {  	s0 =	simm.s32 $0x0  }
0x14e: {  	_ =	swait.ge [sflag:s21], $0x8000;
	v4 =	vmov s0  }
0x14f: {  	s30 =	simm.s32 $0x10;
	[sflag:s21] =	ssyncset.done $0x0;
	v4 =	vshll.u32 v4, $0x3  }
0x150: {  	v13 =	vmov s30;
	[sflag:s21] =	ssyncadd.s32 $0xFFFF8000;
	v5 =	vor.u32 v0, v4  }
0x151: {  	v13 =	vshll.u32 v13, $0x3;
	_ =	swait.ge [sflag:s22], $0x1000;
	v4 =	vor.u32 v1, v4  }
0x152: {  	v14 =	vor.u32 v1, v13;
	[sflag:s22] =	ssyncset.done $0x0  }
0x153: {  	v6 =	vor.u32 $0x3, v5;
	[sflag:s22] =	ssyncadd.s32 $0xFFFFF000  }
0x154: {  	v7 =	vor.u32 $0x1, v5;
	[tilespmem:s23], [sflag:$0x4] =	stream.indirect.gather [spmem:s1], $0x8, s18, s17, $0xb8;
	[tilespmem:$0x1E370] =	vst v63  }
0x155: {  	v8 =	vor.u32 $0x1, v4;
	v10 =	vld.idx.msk [tilespmem:v5+s17+$0x0], $0xffff  }
0x156: {  	v9 =	vor.u32 $0x2, v4;
	v11 =	vld.idx.msk [tilespmem:v4+s17+$0x0], $0xffff  }
0x157: {  	v12 =	vor.u32 $0x4, v5;
	v18 =	vld.idx.msk [tilespmem:v14+s17+$0x0], $0xffff  }
0x158: {  	v15 =	vor.u32 $0x4, v4;
	v6 =	vld.idx.msk [tilespmem:v6+s17+$0x0], $0xffff  }
0x159: {  	v5 =	vor.u32 $0x2, v5;
	v7 =	vld.idx.msk [tilespmem:v7+s17+$0x0], $0xffff  }
0x15a: {  	v4 =	vor.u32 $0x3, v4;
	v8 =	vld.idx.msk [tilespmem:v8+s17+$0x0], $0xffff  }
0x15b: {  	v13 =	vor.u32 v0, v13;
	v9 =	vld.idx.msk [tilespmem:v9+s17+$0x0], $0xffff  }
0x15c: {  	v16 =	vor.u32 $0x1, v14;
	v12 =	vld.idx.msk [tilespmem:v12+s17+$0x0], $0xffff  }
0x15d: {  	v17 =	vor.u32 $0x1, v13;
	v15 =	vld.idx.msk [tilespmem:v15+s17+$0x0], $0xffff  }
0x15e: {  	v19 =	vor.u32 $0x2, v13;
	v5 =	vld.idx.msk [tilespmem:v5+s17+$0x0], $0xffff  }
0x15f: {  	s0 =	simm.s32 $0x30;
	v21 =	vor.u32 $0x2, v14;
	v4 =	vld.idx.msk [tilespmem:v4+s17+$0x0], $0xffff  }
0x160: {  	s31 =	simm.s32 $0x20;
	v30 =	vmov s0;
	v22 =	vor.u32 $0x3, v14;
	v20 =	vld.idx.msk [tilespmem:v13+s17+$0x0], $0xffff;
	v14 =	vor.u32 $0x4, v14  }
0x161: {  	v16 =	vld.idx.msk [tilespmem:v16+s17+$0x0], $0xffff;
	v23 =	vsub.f32 v7, v8;
	v7 =	vmov s31;
	v8 =	vor.u32 $0x3, v13  }
0x162: {  	v17 =	vld.idx.msk [tilespmem:v17+s17+$0x0], $0xffff;
	v26 =	vsub.f32 v10, v11;
	v12 =	vsub.f32 v12, v15;
	v7 =	vshll.u32 v7, $0x3  }
0x163: {  	v19 =	vld.idx.msk [tilespmem:v19+s17+$0x0], $0xffff;
	v13 =	vor.u32 $0x4, v13;
	v24 =	vor.u32 v0, v7;
	v5 =	vsub.f32 v5, v9  }
0x164: {  	v11 =	vld.idx.msk [tilespmem:v21+s17+$0x0], $0xffff;
	v7 =	vor.u32 v1, v7;
	v12 =	vmul.f32 v12, v12;
	v4 =	vsub.f32 v6, v4  }
0x165: {  	v21 =	vld.idx.msk [tilespmem:v22+s17+$0x0], $0xffff;
	v15 =	vor.u32 $0x3, v24;
	v9 =	vmul.f32 v23, v23;
	v10 =	vmul.f32 v5, v5  }
0x166: {  	v25 =	vor.u32 $0x2, v24;
	v22 =	vor.u32 $0x3, v7;
	v8 =	vld.idx.msk [tilespmem:v8+s17+$0x0], $0xffff;
	v4 =	vmul.f32 v4, v4  }
0x167: {  	v27 =	vor.u32 $0x1, v24;
	v6 =	vmul.f32 v26, v26;
	v9 =	vadd.f32 v10, v9  }
0x168: {  	v28 =	vor.u32 $0x2, v7;
	v13 =	vld.idx.msk [tilespmem:v13+s17+$0x0], $0xffff;
	v10 =	vor.u32 $0x4, v7;
	v4 =	vadd.f32 v12, v4  }
0x169: {  	v6 =	vadd.f32 v9, v6;
	v9 =	vld.idx.msk [tilespmem:v14+s17+$0x0], $0xffff;
	v14 =	vsub.f32 v17, v16;
	v16 =	vor.u32 $0x4, v24  }
0x16a: {  	v15 =	vld.idx.msk [tilespmem:v15+s17+$0x0], $0xffff;
	v17 =	vsub.f32 v19, v11;
	v19 =	vor.u32 $0x1, v7;
	v31 =	vmax.f32 v4, $9.999999960e-13  }
0x16b: {  	v22 =	vld.idx.msk [tilespmem:v22+s17+$0x0], $0xffff;
	v21 =	vsub.f32 v8, v21;
	v11 =	vsub.f32 v20, v18;
	v18 =	vshll.u32 v30, $0x3  }
0x16c: {  	v29 =	vld.idx.msk [tilespmem:v7+s17+$0x0], $0xffff;
	v7 =	vshra.s32 v31, $0x1;
	v12 =	vmul.f32 v14, v14;
	v4 =	vmul.f32 v17, v17  }
0x16d: {  	v30 =	vor.u32 v0, v18;
	v8 =	vadd.f32 v6, v3;
	v3 =	vand.u32 $0x7FFFFFFF, v23;
	v20 =	vld.idx.msk [tilespmem:v10+s17+$0x0], $0xffff  }
0x16e: {  	v33 =	vor.u32 $0x3, v30;
	v6 =	vsub.f32 v13, v9;
	v32 =	vld.idx.msk [tilespmem:v16+s17+$0x0], $0xffff;
	v16 =	vadd.f32 v4, v12  }
0x16f: {  	v34 =	vld.idx.msk [tilespmem:v25+s17+$0x0], $0xffff;
	v9 =	vmul.f32 v21, v21;
	v12 =	vor.u32 v1, v18;
	v4 =	vand.u32 $0x7FFFFFFF, v5  }
0x170: {  	v36 =	vld.idx.msk [tilespmem:v28+s17+$0x0], $0xffff;
	v5 =	vsub.f32 v15, v22;
	v15 =	vor.u32 $0x4, v12;
	v6 =	vmul.f32 v6, v6  }
0x171: {  	v24 =	vld.idx.msk [tilespmem:v24+s17+$0x0], $0xffff;
	v10 =	vand.u32 $0x7FFFFFFF, v17;
	v17 =	vor.u32 $0x4, v30;
	v18 =	vor.u32 $0x3, v12  }
0x172: {  	v21 =	vmul.f32 v11, v11;
	v13 =	vld.idx.msk [tilespmem:v19+s17+$0x0], $0xffff;
	v35 =	vor.u32 $0x1, v12;
	v6 =	vadd.f32 v6, v9  }
0x173: {  	v22 =	vmul.f32 v5, v5;
	v5 =	vand.u32 $0x7FFFFFFF, v26;
	v26 =	vld.idx.msk [tilespmem:v27+s17+$0x0], $0xffff;
	v19 =	vsub.f32 v32, v20  }
0x174: {  	v16 =	vadd.f32 v16, v21;
	v21 =	vor.u32 $0x2, v12;
	v9 =	vld.idx.msk [tilespmem:v30+s17+$0x0], $0xffff;
	v6 =	vmax.f32 v6, $9.999999960e-13  }
0x175: {  	v25 =	vld.idx.msk [tilespmem:v15+s17+$0x0], $0xffff;
	v20 =	vshra.s32 v6, $0x1;
	v27 =	vmul.f32 $5.000000000e-01, v6;
	v28 =	vmul.f32 v19, v19  }
0x176: {  	v19 =	vld.idx.msk [tilespmem:v18+s17+$0x0], $0xffff;
	v6 =	vsub.f32 v24, v29;
	v24 =	vor.u32 $0x1, v30;
	v23 =	vsub.s32 $0x5F3759DF, v20  }
0x177: {  	v20 =	vand.u32 $0x7FFFFFFF, v14;
	v14 =	vmul.f32 v23, v27;
	v29 =	vadd.f32 v28, v22;
	v27 =	vld.idx.msk [tilespmem:v17+s17+$0x0], $0xffff  }
0x178: {  	v15 =	vsub.f32 v34, v36;
	v18 =	vor.u32 $0x2, v30;
	v17 =	vmul.f32 $5.000000000e-01, v31;
	v28 =	vld.idx.msk [tilespmem:v33+s17+$0x0], $0xffff  }
0x179: {  	s25 =	simm.s32 $0x0;
	v22 =	vmul.f32 v6, v6;
	v30 =	vmul.f32 v23, v14;
	v29 =	vmax.f32 v29, $9.999999960e-13;
	v14 =	vld.idx.msk [tilespmem:v35+s17+$0x0], $0xffff  }
.LBB2_8:
0x17a: {  	s25 =	sadd.s32 $0x4, s25;
	v11 =	vand.u32 $0x7FFFFFFF, v11;
	v13 =	vsub.f32 v26, v13;
	v21 =	vld.idx.msk [tilespmem:v21+s17+$0x0], $0xffff;
	s0 =	sadd.s32 $0x40, s0  }
0x17b: {  	p2 =	slt.u32 s25, $0x7C;
	v26 =	vsub.f32 $1.500000000e+00, v30;
	v30 =	vmul.f32 v15, v15;
	v12 =	vld.idx.msk [tilespmem:v12+s17+$0x0], $0xffff  }
0x17c: {  	v7 =	vsub.s32 $0x5F3759DF, v7;
	v32 =	vmul.f32 $5.000000000e-01, v29;
	v31 =	vmul.f32 v13, v13;
	v24 =	vld.idx.msk [tilespmem:v24+s17+$0x0], $0xffff  }
0x17d: {  	v8 =	vadd.f32 v16, v8;
	v16 =	vmul.f32 v23, v26;
	v23 =	vsub.f32 v27, v25  }
0x17e: {  	v26 =	vshra.s32 v29, $0x1;
	v19 =	vsub.f32 v28, v19;
	v25 =	vadd.f32 v30, v31  }
0x17f: {  	v26 =	vsub.s32 $0x5F3759DF, v26;
	v20 =	vmul.f32 v16, v20;
	v23 =	vmul.f32 v23, v23  }
0x180: {  	v11 =	vmul.f32 v16, v11;
	v19 =	vmul.f32 v19, v19;
	v22 =	vadd.f32 v25, v22  }
0x181: {  	v10 =	vmul.f32 v16, v10;
	v16 =	vmul.f32 v26, v32;
	v20 =	vadd.f32 $-1.000000010e-01, v20;
	v18 =	vld.idx.msk [tilespmem:v18+s17+$0x0], $0xffff  }
0x182: {  	v17 =	vmul.f32 v7, v17;
	v9 =	vsub.f32 v9, v12;
	v11 =	vadd.f32 $-1.000000010e-01, v11  }
0x183: {  	v16 =	vmul.f32 v26, v16;
	v19 =	vadd.f32 v23, v19;
	v12 =	vmax.f32 v20, $0.0e+00  }
0x184: {  	v10 =	vadd.f32 $-1.000000010e-01, v10;
	v8 =	vadd.f32 v22, v8;
	v11 =	vmax.f32 v11, $0.0e+00  }
0x185: {  	v15 =	vand.u32 $0x7FFFFFFF, v15;
	v13 =	vand.u32 $0x7FFFFFFF, v13;
	v19 =	vmax.f32 v19, $9.999999960e-13  }
0x186: {  	v14 =	vsub.f32 v24, v14;
	v16 =	vsub.f32 $1.500000000e+00, v16;
	v20 =	vmul.f32 $5.000000000e-01, v19  }
0x187: {  	v10 =	vmax.f32 v10, $0.0e+00;
	v19 =	vshra.s32 v19, $0x1;
	v18 =	vsub.f32 v18, v21  }
0x188: {  	v6 =	vand.u32 $0x7FFFFFFF, v6;
	v16 =	vmul.f32 v26, v16;
	v19 =	vsub.s32 $0x5F3759DF, v19  }
0x189: {  	v10 =	vadd.f32 v10, v12;
	v12 =	vmul.f32 v14, v14;
	v21 =	vmul.f32 v18, v18  }
0x18a: {  	v20 =	vmul.f32 v19, v20;
	v13 =	vmul.f32 v16, v13  }
0x18b: {  	v10 =	vadd.f32 v10, v11;
	v11 =	vmul.f32 v16, v6;
	v15 =	vmul.f32 v16, v15  }
0x18c: {  	v6 =	vmul.f32 v7, v17;
	v16 =	vmul.f32 v19, v20;
	v13 =	vadd.f32 $-1.000000010e-01, v13  }
0x18d: {  	v17 =	vmul.f32 v9, v9;
	v12 =	vadd.f32 v21, v12  }
0x18e: {  	v6 =	vsub.f32 $1.500000000e+00, v6;
	v16 =	vsub.f32 $1.500000000e+00, v16;
	v13 =	vmax.f32 v13, $0.0e+00  }
0x18f: {  	v14 =	vand.u32 $0x7FFFFFFF, v14;
	v12 =	vadd.f32 v12, v17  }
0x190: {  	v7 =	vmul.f32 v7, v6;
	v16 =	vmul.f32 v19, v16  }
0x191: {  	v6 =	vadd.f32 v12, v8;
	v8 =	vand.u32 $0x7FFFFFFF, v9  }
0x192: {  	v3 =	vmul.f32 v7, v3;
	v9 =	vadd.f32 $-1.000000010e-01, v15;
	v12 =	vmul.f32 v16, v14  }
0x193: {  	v5 =	vmul.f32 v7, v5;
	v4 =	vmul.f32 v7, v4;
	v7 =	vadd.f32 $-1.000000010e-01, v11  }
0x194: {  	v3 =	vadd.f32 $-1.000000010e-01, v3;
	v9 =	vmax.f32 v9, $0.0e+00;
	v11 =	vadd.f32 $-1.000000010e-01, v12  }
0x195: {  	s28 =	sadd.s32 $0xFFFFFFD0, s0;
	v4 =	vadd.f32 $-1.000000010e-01, v4;
	v12 =	vand.u32 $0x7FFFFFFF, v18;
	v9 =	vadd.f32 v9, v13  }
0x196: {  	v5 =	vadd.f32 $-1.000000010e-01, v5;
	v13 =	vmov s28;
	v12 =	vmul.f32 v16, v12  }
0x197: {  	v3 =	vmax.f32 v3, $0.0e+00;
	v4 =	vmax.f32 v4, $0.0e+00;
	v13 =	vshll.u32 v13, $0x3  }
0x198: {  	v8 =	vmul.f32 v16, v8;
	v14 =	vor.u32 v0, v13;
	v13 =	vor.u32 v1, v13  }
0x199: {  	v5 =	vmax.f32 v5, $0.0e+00;
	v15 =	vor.u32 $0x3, v14;
	v16 =	vor.u32 $0x3, v13  }
0x19a: {  	v3 =	vadd.f32 v4, v3;
	v17 =	vor.u32 $0x1, v14;
	v18 =	vor.u32 $0x4, v13  }
0x19b: {  	v8 =	vadd.f32 $-1.000000010e-01, v8;
	v4 =	vor.u32 $0x2, v14;
	v19 =	vor.u32 $0x2, v13  }
0x19c: {  	v20 =	vor.u32 $0x1, v13;
	v3 =	vadd.f32 v3, v5;
	v5 =	vmax.f32 v7, $0.0e+00  }
0x19d: {  	s28 =	sadd.s32 $0xFFFFFFE0, s0;
	v5 =	vadd.f32 v9, v5;
	v9 =	vmax.f32 v11, $0.0e+00;
	v11 =	vadd.f32 $-1.000000010e-01, v12;
	v7 =	vld.idx.msk [tilespmem:v14+s17+$0x0], $0xffff  }
0x19e: {  	v2 =	vadd.f32 v3, v2;
	v12 =	vld.idx.msk [tilespmem:v13+s17+$0x0], $0xffff;
	v13 =	vor.u32 $0x4, v14;
	v14 =	vmov s28  }
0x19f: {  	v8 =	vmax.f32 v8, $0.0e+00;
	v11 =	vmax.f32 v11, $0.0e+00;
	v3 =	vld.idx.msk [tilespmem:v15+s17+$0x0], $0xffff;
	v14 =	vshll.u32 v14, $0x3  }
0x1a0: {  	v2 =	vadd.f32 v10, v2;
	v15 =	vld.idx.msk [tilespmem:v17+s17+$0x0], $0xffff;
	v17 =	vor.u32 v0, v14;
	v14 =	vor.u32 v1, v14  }
0x1a1: {  	v9 =	vadd.f32 v11, v9;
	v10 =	vld.idx.msk [tilespmem:v20+s17+$0x0], $0xffff;
	v20 =	vor.u32 $0x3, v17;
	v21 =	vor.u32 $0x3, v14  }
0x1a2: {  	v22 =	vor.u32 $0x1, v14;
	v23 =	vor.u32 $0x4, v17;
	v11 =	vld.idx.msk [tilespmem:v19+s17+$0x0], $0xffff;
	v19 =	vor.u32 $0x1, v17  }
0x1a3: {  	v2 =	vadd.f32 v5, v2;
	v24 =	vor.u32 $0x2, v17;
	v25 =	vor.u32 $0x2, v14;
	v13 =	vld.idx.msk [tilespmem:v13+s17+$0x0], $0xffff  }
0x1a4: {  	v5 =	vadd.f32 v9, v8;
	v4 =	vld.idx.msk [tilespmem:v4+s17+$0x0], $0xffff  }
0x1a5: {  	v8 =	vld.idx.msk [tilespmem:v14+s17+$0x0], $0xffff  }
0x1a6: {  	v2 =	vadd.f32 v5, v2;
	v9 =	vld.idx.msk [tilespmem:v17+s17+$0x0], $0xffff  }
0x1a7: {  	s28 =	sadd.s32 $0xFFFFFFF0, s0;
	v5 =	vld.idx.msk [tilespmem:v18+s17+$0x0], $0xffff  }
0x1a8: {  	v10 =	vsub.f32 v15, v10;
	v17 =	vmov s28;
	v15 =	vld.idx.msk [tilespmem:v22+s17+$0x0], $0xffff  }
0x1a9: {  	v17 =	vshll.u32 v17, $0x3;
	v16 =	vld.idx.msk [tilespmem:v16+s17+$0x0], $0xffff  }
0x1aa: {  	v4 =	vsub.f32 v4, v11;
	v11 =	vmul.f32 v10, v10;
	v18 =	vld.idx.msk [tilespmem:v19+s17+$0x0], $0xffff;
	v19 =	vor.u32 v0, v17  }
0x1ab: {  	v14 =	vor.u32 $0x4, v14;
	v17 =	vor.u32 v1, v17;
	v22 =	vld.idx.msk [tilespmem:v24+s17+$0x0], $0xffff;
	v24 =	vor.u32 $0x2, v19  }
0x1ac: {  	v26 =	vsub.f32 v7, v12;
	v7 =	vmul.f32 v4, v4;
	v12 =	vld.idx.msk [tilespmem:v21+s17+$0x0], $0xffff;
	v21 =	vor.u32 $0x1, v19  }
0x1ad: {  	v5 =	vsub.f32 v13, v5;
	v13 =	vld.idx.msk [tilespmem:v25+s17+$0x0], $0xffff;
	v25 =	vor.u32 $0x3, v19  }
0x1ae: {  	v27 =	vmul.f32 v26, v26;
	v7 =	vadd.f32 v7, v11;
	v11 =	vor.u32 $0x4, v17;
	v23 =	vld.idx.msk [tilespmem:v23+s17+$0x0], $0xffff  }
0x1af: {  	v28 =	vor.u32 $0x3, v17;
	v3 =	vsub.f32 v3, v16;
	v16 =	vld.idx.msk [tilespmem:v20+s17+$0x0], $0xffff;
	v20 =	vor.u32 $0x2, v17  }
0x1b0: {  	v30 =	vor.u32 $0x4, v19;
	v27 =	vadd.f32 v7, v27;
	v29 =	vld.idx.msk [tilespmem:v17+s17+$0x0], $0xffff;
	v17 =	vor.u32 $0x1, v17  }
0x1b1: {  	v5 =	vmul.f32 v5, v5;
	v15 =	vsub.f32 v18, v15;
	v3 =	vmul.f32 v3, v3;
	v14 =	vld.idx.msk [tilespmem:v14+s17+$0x0], $0xffff  }
0x1b2: {  	v18 =	vld.idx.msk [tilespmem:v25+s17+$0x0], $0xffff  }
0x1b3: {  	v3 =	vadd.f32 v5, v3;
	v5 =	vsub.f32 v22, v13;
	v22 =	vmul.f32 v15, v15;
	v25 =	vld.idx.msk [tilespmem:v11+s17+$0x0], $0xffff  }
0x1b4: {  	v13 =	vmov s0;
	v31 =	vld.idx.msk [tilespmem:v19+s17+$0x0], $0xffff  }
0x1b5: {  	v32 =	vmax.f32 v3, $9.999999960e-13;
	v19 =	vmul.f32 v5, v5;
	v12 =	vsub.f32 v16, v12;
	v16 =	vld.idx.msk [tilespmem:v28+s17+$0x0], $0xffff  }
0x1b6: {  	v11 =	vsub.f32 v9, v8;
	v9 =	vshll.u32 v13, $0x3;
	v7 =	vshra.s32 v32, $0x1;
	v28 =	vld.idx.msk [tilespmem:v30+s17+$0x0], $0xffff  }
0x1b7: {  	v8 =	vadd.f32 v27, v6;
	v6 =	vsub.f32 v23, v14;
	v14 =	vor.u32 v0, v9;
	v13 =	vld.idx.msk [tilespmem:v17+s17+$0x0], $0xffff  }
0x1b8: {  	v3 =	vand.u32 $0x7FFFFFFF, v10;
	v10 =	vmul.f32 v12, v12;
	v17 =	vadd.f32 v19, v22  }
0x1b9: {  	v12 =	vor.u32 v1, v9;
	v19 =	vmul.f32 v11, v11;
	v6 =	vmul.f32 v6, v6  }
0x1ba: {  	v4 =	vand.u32 $0x7FFFFFFF, v4;
	v30 =	vor.u32 $0x3, v14;
	v22 =	vor.u32 $0x3, v12  }
0x1bb: {  	v34 =	vor.u32 $0x1, v12;
	v18 =	vsub.f32 v18, v16;
	v33 =	vld.idx.msk [tilespmem:v24+s17+$0x0], $0xffff;
	v24 =	vor.u32 $0x4, v12  }
0x1bc: {  	v27 =	vor.u32 $0x4, v14;
	v6 =	vadd.f32 v6, v10;
	v10 =	vand.u32 $0x7FFFFFFF, v5;
	v9 =	vld.idx.msk [tilespmem:v14+s17+$0x0], $0xffff  }
0x1bd: {  	v16 =	vadd.f32 v17, v19;
	v17 =	vsub.f32 v28, v25;
	v18 =	vmul.f32 v18, v18;
	v35 =	vld.idx.msk [tilespmem:v20+s17+$0x0], $0xffff  }
0x1be: {  	v5 =	vand.u32 $0x7FFFFFFF, v26;
	v6 =	vmax.f32 v6, $9.999999960e-13;
	v26 =	vld.idx.msk [tilespmem:v21+s17+$0x0], $0xffff;
	v21 =	vor.u32 $0x2, v12  }
.Ltmp3:
0x1bf: {  	v20 =	vshra.s32 v6, $0x1;
	v28 =	vmul.f32 $5.000000000e-01, v6;
	v17 =	vmul.f32 v17, v17;
	v19 =	vld.idx.msk [tilespmem:v22+s17+$0x0], $0xffff;
	(pc) =	sbr.rel @p2 .LBB2_8-.Ltmp3, $4  }
0x1c0: {  	v6 =	vsub.f32 v31, v29;
	v23 =	vsub.s32 $0x5F3759DF, v20;
	v20 =	vand.u32 $0x7FFFFFFF, v15;
	v25 =	vld.idx.msk [tilespmem:v24+s17+$0x0], $0xffff  }
0x1c1: {  	v15 =	vmul.f32 v23, v28;
	v29 =	vadd.f32 v17, v18;
	v24 =	vor.u32 $0x1, v14;
	v27 =	vld.idx.msk [tilespmem:v27+s17+$0x0], $0xffff  }
0x1c2: {  	v17 =	vmul.f32 $5.000000000e-01, v32;
	v22 =	vmul.f32 v6, v6;
	v18 =	vor.u32 $0x2, v14;
	v28 =	vld.idx.msk [tilespmem:v30+s17+$0x0], $0xffff  }
0x1c3: {  	v29 =	vmax.f32 v29, $9.999999960e-13;
	v30 =	vmul.f32 v23, v15;
	v15 =	vsub.f32 v33, v35;
	v14 =	vld.idx.msk [tilespmem:v34+s17+$0x0], $0xffff  }
0x1c4: {  	_ =	sdelay $0x2  }
0x1c5: {  	v13 =	vsub.f32 v26, v13;
	v11 =	vand.u32 $0x7FFFFFFF, v11  }
0x1c6: {  	v7 =	vsub.s32 $0x5F3759DF, v7;
	v32 =	vmul.f32 $5.000000000e-01, v29;
	v8 =	vadd.f32 v16, v8;
	v12 =	vld.idx.msk [tilespmem:v12+s17+$0x0], $0xffff  }
0x1c7: {  	v21 =	vld.idx.msk [tilespmem:v21+s17+$0x0], $0xffff;
	v6 =	vand.u32 $0x7FFFFFFF, v6;
	v26 =	vsub.f32 $1.500000000e+00, v30;
	v30 =	vmul.f32 v15, v15  }
0x1c8: {  	v18 =	vld.idx.msk [tilespmem:v18+s17+$0x0], $0xffff;
	v17 =	vmul.f32 v7, v17;
	v15 =	vand.u32 $0x7FFFFFFF, v15;
	v31 =	vmul.f32 v13, v13  }
0x1c9: {  	v16 =	vmul.f32 v23, v26;
	v23 =	vsub.f32 v27, v25;
	v26 =	vshra.s32 v29, $0x1  }
0x1ca: {  	v19 =	vsub.f32 v28, v19;
	v17 =	vmul.f32 v7, v17;
	v25 =	vadd.f32 v30, v31  }
0x1cb: {  	v26 =	vsub.s32 $0x5F3759DF, v26;
	v20 =	vmul.f32 v16, v20;
	v23 =	vmul.f32 v23, v23  }
0x1cc: {  	v11 =	vmul.f32 v16, v11;
	v19 =	vmul.f32 v19, v19;
	v9 =	vsub.f32 v9, v12  }
0x1cd: {  	v10 =	vmul.f32 v16, v10;
	v18 =	vsub.f32 v18, v21;
	v22 =	vadd.f32 v25, v22  }
0x1ce: {  	v16 =	vld.idx.msk [tilespmem:v24+s17+$0x0], $0xffff;
	v24 =	vmul.f32 v26, v32;
	v20 =	vadd.f32 $-1.000000010e-01, v20;
	v11 =	vadd.f32 $-1.000000010e-01, v11  }
0x1cf: {  	v19 =	vadd.f32 v23, v19;
	v10 =	vadd.f32 $-1.000000010e-01, v10;
	v21 =	vmul.f32 v18, v18  }
0x1d0: {  	v8 =	vadd.f32 v22, v8;
	v12 =	vmax.f32 v20, $0.0e+00;
	v20 =	vmul.f32 v26, v24  }
0x1d1: {  	v11 =	vmax.f32 v11, $0.0e+00;
	v19 =	vmax.f32 v19, $9.999999960e-13;
	v10 =	vmax.f32 v10, $0.0e+00  }
0x1d2: {  	v22 =	vmul.f32 $5.000000000e-01, v19;
	v19 =	vshra.s32 v19, $0x1;
	v10 =	vadd.f32 v10, v12  }
0x1d3: {  	v14 =	vsub.f32 v16, v14;
	v20 =	vsub.f32 $1.500000000e+00, v20;
	v16 =	vsub.s32 $0x5F3759DF, v19  }
0x1d4: {  	v19 =	vmul.f32 v16, v22;
	v10 =	vadd.f32 v10, v11;
	v11 =	vsub.f32 $1.500000000e+00, v17  }
0x1d5: {  	s28 =	simm.s32 $0x10;
	v13 =	vand.u32 $0x7FFFFFFF, v13;
	v12 =	vmul.f32 v14, v14;
	v20 =	vmul.f32 v26, v20  }
0x1d6: {  	v23 =	vmov s28;
	v19 =	vmul.f32 v16, v19;
	v7 =	vmul.f32 v7, v11  }
0x1d7: {  	v14 =	vand.u32 $0x7FFFFFFF, v14;
	v13 =	vmul.f32 v20, v13;
	v6 =	vmul.f32 v20, v6  }
0x1d8: {  	v15 =	vmul.f32 v20, v15;
	v17 =	vsub.f32 $1.500000000e+00, v19;
	v19 =	vmul.f32 v9, v9  }
0x1d9: {  	s0 =	simm.s32 $0x0;
	v9 =	vand.u32 $0x7FFFFFFF, v9;
	v3 =	vmul.f32 v7, v3;
	v5 =	vmul.f32 v7, v5  }
0x1da: {  	v4 =	vmul.f32 v7, v4;
	v7 =	vmov s0;
	v13 =	vadd.f32 $-1.000000010e-01, v13  }
0x1db: {  	v15 =	vadd.f32 $-1.000000010e-01, v15;
	v6 =	vadd.f32 $-1.000000010e-01, v6;
	v7 =	vshll.u32 v7, $0x3  }
0x1dc: {  	v11 =	vmul.f32 v16, v17;
	v3 =	vadd.f32 $-1.000000010e-01, v3;
	v16 =	vor.u32 v0, v7  }
0x1dd: {  	v4 =	vadd.f32 $-1.000000010e-01, v4;
	v7 =	vor.u32 v1, v7;
	v5 =	vadd.f32 $-1.000000010e-01, v5  }
0x1de: {  	v13 =	vmax.f32 v13, $0.0e+00;
	v15 =	vmax.f32 v15, $0.0e+00;
	v17 =	vor.u32 $0x3, v16  }
0x1df: {  	_ =	swait.ge [sflag:s24], $0x8000;
	v14 =	vmul.f32 v11, v14;
	v13 =	vadd.f32 v15, v13;
	v15 =	vand.u32 $0x7FFFFFFF, v18  }
0x1e0: {  	[sflag:s24] =	ssyncset.done $0x0;
	v3 =	vmax.f32 v3, $0.0e+00;
	v18 =	vor.u32 $0x1, v16;
	v4 =	vmax.f32 v4, $0.0e+00  }
0x1e1: {  	[sflag:s24] =	ssyncadd.s32 $0xFFFF8000;
	v9 =	vmul.f32 v11, v9;
	v15 =	vmul.f32 v11, v15;
	v11 =	vor.u32 $0x1, v7  }
0x1e2: {  	v12 =	vadd.f32 v21, v12;
	v3 =	vadd.f32 v4, v3;
	v4 =	vor.u32 $0x2, v7;
	v20 =	vld.idx.msk [tilespmem:v16+s23+$0x0], $0xffff  }
0x1e3: {  	v22 =	vor.u32 $0x4, v16;
	v6 =	vmax.f32 v6, $0.0e+00;
	v5 =	vmax.f32 v5, $0.0e+00;
	v21 =	vld.idx.msk [tilespmem:v7+s23+$0x0], $0xffff  }
0x1e4: {  	v3 =	vadd.f32 v3, v5;
	v5 =	vor.u32 $0x2, v16;
	v16 =	vld.idx.msk [tilespmem:v17+s23+$0x0], $0xffff;
	v17 =	vshll.u32 v23, $0x3  }
0x1e5: {  	v14 =	vadd.f32 $-1.000000010e-01, v14;
	v15 =	vadd.f32 $-1.000000010e-01, v15;
	v18 =	vld.idx.msk [tilespmem:v18+s23+$0x0], $0xffff;
	v23 =	vor.u32 v1, v17  }
0x1e6: {  	v6 =	vadd.f32 v13, v6;
	v2 =	vadd.f32 v3, v2;
	v13 =	vor.u32 v0, v17;
	v11 =	vld.idx.msk [tilespmem:v11+s23+$0x0], $0xffff  }
0x1e7: {  	v3 =	vmax.f32 v14, $0.0e+00;
	v14 =	vmax.f32 v15, $0.0e+00;
	v15 =	vor.u32 $0x4, v7;
	v4 =	vld.idx.msk [tilespmem:v4+s23+$0x0], $0xffff  }
0x1e8: {  	v9 =	vadd.f32 $-1.000000010e-01, v9;
	v7 =	vor.u32 $0x3, v7;
	v2 =	vadd.f32 v10, v2;
	v10 =	vld.idx.msk [tilespmem:v22+s23+$0x0], $0xffff  }
0x1e9: {  	v3 =	vadd.f32 v14, v3;
	v14 =	vor.u32 $0x1, v23;
	v5 =	vld.idx.msk [tilespmem:v5+s23+$0x0], $0xffff  }
0x1ea: {  	v12 =	vadd.f32 v12, v19;
	v9 =	vmax.f32 v9, $0.0e+00;
	v19 =	vor.u32 $0x2, v13;
	v17 =	vld.idx.msk [tilespmem:v23+s23+$0x0], $0xffff  }
0x1eb: {  	v3 =	vadd.f32 v3, v9;
	v9 =	vor.u32 $0x1, v13;
	v6 =	vadd.f32 v6, v2;
	v22 =	vld.idx.msk [tilespmem:v13+s23+$0x0], $0xffff  }
0x1ec: {  	v2 =	vadd.f32 v12, v8;
	v12 =	vor.u32 $0x3, v23;
	v8 =	vld.idx.msk [tilespmem:v15+s23+$0x0], $0xffff  }
0x1ed: {  	v7 =	vld.idx.msk [tilespmem:v7+s23+$0x0], $0xffff;
	v3 =	vadd.f32 v3, v6;
	v6 =	vor.u32 $0x2, v23  }
0x1ee: {  	s31 =	simm.s32 $0x20;
	s30 =	simm.s32 $0x30;
	v11 =	vsub.f32 v18, v11;
	v18 =	vor.u32 $0x3, v13;
	v14 =	vld.idx.msk [tilespmem:v14+s23+$0x0], $0xffff  }
0x1ef: {  	v29 =	vmov s30;
	v15 =	vmov s31;
	v13 =	vor.u32 $0x4, v13;
	v19 =	vld.idx.msk [tilespmem:v19+s23+$0x0], $0xffff  }
0x1f0: {  	v20 =	vsub.f32 v20, v21;
	v15 =	vshll.u32 v15, $0x3;
	v4 =	vsub.f32 v5, v4;
	v9 =	vld.idx.msk [tilespmem:v9+s23+$0x0], $0xffff  }
0x1f1: {  	v23 =	vor.u32 $0x4, v23;
	v24 =	vor.u32 v0, v15;
	v15 =	vor.u32 v1, v15;
	v12 =	vld.idx.msk [tilespmem:v12+s23+$0x0], $0xffff  }
0x1f2: {  	v5 =	vmul.f32 v11, v11;
	v25 =	vor.u32 $0x2, v24;
	v21 =	vmul.f32 v4, v4;
	v6 =	vld.idx.msk [tilespmem:v6+s23+$0x0], $0xffff  }
0x1f3: {  	v26 =	vor.u32 $0x1, v24;
	v8 =	vsub.f32 v10, v8;
	v7 =	vsub.f32 v16, v7;
	v18 =	vld.idx.msk [tilespmem:v18+s23+$0x0], $0xffff  }
0x1f4: {  	v16 =	vmul.f32 v20, v20;
	v27 =	vld.idx.msk [tilespmem:v13+s23+$0x0], $0xffff;
	v13 =	vor.u32 $0x3, v15;
	v5 =	vadd.f32 v21, v5  }
0x1f5: {  	v10 =	vor.u32 $0x3, v24;
	v7 =	vmul.f32 v7, v7;
	v8 =	vmul.f32 v8, v8  }
0x1f6: {  	v21 =	vor.u32 $0x4, v15;
	v5 =	vadd.f32 v5, v16;
	v16 =	vld.idx.msk [tilespmem:v23+s23+$0x0], $0xffff;
	v23 =	vsub.f32 v9, v14  }
0x1f7: {  	v28 =	vor.u32 $0x2, v15;
	v14 =	vor.u32 $0x4, v24;
	v7 =	vadd.f32 v8, v7  }
0x1f8: {  	v8 =	vsub.f32 v19, v6;
	v19 =	vld.idx.msk [tilespmem:v15+s23+$0x0], $0xffff;
	v6 =	vor.u32 $0x1, v15;
	v15 =	vmul.f32 v23, v23  }
0x1f9: {  	v31 =	vmax.f32 v7, $9.999999960e-13;
	v12 =	vsub.f32 v18, v12;
	v18 =	vld.idx.msk [tilespmem:v13+s23+$0x0], $0xffff;
	v13 =	vsub.f32 v22, v17  }
0x1fa: {  	v30 =	vld.idx.msk [tilespmem:v10+s23+$0x0], $0xffff;
	v17 =	vshll.u32 v29, $0x3;
	v10 =	vadd.f32 v5, v2;
	v5 =	vand.u32 $0x7FFFFFFF, v11  }
0x1fb: {  	v23 =	vand.u32 $0x7FFFFFFF, v23;
	v21 =	vld.idx.msk [tilespmem:v21+s23+$0x0], $0xffff;
	v63 =	vor.u32 v0, v17;
	v7 =	vmul.f32 v8, v8  }
0x1fc: {  	v11 =	vmul.f32 v12, v12;
	v34 =	vor.u32 $0x4, v63;
	v16 =	vsub.f32 v27, v16;
	v22 =	vld.idx.msk [tilespmem:v14+s23+$0x0], $0xffff  }
0x1fd: {  	v24 =	vld.idx.msk [tilespmem:v24+s23+$0x0], $0xffff;
	v27 =	vmul.f32 v13, v13;
	v14 =	vor.u32 v1, v17;
	v7 =	vadd.f32 v7, v15  }
0x1fe: {  	v17 =	vld.idx.msk [tilespmem:v25+s23+$0x0], $0xffff;
	v33 =	vor.u32 $0x1, v14;
	v29 =	vor.u32 $0x4, v14;
	v12 =	vmul.f32 v16, v16  }
0x1ff: {  	v15 =	vld.idx.msk [tilespmem:v6+s23+$0x0], $0xffff;
	v6 =	vand.u32 $0x7FFFFFFF, v4;
	v4 =	vor.u32 $0x3, v63;
	v25 =	vsub.f32 v30, v18  }
0x200: {  	v35 =	vld.idx.msk [tilespmem:v28+s23+$0x0], $0xffff;
	v16 =	vor.u32 $0x3, v14;
	v18 =	vadd.f32 v7, v27;
	v30 =	vadd.f32 v12, v11  }
0x201: {  	v28 =	vld.idx.msk [tilespmem:v26+s23+$0x0], $0xffff;
	v7 =	vand.u32 $0x7FFFFFFF, v20;
	v12 =	vand.u32 $0x7FFFFFFF, v8;
	v8 =	vsub.f32 v22, v21  }
0x202: {  	v11 =	vld.idx.msk [tilespmem:v63+s23+$0x0], $0xffff;
	v27 =	vmul.f32 v25, v25;
	v22 =	vor.u32 $0x2, v14;
	v20 =	vmax.f32 v30, $9.999999960e-13  }
0x203: {  	v26 =	vld.idx.msk [tilespmem:v29+s23+$0x0], $0xffff;
	v25 =	vshra.s32 v20, $0x1;
	v20 =	vmul.f32 $5.000000000e-01, v20;
	v30 =	vmul.f32 v8, v8  }
0x204: {  	v9 =	vshra.s32 v31, $0x1;
	v29 =	vld.idx.msk [tilespmem:v34+s23+$0x0], $0xffff;
	v8 =	vsub.f32 v24, v19;
	v25 =	vsub.s32 $0x5F3759DF, v25  }
0x205: {  	v21 =	vld.idx.msk [tilespmem:v16+s23+$0x0], $0xffff;
	v16 =	vmul.f32 v25, v20;
	v36 =	vadd.f32 v30, v27;
	v27 =	vor.u32 $0x1, v63  }
0x206: {  	v17 =	vsub.f32 v17, v35;
	v19 =	vmul.f32 $5.000000000e-01, v31;
	v24 =	vmul.f32 v8, v8;
	v30 =	vld.idx.msk [tilespmem:v4+s23+$0x0], $0xffff  }
0x207: {  	s0 =	simm.s32 $0x0;
	v20 =	vor.u32 $0x2, v63;
	v4 =	vmovc v3;
	v32 =	vmul.f32 v25, v16;
	v31 =	vmax.f32 v36, $9.999999960e-13;
	v16 =	vld.idx.msk [tilespmem:v33+s23+$0x0], $0xffff  }
.LBB2_10:
0x208: {  	s0 =	sadd.s32 $0x4, s0;
	v13 =	vand.u32 $0x7FFFFFFF, v13;
	v15 =	vsub.f32 v28, v15;
	v22 =	vld.idx.msk [tilespmem:v22+s23+$0x0], $0xffff;
	s30 =	sadd.s32 $0x40, s30  }
0x209: {  	p2 =	slt.u32 s0, $0x7C;
	v28 =	vsub.f32 $1.500000000e+00, v32;
	v32 =	vmul.f32 v17, v17;
	v14 =	vld.idx.msk [tilespmem:v14+s23+$0x0], $0xffff  }
0x20a: {  	v9 =	vsub.s32 $0x5F3759DF, v9;
	v34 =	vmul.f32 $5.000000000e-01, v31;
	v33 =	vmul.f32 v15, v15;
	v27 =	vld.idx.msk [tilespmem:v27+s23+$0x0], $0xffff  }
0x20b: {  	v10 =	vadd.f32 v18, v10;
	v18 =	vmul.f32 v25, v28;
	v25 =	vsub.f32 v29, v26  }
0x20c: {  	v28 =	vshra.s32 v31, $0x1;
	v21 =	vsub.f32 v30, v21;
	v26 =	vadd.f32 v32, v33  }
0x20d: {  	v28 =	vsub.s32 $0x5F3759DF, v28;
	v23 =	vmul.f32 v18, v23;
	v25 =	vmul.f32 v25, v25  }
0x20e: {  	v13 =	vmul.f32 v18, v13;
	v21 =	vmul.f32 v21, v21;
	v24 =	vadd.f32 v26, v24  }
0x20f: {  	v12 =	vmul.f32 v18, v12;
	v18 =	vmul.f32 v28, v34;
	v23 =	vadd.f32 $-1.000000010e-01, v23;
	v20 =	vld.idx.msk [tilespmem:v20+s23+$0x0], $0xffff  }
0x210: {  	v19 =	vmul.f32 v9, v19;
	v11 =	vsub.f32 v11, v14;
	v13 =	vadd.f32 $-1.000000010e-01, v13  }
0x211: {  	v18 =	vmul.f32 v28, v18;
	v21 =	vadd.f32 v25, v21;
	v14 =	vmax.f32 v23, $0.0e+00  }
0x212: {  	v12 =	vadd.f32 $-1.000000010e-01, v12;
	v10 =	vadd.f32 v24, v10;
	v13 =	vmax.f32 v13, $0.0e+00  }
0x213: {  	v17 =	vand.u32 $0x7FFFFFFF, v17;
	v15 =	vand.u32 $0x7FFFFFFF, v15;
	v21 =	vmax.f32 v21, $9.999999960e-13  }
0x214: {  	v16 =	vsub.f32 v27, v16;
	v18 =	vsub.f32 $1.500000000e+00, v18;
	v23 =	vmul.f32 $5.000000000e-01, v21  }
0x215: {  	v12 =	vmax.f32 v12, $0.0e+00;
	v21 =	vshra.s32 v21, $0x1;
	v20 =	vsub.f32 v20, v22  }
0x216: {  	v8 =	vand.u32 $0x7FFFFFFF, v8;
	v18 =	vmul.f32 v28, v18;
	v21 =	vsub.s32 $0x5F3759DF, v21  }
0x217: {  	v12 =	vadd.f32 v12, v14;
	v14 =	vmul.f32 v16, v16;
	v22 =	vmul.f32 v20, v20  }
0x218: {  	v23 =	vmul.f32 v21, v23;
	v15 =	vmul.f32 v18, v15  }
0x219: {  	v12 =	vadd.f32 v12, v13;
	v13 =	vmul.f32 v18, v8;
	v17 =	vmul.f32 v18, v17  }
0x21a: {  	v8 =	vmul.f32 v9, v19;
	v18 =	vmul.f32 v21, v23;
	v15 =	vadd.f32 $-1.000000010e-01, v15  }
0x21b: {  	v19 =	vmul.f32 v11, v11;
	v14 =	vadd.f32 v22, v14  }
0x21c: {  	v8 =	vsub.f32 $1.500000000e+00, v8;
	v18 =	vsub.f32 $1.500000000e+00, v18;
	v15 =	vmax.f32 v15, $0.0e+00  }
0x21d: {  	v16 =	vand.u32 $0x7FFFFFFF, v16;
	v14 =	vadd.f32 v14, v19  }
0x21e: {  	v9 =	vmul.f32 v9, v8;
	v18 =	vmul.f32 v21, v18  }
0x21f: {  	v8 =	vadd.f32 v14, v10;
	v10 =	vand.u32 $0x7FFFFFFF, v11  }
0x220: {  	v5 =	vmul.f32 v9, v5;
	v11 =	vadd.f32 $-1.000000010e-01, v17;
	v14 =	vmul.f32 v18, v16  }
0x221: {  	v7 =	vmul.f32 v9, v7;
	v6 =	vmul.f32 v9, v6;
	v9 =	vadd.f32 $-1.000000010e-01, v13  }
0x222: {  	v5 =	vadd.f32 $-1.000000010e-01, v5;
	v11 =	vmax.f32 v11, $0.0e+00;
	v13 =	vadd.f32 $-1.000000010e-01, v14  }
0x223: {  	s25 =	sadd.s32 $0xFFFFFFD0, s30;
	v6 =	vadd.f32 $-1.000000010e-01, v6;
	v14 =	vand.u32 $0x7FFFFFFF, v20;
	v11 =	vadd.f32 v11, v15  }
0x224: {  	v7 =	vadd.f32 $-1.000000010e-01, v7;
	v15 =	vmov s25;
	v14 =	vmul.f32 v18, v14  }
0x225: {  	v5 =	vmax.f32 v5, $0.0e+00;
	v6 =	vmax.f32 v6, $0.0e+00;
	v15 =	vshll.u32 v15, $0x3  }
0x226: {  	v10 =	vmul.f32 v18, v10;
	v16 =	vor.u32 v0, v15;
	v15 =	vor.u32 v1, v15  }
0x227: {  	v7 =	vmax.f32 v7, $0.0e+00;
	v17 =	vor.u32 $0x3, v16;
	v18 =	vor.u32 $0x3, v15  }
0x228: {  	v5 =	vadd.f32 v6, v5;
	v19 =	vor.u32 $0x1, v16;
	v20 =	vor.u32 $0x4, v15  }
0x229: {  	v10 =	vadd.f32 $-1.000000010e-01, v10;
	v6 =	vor.u32 $0x2, v16;
	v21 =	vor.u32 $0x2, v15  }
0x22a: {  	v22 =	vor.u32 $0x1, v15;
	v5 =	vadd.f32 v5, v7;
	v7 =	vmax.f32 v9, $0.0e+00  }
0x22b: {  	s25 =	sadd.s32 $0xFFFFFFE0, s30;
	v7 =	vadd.f32 v11, v7;
	v11 =	vmax.f32 v13, $0.0e+00;
	v13 =	vadd.f32 $-1.000000010e-01, v14;
	v9 =	vld.idx.msk [tilespmem:v16+s23+$0x0], $0xffff  }
0x22c: {  	v4 =	vadd.f32 v5, v4;
	v14 =	vld.idx.msk [tilespmem:v15+s23+$0x0], $0xffff;
	v15 =	vor.u32 $0x4, v16;
	v16 =	vmov s25  }
0x22d: {  	v10 =	vmax.f32 v10, $0.0e+00;
	v13 =	vmax.f32 v13, $0.0e+00;
	v5 =	vld.idx.msk [tilespmem:v17+s23+$0x0], $0xffff;
	v16 =	vshll.u32 v16, $0x3  }
0x22e: {  	v4 =	vadd.f32 v12, v4;
	v17 =	vld.idx.msk [tilespmem:v19+s23+$0x0], $0xffff;
	v19 =	vor.u32 v0, v16;
	v16 =	vor.u32 v1, v16  }
0x22f: {  	v11 =	vadd.f32 v13, v11;
	v12 =	vld.idx.msk [tilespmem:v22+s23+$0x0], $0xffff;
	v22 =	vor.u32 $0x3, v19;
	v23 =	vor.u32 $0x3, v16  }
0x230: {  	v24 =	vor.u32 $0x1, v16;
	v25 =	vor.u32 $0x4, v19;
	v13 =	vld.idx.msk [tilespmem:v21+s23+$0x0], $0xffff;
	v21 =	vor.u32 $0x1, v19  }
0x231: {  	v4 =	vadd.f32 v7, v4;
	v26 =	vor.u32 $0x2, v19;
	v27 =	vor.u32 $0x2, v16;
	v15 =	vld.idx.msk [tilespmem:v15+s23+$0x0], $0xffff  }
0x232: {  	v7 =	vadd.f32 v11, v10;
	v6 =	vld.idx.msk [tilespmem:v6+s23+$0x0], $0xffff  }
0x233: {  	v10 =	vld.idx.msk [tilespmem:v16+s23+$0x0], $0xffff  }
0x234: {  	v4 =	vadd.f32 v7, v4;
	v11 =	vld.idx.msk [tilespmem:v19+s23+$0x0], $0xffff  }
0x235: {  	s25 =	sadd.s32 $0xFFFFFFF0, s30;
	v7 =	vld.idx.msk [tilespmem:v20+s23+$0x0], $0xffff  }
0x236: {  	v12 =	vsub.f32 v17, v12;
	v19 =	vmov s25;
	v17 =	vld.idx.msk [tilespmem:v24+s23+$0x0], $0xffff  }
0x237: {  	v19 =	vshll.u32 v19, $0x3;
	v18 =	vld.idx.msk [tilespmem:v18+s23+$0x0], $0xffff  }
0x238: {  	v6 =	vsub.f32 v6, v13;
	v13 =	vmul.f32 v12, v12;
	v20 =	vld.idx.msk [tilespmem:v21+s23+$0x0], $0xffff;
	v21 =	vor.u32 v0, v19  }
0x239: {  	v16 =	vor.u32 $0x4, v16;
	v19 =	vor.u32 v1, v19;
	v24 =	vld.idx.msk [tilespmem:v26+s23+$0x0], $0xffff;
	v26 =	vor.u32 $0x2, v21  }
0x23a: {  	v28 =	vsub.f32 v9, v14;
	v9 =	vmul.f32 v6, v6;
	v14 =	vld.idx.msk [tilespmem:v23+s23+$0x0], $0xffff;
	v23 =	vor.u32 $0x1, v21  }
0x23b: {  	v7 =	vsub.f32 v15, v7;
	v15 =	vld.idx.msk [tilespmem:v27+s23+$0x0], $0xffff;
	v27 =	vor.u32 $0x3, v21  }
0x23c: {  	v29 =	vmul.f32 v28, v28;
	v9 =	vadd.f32 v9, v13;
	v13 =	vor.u32 $0x4, v19;
	v25 =	vld.idx.msk [tilespmem:v25+s23+$0x0], $0xffff  }
0x23d: {  	v30 =	vor.u32 $0x3, v19;
	v5 =	vsub.f32 v5, v18;
	v18 =	vld.idx.msk [tilespmem:v22+s23+$0x0], $0xffff;
	v22 =	vor.u32 $0x2, v19  }
0x23e: {  	v32 =	vor.u32 $0x4, v21;
	v29 =	vadd.f32 v9, v29;
	v31 =	vld.idx.msk [tilespmem:v19+s23+$0x0], $0xffff;
	v19 =	vor.u32 $0x1, v19  }
0x23f: {  	v7 =	vmul.f32 v7, v7;
	v17 =	vsub.f32 v20, v17;
	v5 =	vmul.f32 v5, v5;
	v16 =	vld.idx.msk [tilespmem:v16+s23+$0x0], $0xffff  }
0x240: {  	v20 =	vld.idx.msk [tilespmem:v27+s23+$0x0], $0xffff  }
0x241: {  	v5 =	vadd.f32 v7, v5;
	v7 =	vsub.f32 v24, v15;
	v24 =	vmul.f32 v17, v17;
	v27 =	vld.idx.msk [tilespmem:v13+s23+$0x0], $0xffff  }
0x242: {  	v15 =	vmov s30;
	v33 =	vld.idx.msk [tilespmem:v21+s23+$0x0], $0xffff  }
0x243: {  	v34 =	vmax.f32 v5, $9.999999960e-13;
	v21 =	vmul.f32 v7, v7;
	v14 =	vsub.f32 v18, v14;
	v18 =	vld.idx.msk [tilespmem:v30+s23+$0x0], $0xffff  }
0x244: {  	v13 =	vsub.f32 v11, v10;
	v11 =	vshll.u32 v15, $0x3;
	v9 =	vshra.s32 v34, $0x1;
	v30 =	vld.idx.msk [tilespmem:v32+s23+$0x0], $0xffff  }
0x245: {  	v10 =	vadd.f32 v29, v8;
	v8 =	vsub.f32 v25, v16;
	v16 =	vor.u32 v0, v11;
	v15 =	vld.idx.msk [tilespmem:v19+s23+$0x0], $0xffff  }
0x246: {  	v5 =	vand.u32 $0x7FFFFFFF, v12;
	v12 =	vmul.f32 v14, v14;
	v19 =	vadd.f32 v21, v24  }
0x247: {  	v14 =	vor.u32 v1, v11;
	v21 =	vmul.f32 v13, v13;
	v8 =	vmul.f32 v8, v8  }
0x248: {  	v6 =	vand.u32 $0x7FFFFFFF, v6;
	v32 =	vor.u32 $0x3, v16;
	v24 =	vor.u32 $0x3, v14  }
0x249: {  	v36 =	vor.u32 $0x1, v14;
	v20 =	vsub.f32 v20, v18;
	v35 =	vld.idx.msk [tilespmem:v26+s23+$0x0], $0xffff;
	v26 =	vor.u32 $0x4, v14  }
0x24a: {  	v29 =	vor.u32 $0x4, v16;
	v8 =	vadd.f32 v8, v12;
	v12 =	vand.u32 $0x7FFFFFFF, v7;
	v11 =	vld.idx.msk [tilespmem:v16+s23+$0x0], $0xffff  }
0x24b: {  	v18 =	vadd.f32 v19, v21;
	v19 =	vsub.f32 v30, v27;
	v20 =	vmul.f32 v20, v20;
	v37 =	vld.idx.msk [tilespmem:v22+s23+$0x0], $0xffff  }
0x24c: {  	v7 =	vand.u32 $0x7FFFFFFF, v28;
	v8 =	vmax.f32 v8, $9.999999960e-13;
	v22 =	vor.u32 $0x2, v14;
	v28 =	vld.idx.msk [tilespmem:v23+s23+$0x0], $0xffff  }
.Ltmp4:
0x24d: {  	v27 =	vmul.f32 $5.000000000e-01, v8;
	v19 =	vmul.f32 v19, v19;
	v23 =	vshra.s32 v8, $0x1;
	v21 =	vld.idx.msk [tilespmem:v24+s23+$0x0], $0xffff;
	(pc) =	sbr.rel @p2 .LBB2_10-.Ltmp4, $4  }
0x24e: {  	v8 =	vsub.f32 v33, v31;
	v25 =	vsub.s32 $0x5F3759DF, v23;
	v23 =	vand.u32 $0x7FFFFFFF, v17;
	v26 =	vld.idx.msk [tilespmem:v26+s23+$0x0], $0xffff  }
0x24f: {  	v31 =	vadd.f32 v19, v20;
	v17 =	vmul.f32 v25, v27;
	v27 =	vor.u32 $0x1, v16;
	v29 =	vld.idx.msk [tilespmem:v29+s23+$0x0], $0xffff  }
0x250: {  	v19 =	vmul.f32 $5.000000000e-01, v34;
	v20 =	vor.u32 $0x2, v16;
	v24 =	vmul.f32 v8, v8;
	v30 =	vld.idx.msk [tilespmem:v32+s23+$0x0], $0xffff  }
0x251: {  	v31 =	vmax.f32 v31, $9.999999960e-13;
	v32 =	vmul.f32 v25, v17;
	v17 =	vsub.f32 v35, v37;
	v16 =	vld.idx.msk [tilespmem:v36+s23+$0x0], $0xffff  }
0x252: {  	_ =	sdelay $0x3  }
0x253: {  	v15 =	vsub.f32 v28, v15;
	v13 =	vand.u32 $0x7FFFFFFF, v13;
	v14 =	vld.idx.msk [tilespmem:v14+s23+$0x0], $0xffff  }
0x254: {  	v9 =	vsub.s32 $0x5F3759DF, v9;
	v10 =	vadd.f32 v18, v10;
	v40 =	vmul.f32 $5.000000000e-01, v31;
	v27 =	vld.idx.msk [tilespmem:v27+s23+$0x0], $0xffff  }
0x255: {  	v42 =	vshra.s32 v31, $0x1;
	v22 =	vld.idx.msk [tilespmem:v22+s23+$0x0], $0xffff;
	v8 =	vand.u32 $0x7FFFFFFF, v8;
	v37 =	vsub.f32 $1.500000000e+00, v32  }
0x256: {  	v20 =	vld.idx.msk [tilespmem:v20+s23+$0x0], $0xffff;
	v38 =	vmul.f32 v17, v17;
	v19 =	vmul.f32 v9, v19;
	v45 =	vand.u32 $0x7FFFFFFF, v17  }
0x257: {  	v33 =	vmul.f32 v15, v15;
	v26 =	vsub.f32 v29, v26;
	v29 =	vsub.s32 $0x5F3759DF, v42  }
0x258: {  	v39 =	vmul.f32 v25, v37;
	v21 =	vsub.f32 v30, v21;
	v43 =	vmul.f32 v29, v40  }
0x259: {  	v19 =	vmul.f32 v9, v19;
	v41 =	vadd.f32 v38, v33;
	v26 =	vmul.f32 v26, v26  }
0x25a: {  	v23 =	vmul.f32 v39, v23;
	v13 =	vmul.f32 v39, v13;
	v11 =	vsub.f32 v11, v14  }
0x25b: {  	v21 =	vmul.f32 v21, v21;
	v16 =	vsub.f32 v27, v16;
	v20 =	vsub.f32 v20, v22  }
0x25c: {  	v12 =	vmul.f32 v39, v12;
	v19 =	vsub.f32 $1.500000000e+00, v19;
	v24 =	vadd.f32 v41, v24  }
0x25d: {  	v18 =	vmul.f32 v29, v43;
	v23 =	vadd.f32 $-1.000000010e-01, v23;
	v13 =	vadd.f32 $-1.000000010e-01, v13  }
0x25e: {  	v15 =	vand.u32 $0x7FFFFFFF, v15;
	v21 =	vadd.f32 v26, v21;
	v12 =	vadd.f32 $-1.000000010e-01, v12  }
0x25f: {  	v18 =	vsub.f32 $1.500000000e+00, v18;
	v48 =	vmul.f32 v16, v16;
	v49 =	vmul.f32 v20, v20  }
0x260: {  	v9 =	vmul.f32 v9, v19;
	v16 =	vand.u32 $0x7FFFFFFF, v16;
	v52 =	vand.u32 $0x7FFFFFFF, v11  }
0x261: {  	v53 =	vand.u32 $0x7FFFFFFF, v20;
	v44 =	vmax.f32 v23, $0.0e+00;
	v21 =	vmax.f32 v21, $9.999999960e-13  }
0x262: {  	v13 =	vmax.f32 v13, $0.0e+00;
	v46 =	vmul.f32 $5.000000000e-01, v21;
	v21 =	vshra.s32 v21, $0x1  }
0x263: {  	v12 =	vmax.f32 v12, $0.0e+00;
	v18 =	vmul.f32 v29, v18;
	v21 =	vsub.s32 $0x5F3759DF, v21  }
0x264: {  	v51 =	vadd.f32 v49, v48;
	v5 =	vmul.f32 v9, v5;
	v47 =	vmul.f32 v21, v46  }
0x265: {  	v6 =	vmul.f32 v9, v6;
	v7 =	vmul.f32 v9, v7;
	v12 =	vadd.f32 v12, v44  }
0x266: {  	v15 =	vmul.f32 v18, v15;
	v5 =	vadd.f32 $-1.000000010e-01, v5;
	v14 =	vmul.f32 v21, v47  }
0x267: {  	v50 =	vmul.f32 v18, v45;
	v6 =	vadd.f32 $-1.000000010e-01, v6;
	v7 =	vadd.f32 $-1.000000010e-01, v7  }
0x268: {  	v8 =	vmul.f32 v18, v8;
	v12 =	vadd.f32 v12, v13;
	v14 =	vsub.f32 $1.500000000e+00, v14  }
0x269: {  	v15 =	vadd.f32 $-1.000000010e-01, v15;
	v13 =	vadd.f32 $-1.000000010e-01, v50;
	v5 =	vmax.f32 v5, $0.0e+00  }
0x26a: {  	v6 =	vmax.f32 v6, $0.0e+00;
	v8 =	vadd.f32 $-1.000000010e-01, v8;
	v14 =	vmul.f32 v21, v14  }
0x26b: {  	v7 =	vmax.f32 v7, $0.0e+00;
	v5 =	vadd.f32 v6, v5;
	v15 =	vmax.f32 v15, $0.0e+00  }
0x26c: {  	v54 =	vmax.f32 v13, $0.0e+00;
	v16 =	vmul.f32 v14, v16;
	v55 =	vmul.f32 v14, v53  }
0x26d: {  	v8 =	vmax.f32 v8, $0.0e+00;
	v5 =	vadd.f32 v5, v7;
	v6 =	vadd.f32 v54, v15  }
0x26e: {  	v9 =	vmul.f32 v14, v52;
	v16 =	vadd.f32 $-1.000000010e-01, v16;
	v57 =	vadd.f32 $-1.000000010e-01, v55  }
0x26f: {  	v56 =	vmul.f32 v11, v11;
	v4 =	vadd.f32 v5, v4;
	v58 =	vadd.f32 v6, v8  }
0x270: {  	v9 =	vadd.f32 $-1.000000010e-01, v9;
	v59 =	vmax.f32 v16, $0.0e+00;
	v60 =	vmax.f32 v57, $0.0e+00  }
0x271: {  	v4 =	vadd.f32 v12, v4;
	v6 =	vadd.f32 v60, v59  }
0x272: {  	v61 =	vadd.f32 v24, v10;
	v7 =	vadd.f32 v51, v56;
	v9 =	vmax.f32 v9, $0.0e+00  }
0x273: {  	v4 =	vadd.f32 v58, v4;
	v62 =	vadd.f32 v6, v9  }
0x274: {  	v63 =	vadd.f32 v7, v61  }
0x275: {  	v4 =	vadd.f32 v62, v4  }
0x276: {  	v2 =	vpsel p1, v63, v2  }
0x277: {  	[tilespmem:$0x12000] =	vst v2;
	v3 =	vpsel p1, v4, v3  }
0x278: {  	s0 =	simm.s32 $0x12000;
	[tilespmem:$0x12010] =	vst v3  }
0x279: {  	[hbm4b:s10+s2] =	stream.linear.scatter [tilespmem:s0], [sflag:$0x5], $0x10, $0x38;
	[tilespmem:$0x1E370] =	vst v63  }
0x27a: {  	s29 =	sadd.s32 $0x1, s29;
	_ =	swait.ge [sflag:s26], $0x10  }
0x27b: {  	p2 =	sne.s32 s29, s12;
	[sflag:s26] =	ssyncset.done $0x0  }
.Ltmp5:
0x27c: {  	s31 =	simm.s32 $0x12010;
	[sflag:s26] =	ssyncadd.s32 $0xFFFFFFF0;
	(pc) =	sbr.rel @p2 .LBB2_1-.Ltmp5, $4  }
0x27d: {  	[hbm4b:s11+s2] =	stream.linear.scatter [tilespmem:s31], [sflag:$0x5], $0x10, $0x38;
	[tilespmem:$0x1E370] =	vst v63  }
0x27e: {  	_ =	swait.ge [sflag:s26], $0x10  }
0x27f: {  	[sflag:s26] =	ssyncset.done $0x0  }
0x280: {  	[sflag:s26] =	ssyncadd.s32 $0xFFFFFFF0  }
0x281: {  	_ =	sfence.sel $0x180000  }
0x282: {  	[bflag:$0x0] =	sbarrier.arrive $0xFFFF  }
0x283: {  	_ =	strace $0x9000004A  }
0x284: {  	[bflag:$0x2] =	sbarrier.arrive $0xFFFF  }
0x285: {  	s0 =	rddreg [dreg:$0x2]  }
0x286: {  	s0 =	sadd.s32 @!p0 $0x100000, s0  }
0x287: {  	[sflag:s0] =	ssyncadd.tile.s32 @!p0 $0x1;
	_ =	shalt  }
.Lfunc_end2:
_tile_overlayer_lowered:
.L_overlay_start_2:
0x288: {  	(tag) =	ssettag $0x2  }
0x289: {  	s0 =	rddreg [dreg:$0x0];
	s2 =	stileid.u32  }
0x28a: {  	s1 =	rddreg [dreg:$0x1];
	p0 =	sne.s32 s2, $0x0  }
0x28b: {  	s3 =	rddreg [dreg:$0x2];
	[bflag:$0x3] =	sbarrier.arrive $0xFFFF;
	s2 =	simm.s32 @!p0 $0x1C05  }
0x28c: {  	[timem:s3], [sflag:s2] =	dma.local @!p0 [hbm:s0], s1  }
0x28d: {  	s0 =	simm.s32 @!p0 $0x5  }
0x28e: {  	_ =	swait.ge @!p0 [sflag:s0], s1  }
0x28f: {  	s1 =	ssub.s32 @!p0 $0x0, s1;
	[sflag:s0] =	ssyncset.done @!p0 $0x0  }
0x290: {  	[sflag:s0] =	ssyncadd.s32 @!p0 s1  }
0x291: {  	[bflag:$0x3] =	sbarrier.arrive $0xFFFF  }
0x292: {  	_ =	shalt  }

// kernel: sparse-core-data-format-call.cloned.1.call-start
scs
called_computation_lowered:
.L_overlay_start_0:
0x0: {  	s2 =	sld [smem:$0x3FD9]  }
0x1: {  	s3 =	sld [smem:$0x3FFE];
	_ =	sdelay $0x1  }
0x2: {  	s1 =	srdreg.scid  }
0x3: {  	s0 =	sand.u32 $0x1, s1  }
0x4: {  	s18 =	sshll.u32 s0, $0xA;
	s2 =	sadd.s32 s3, s2  }
0x5: {  	s2 =	sadd.s32 s2, s18  }
0x6: {  	[smem:$0x3FC4] =	sst s2  }
0x7: {  	_ = 	snop  }
0x8: {  	s2 =	sld [smem:$0x3FC7];
	(tm) =	ssettm $0x1  }
0x9: {  	s19 =	sld [smem:$0x3FFB];
	_ =	sdelay $0x3  }
0xa: {  	_ =	strace s19  }
0xb: {  	s3 =	sld [smem:$0x3FFC];
	_ =	sdelay $0x3  }
0xc: {  	_ =	strace s3  }
0xd: {  	s3 =	sld [smem:$0x3FFD];
	_ =	sdelay $0x3  }
0xe: {  	_ =	strace s3  }
0xf: {  	_ =	strace $0x8FFFFFFF  }
0x10: {  	s20 =	sld [smem:$0x3FDB];
	_ =	sdelay $0x1  }
0x11: {  	s4 =	simm.s32 $_scs_section_size  }
0x12: {  	s5 =	simm.s32 $_size__tile_overlayer_lowered;
	s6 =	simm.s32 $_tile_overlayer_lowered  }
0x13: {  	s23 =	simm.s32 $0x1BFF;
	s22 =	sshll.u32 s6, $0x1;
	s3 =	sadd.s32 s4, s20  }
0x14: {  	s7 =	simm.s32 $0x0;
	s21 =	sshll.u32 s5, $0x1;
	s5 =	sadd.s32 s22, s3  }
0x15: {  	[timem:s7], [sflag:s23] =	dma.local [hbm:s5], s21  }
0x16: {  	_ =	swait.ge [sflag:s23], s21  }
0x17: {  	s4 =	ssub.s32 $0x0, s21;
	[sflag:s23] =	ssyncset.done $0x0  }
0x18: {  	[sflag:s23] =	ssyncadd.s32 s4;
	_ =	sdelay $0x1  }
0x19: {  	s24 =	simm.s32 $0x1B8B  }
0x1a: {  	_ =	swait.ge [sflag:s24], $0x1  }
0x1b: {  	[sflag:s24] =	ssyncset.done $0x0  }
0x1c: {  	s26 =	simm.s32 $0x1B8E;
	s25 =	sld [smem:$0x3FFE];
	[sflag:s24] =	ssyncadd.s32 $0xFFFFFFFF  }
0x1d: {  	s27 =	simm.s32 $execute0_lowered;
	[smem:$0x3FD2] =	sst s26  }
0x1e: {  	s5 =	sshll.u32 s27, $0x1;
	_ =	strace $0x80000046;
	[dreg:$0x1] =	wrdreg $0xFFFFFFFF  }
0x1f: {  	s28 =	simm.s32 $_size_execute0_lowered;
	s3 =	sadd.s32 s3, s5;
	[dreg:$0x0] =	wrdreg $0x0  }
0x20: {  	s5 =	sshll.u32 s28, $0x1;
	[dreg:$0x2] =	wrdreg s3  }
0x21: {  	[dreg:$0x3] =	wrdreg s5  }
0x22: {  	[dreg:$0x4] =	wrdreg $0xC0  }
0x23: {  	_ =	task [dreg:s7], $0x5FFFF  }
0x24: {  	[dreg:$0x1] =	wrdreg $0xFFFFFFFF  }
0x25: {  	[dreg:$0x0] =	wrdreg $0x60  }
0x26: {  	[dreg:$0x2] =	wrdreg s2  }
0x27: {  	[dreg:$0x3] =	wrdreg s25  }
0x28: {  	[dreg:$0x4] =	wrdreg $0x9  }
0x29: {  	_ =	task.clear_ibuf [dreg:s7], $0x5FFFF;
	_ =	strace $0x90000046  }
0x2a: {  	s29 =	simm.s32 $0x9;
	_ =	strace $0x80000048  }
0x2b: {  	_ =	swait.ge [sflag:s29], $0x1  }
0x2c: {  	[sflag:s29] =	ssyncadd.s32 $0xFFFFFFFF  }
0x2d: {  	_ =	strace $0x90000048  }
0x2e: {  	_ =	sfence  }
0x2f: {  	s30 =	sld [smem:$0x0];
	_ =	sdelay $0x2  }
0x30: {  	s31 =	sshll.u32 s1, $0xD;
	s1 =	sshrl.u32 s1, $0x2  }
0x31: {  	s3 =	sand.u32 $0x4000, s31;
	s1 =	sadd.s32 s1, s30  }
0x32: {  	s0 =	sor.u32 s3, s0;
	s1 =	sshll.u32 s1, $0x11  }
0x33: {  	s0 =	sor.u32 s1, s0  }
0x34: {  	s0 =	sadd.s32 $0x8F2B, s0  }
0x35: {  	[sflag:s0] =	ssyncadd.remote.s32 $0x1  }
0x36: {  	_ =	sfence.sel $0xFFFF  }
0x37: {  	[dreg:$0x0] =	wrdreg $0xFFFFFFFF;
	(pc) =	sbr.abs _section_cstart, $3  }
0x38: {  	[dreg:$0x1] =	wrdreg $0xFFFFFFFF  }
0x39: {  	_ =	task.clear_ibuf [dreg:s7], $0x2FFFF;
	_ =	strace $0x9FFFFFFF  }
0x3a: {  	(tm) =	ssettm $0x7FFFFFFF  }
0x3b: {  	_ =	shalt  }
tec
execute0_lowered:
.L_overlay_start_1:
0x0: {  	(tag) =	ssettag $0x1  }
0x1: {  	s0 =	stileid.u32;
	s7 =	rddreg [dreg:$0x0]  }
0x2: {  	s1 =	srdreg.scid;
	s4 =	rddreg [dreg:$0x1]  }
0x3: {  	s30 =	simm.s32 $0x2;
	s10 =	simm.s32 $0x0;
	s14 =	simm.s32 $0x0  }
0x4: {  	s15 =	simm.s32 $0x0;
	s11 =	simm.s32 $0x0;
	s13 =	simm.s32 $0x0  }
0x5: {  	s2 =	sand.u32 $0x1, s1;
	s3 =	sshll.u32 s0, $0x7;
	s1 =	rddreg [dreg:$0x2]  }
0x6: {  	_ =	strace $0x80000047;
	s5 =	ssub.s32 $0xC300, s3;
	s6 =	ssub.s32 $0x2, s2  }
.Ltmp0:
0x7: {  	s5 =	sshrl.u32 s5, $0xB;
	s8 =	sshrl.u32 s6, $0x1;
	(pc) =	sbr.rel .LBB1_1-.Ltmp0, $4  }
0x8: {  	s4 =	sadd.s32 $0x1400, s4;
	s9 =	sadd.s32 $0x1, s5;
	s6 =	ssub.s32 s6, s8  }
0x9: {  	s31 =	sshll.u32 s2, $0x4;
	s5 =	simm.s32 $0x1;
	s6 =	smul.u32 s9, s6  }
0xa: {  	s12 =	smov.u32 s3;
	s7 =	sadd.s32 s7, s31;
	[sflag:s5] =	ssyncpa.u1 $0x0  }
0xb: {  	s9 =	simm.s32 $0x0;
	[sflag:s30] =	ssyncpa.u1 $0x0;
	s8 =	sadd.s32 $0x1, s6  }
.LBB1_4:
0xc: {  	s21 =	simm.s32 $0x0  }
.LBB1_8:
0xd: {  	_ =	sdelay $0x3  }
0xe: {  	v6 =	vld [tilespmem:s18+$0xFFFFFFC0];
	[tilespmem:v0+s20+$0x30 ss:$0x1] =	vst.idx.msk @p0 $0xffff, v2  }
0xf: {  	v58 =	vld [tilespmem:s18+$0xFFFFFFD0];
	[tilespmem:v0+s20+$0x40 ss:$0x1] =	vst.idx.msk @p0 $0xffff, v3;
	s21 =	sadd.s32 @p0 $0x80, s21  }
0x10: {  	v59 =	vld [tilespmem:s18+$0xFFFFFFE0];
	[tilespmem:v0+s20+$0x50 ss:$0x1] =	vst.idx.msk @p0 $0xffff, v5;
	s19 =	smov.u32 @p0 s21  }
0x11: {  	v60 =	vld [tilespmem:s18+$0xFFFFFFF0];
	[tilespmem:v0+s20+$0x60 ss:$0x1] =	vst.idx.msk @p0 $0xffff, v4;
	s19 =	sand.u32 $0x3F80, s19  }
0x12: {  	v61 =	vld [tilespmem:s18+$0x0];
	[tilespmem:v0+s19+$0x70 ss:$0x1] =	vst.idx.msk $0xffff, v1  }
0x13: {  	v62 =	vld [tilespmem:s18+$0x10];
	[tilespmem:v0+s19+$0x0 ss:$0x1] =	vst.idx.msk $0xffff, v6  }
0x14: {  	v63 =	vld [tilespmem:s18+$0x20];
	[tilespmem:v0+s19+$0x10 ss:$0x1] =	vst.idx.msk $0xffff, v58  }
0x15: {  	[tilespmem:v0+s19+$0x20 ss:$0x1] =	vst.idx.msk $0xffff, v59  }
0x16: {  	[tilespmem:v0+s19+$0x30 ss:$0x1] =	vst.idx.msk $0xffff, v60  }
0x17: {  	[tilespmem:v0+s19+$0x40 ss:$0x1] =	vst.idx.msk $0xffff, v61  }
0x18: {  	[tilespmem:v0+s19+$0x50 ss:$0x1] =	vst.idx.msk $0xffff, v62  }
0x19: {  	[tilespmem:v0+s19+$0x60 ss:$0x1] =	vst.idx.msk $0xffff, v63  }
.LBB1_9:
0x1a: {  	s18 =	sand.u32 $0x1FFFFFF, s11  }
0x1b: {  	s19 =	smulhi.u32 $0x14F8B59, s18;
	_ =	sdelay $0x1  }
0x1c: {  	s19 =	sshrl.u32 s19, $0x8  }
0x1d: {  	s19 =	smul.u32 $0xC350, s19  }
0x1e: {  	s15 =	smul.u32 $0xC3500, s15  }
0x1f: {  	s18 =	ssub.s32 s18, s19  }
0x20: {  	s15 =	sadd.s32 s4, s15;
	s18 =	sshll.u32 s18, $0x4  }
0x21: {  	s15 =	sadd.s32 s18, s15  }
0x22: {  	[hbm4b:s15+s9] =	stream.linear.scatter [tilespmem:s17], [sflag:$0x2], s16, $0x38;
	[tilespmem:$0x10000] =	vst v63  }
.LBB1_10:
0x23: {  	p0 =	slt.u32 s13, $0x2  }
0x24: {  	p1 =	sgt.s32 @!p0 s14, $0xC2D0  }
0x25: {  	s15 =	smov.u32 s14;
	s16 =	sshra.s32 @!p0 s14, $0x1F;
	p1 =	por !p1, p0  }
0x26: {  	s14 =	sand.u32 @!p0 s16, s14;
	s15 =	simm.s32 @p1 $0xC2D0  }
0x27: {  	s14 =	ssub.s32 @!p0 s15, s14  }
0x28: {  	s14 =	sadd.s32 @!p0 $0xFFFF3D30, s14  }
0x29: {  	s15 =	sshll.u32 @!p0 s14, $0x7  }
0x2a: {  	p1 =	sgt.s32 @!p0 s14, $0x7F;
	s14 =	ssub.s32 @!p0 $0x4000, s15  }
0x2b: {  	s16 =	sadd.s32 $0x800, s12;
	p1 =	por !p1, p0;
	s14 =	sand.u32 @!p0 $0x3FFFFF80, s14  }
0x2c: {  	s14 =	simm.s32 @!p1 $0x0;
	p1 =	sgt.s32 s16, $0xC34F  }
0x2d: {  	s16 =	smov.u32 @p1 s3;
	p1 =	sne.s32 s13, s8  }
.Ltmp1:
0x2e: {  	_ = 	snop;
	(pc) =	sbr.rel @!p1 .LBB1_11-.Ltmp1, $4  }
0x2f: {  	s10 =	sadd.s32 $0x4000, s10;
	s15 =	simm.s32 @!p0 $0x2  }
0x30: {  	_ =	swait.ge @!p0 [sflag:s15], s14;
	s17 =	ssub.s32 @!p0 $0x0, s14;
	s14 =	smov.u32 s11  }
0x31: {  	s13 =	sadd.s32 $0x1, s13;
	s11 =	smov.u32 s12;
	[sflag:s15] =	ssyncset.done @!p0 $0x0  }
0x32: {  	s12 =	smov.u32 s16;
	[sflag:s15] =	ssyncadd.s32 @!p0 s17;
	s15 =	smov.u32 s2  }
.LBB1_1:
0x33: {  	p0 =	sge.u32 s13, s6  }
0x34: {  	p1 =	sgt.s32 @!p0 s12, $0xC2D0  }
0x35: {  	s16 =	smov.u32 s12;
	s17 =	sshra.s32 @!p0 s12, $0x1F;
	p1 =	por !p1, p0  }
0x36: {  	s17 =	sand.u32 @!p0 s17, s12;
	s16 =	simm.s32 @p1 $0xC2D0  }
0x37: {  	s16 =	ssub.s32 @!p0 s16, s17  }
0x38: {  	s31 =	sadd.s32 $0xFFFFFFFF, s13;
	s18 =	sxor.u32 @!p0 $0xFFFFFFFF, s13;
	s16 =	sadd.s32 @!p0 $0xFFFF3D30, s16  }
0x39: {  	s19 =	simm.s32 @!p0 $0x80;
	s20 =	simm.s32 @!p0 $0x100;
	s17 =	sshll.u32 @!p0 s16, $0x7  }
0x3a: {  	p1 =	sgt.s32 @!p0 s16, $0x7F;
	s16 =	ssub.s32 @!p0 $0x4000, s17;
	s17 =	sshll.u32 @!p0 s18, $0xE  }
0x3b: {  	p1 =	por !p1, p0;
	s18 =	sshll.u32 @!p0 s12, $0x5;
	s16 =	sand.u32 @!p0 $0x3FFFFF80, s16  }
0x3c: {  	s17 =	sand.u32 @!p0 $0x4000, s17;
	s18 =	sadd.s32 @!p0 s18, s7;
	s16 =	simm.s32 @!p1 $0x0  }
0x3d: {  	[tilespmem:s17], [sflag:$0x1] =	stream.strided.gather @!p0 [hbm4b:s18+s19], s16, s20, s19, $0x38;
	[tilespmem:$0x10000] =	vst v63  }
0x3e: {  	p0 =	sge.u32 s31, s6  }
.Ltmp2:
0x3f: {  	_ = 	snop;
	(pc) =	sbr.rel @p0 .LBB1_10-.Ltmp2, $1  }
0x40: {  	_ =	sdelay $0x3  }
0x41: {  	p0 =	sgt.s32 s11, $0xC2D0;
	s16 =	smov.u32 s11;
	s17 =	sshra.s32 s11, $0x1F  }
0x42: {  	s16 =	simm.s32 @!p0 $0xC2D0;
	s17 =	sand.u32 s17, s11  }
0x43: {  	s16 =	ssub.s32 s16, s17  }
0x44: {  	s16 =	sadd.s32 $0xFFFF3D30, s16  }
0x45: {  	s30 =	sshll.u32 s16, $0x7  }
0x46: {  	s17 =	ssub.s32 $0x4000, s30  }
0x47: {  	p0 =	sgt.s32 s16, $0x7F;
	s16 =	sand.u32 $0x3FFFFF80, s17;
	s17 =	sadd.s32 $0x80, s11  }
0x48: {  	s16 =	simm.s32 @p0 $0x0;
	p0 =	slt.s32 s17, $0xC350  }
0x49: {  	s17 =	simm.s32 @!p0 $0xC350  }
0x4a: {  	s20 =	ssub.s32 s17, s11  }
0x4b: {  	p0 =	slt.s32 s20, $0x1  }
.Ltmp3:
0x4c: {  	_ = 	snop;
	(pc) =	sbr.rel @p0 .LBB1_9-.Ltmp3, $4  }
0x4d: {  	_ = 	snop  }
0x4e: {  	s19 =	sshll.u32 s13, $0xE;
	_ =	swait.ge [sflag:s5], s16  }
0x4f: {  	s31 =	sand.u32 $0x4000, s19;
	s18 =	ssub.s32 $0x0, s16;
	[sflag:s5] =	ssyncset.done $0x0  }
0x50: {  	s17 =	sor.u32 $0x8000, s31;
	[sflag:s5] =	ssyncadd.s32 s18  }
0x51: {  	p1 =	sne.s32 s20, $0x1  }
.Ltmp4:
0x52: {  	v0 =	vmov s17;
	(pc) =	sbr.rel @!p1 .LBB1_4-.Ltmp4, $4  }
0x53: {  	_ = 	snop  }
0x54: {  	s18 =	sand.u32 $0x4000, s10  }
0x55: {  	s18 =	sor.u32 $0x40, s18  }
0x56: {  	s19 =	simm.s32 $0x0;
	s21 =	sadd.s32 $0xFFFFFFFF, s20;
	p0 =	por $0x0, $0x0;
	v1 =	vld [tilespmem:s18+$0x30]  }
0x57: {  	v4 =	vld [tilespmem:s18+$0xFFFFFFC0]  }
0x58: {  	v6 =	vld [tilespmem:s18+$0xFFFFFFD0]  }
0x59: {  	v7 =	vld [tilespmem:s18+$0xFFFFFFE0];
	p1 =	sne.s32 s21, $0x1  }
.Ltmp5:
0x5a: {  	v2 =	vld [tilespmem:s18+$0xFFFFFFF0];
	s20 =	sand.u32 $0x3F80, s19;
	(pc) =	sbr.rel @!p1 .LBB1_6-.Ltmp5, $4  }
0x5b: {  	v3 =	vld [tilespmem:s18+$0x0];
	[tilespmem:v0+s20+$0x70 ss:$0x1] =	vst.idx.msk $0xffff, v1  }
0x5c: {  	v5 =	vld [tilespmem:s18+$0x10];
	[tilespmem:v0+s20+$0x0 ss:$0x1] =	vst.idx.msk $0xffff, v4  }
0x5d: {  	v4 =	vld [tilespmem:s18+$0x20];
	[tilespmem:v0+s20+$0x10 ss:$0x1] =	vst.idx.msk $0xffff, v6;
	s18 =	sadd.s32 $0x80, s18  }
0x5e: {  	s22 =	sadd.s32 $0xFFFFFFFF, s21;
	p0 =	por $0x1, $0x1;
	s21 =	simm.s32 $0x0;
	[tilespmem:v0+s20+$0x20 ss:$0x1] =	vst.idx.msk $0xffff, v7;
	v1 =	vld [tilespmem:s18+$0x30]  }
.LBB1_7:
0x5f: {  	p1 =	sne.s32 s22, $0x1;
	v6 =	vld [tilespmem:s18+$0xFFFFFFC0];
	[tilespmem:v0+s20+$0x30 ss:$0x1] =	vst.idx.msk $0xffff, v2  }
0x60: {  	v7 =	vld [tilespmem:s18+$0xFFFFFFD0];
	[tilespmem:v0+s20+$0x40 ss:$0x1] =	vst.idx.msk $0xffff, v3  }
0x61: {  	s21 =	sadd.s32 $0x80, s21;
	v8 =	vld [tilespmem:s18+$0xFFFFFFE0];
	[tilespmem:v0+s20+$0x50 ss:$0x1] =	vst.idx.msk $0xffff, v5  }
.Ltmp6:
0x62: {  	v2 =	vld [tilespmem:s18+$0xFFFFFFF0];
	[tilespmem:v0+s20+$0x60 ss:$0x1] =	vst.idx.msk $0xffff, v4;
	s20 =	sand.u32 $0x3F80, s21;
	(pc) =	sbr.rel @p1 .LBB1_7-.Ltmp6, $4  }
0x63: {  	v3 =	vld [tilespmem:s18+$0x0];
	[tilespmem:v0+s20+$0x70 ss:$0x1] =	vst.idx.msk $0xffff, v1  }
0x64: {  	[tilespmem:v0+s20+$0x0 ss:$0x1] =	vst.idx.msk $0xffff, v6;
	v5 =	vld [tilespmem:s18+$0x10]  }
0x65: {  	[tilespmem:v0+s20+$0x10 ss:$0x1] =	vst.idx.msk $0xffff, v7;
	v4 =	vld [tilespmem:s18+$0x20];
	s18 =	sadd.s32 $0x80, s18  }
0x66: {  	s22 =	sadd.s32 $0xFFFFFFFF, s22;
	v1 =	vld [tilespmem:s18+$0x30];
	[tilespmem:v0+s20+$0x20 ss:$0x1] =	vst.idx.msk $0xffff, v8  }
.Ltmp7:
0x67: {  	_ = 	snop;
	(pc) =	sbr.rel .LBB1_8-.Ltmp7, $1  }
0x68: {  	_ =	sdelay $0x3  }
.LBB1_6:
.Ltmp8:
0x69: {  	(pc) =	sbr.rel .LBB1_8-.Ltmp8, $2  }
0x6a: {  	_ =	sdelay $0x2  }
0x6b: {  	s21 =	simm.s32 $0x0  }
.LBB1_11:
0x6c: {  	_ =	sfence.sel $0x180000  }
0x6d: {  	s2 =	simm.s32 $0x1;
	[bflag:$0x0] =	sbarrier.arrive $0xFFFF  }
0x6e: {  	s31 =	simm.s32 $0x2;
	[sflag:s2] =	ssyncpa.u1 $0x1  }
0x6f: {  	[sflag:s31] =	ssyncpa.u1 $0x1  }
0x70: {  	p0 =	sne.s32 s0, $0x0;
	_ =	strace $0x90000047  }
0x71: {  	s0 =	sadd.s32 @!p0 $0x100000, s1;
	[bflag:$0x2] =	sbarrier.arrive $0xFFFF  }
0x72: {  	[sflag:s0] =	ssyncadd.tile.s32 @!p0 $0x1;
	_ =	shalt  }
.Lfunc_end1:
_tile_overlayer_lowered:
.L_overlay_start_2:
0x73: {  	(tag) =	ssettag $0x2  }
0x74: {  	s0 =	rddreg [dreg:$0x0];
	s2 =	stileid.u32  }
0x75: {  	s1 =	rddreg [dreg:$0x1];
	p0 =	sne.s32 s2, $0x0  }
0x76: {  	s3 =	rddreg [dreg:$0x2];
	[bflag:$0x3] =	sbarrier.arrive $0xFFFF;
	s2 =	simm.s32 @!p0 $0x1C01  }
0x77: {  	[timem:s3], [sflag:s2] =	dma.local @!p0 [hbm:s0], s1  }
0x78: {  	s0 =	simm.s32 @!p0 $0x1  }
0x79: {  	_ =	swait.ge @!p0 [sflag:s0], s1  }
0x7a: {  	s1 =	ssub.s32 @!p0 $0x0, s1;
	[sflag:s0] =	ssyncset.done @!p0 $0x0  }
0x7b: {  	[sflag:s0] =	ssyncadd.s32 @!p0 s1  }
0x7c: {  	[bflag:$0x3] =	sbarrier.arrive $0xFFFF  }
0x7d: {  	_ =	shalt  }

</sc_bundles>
